<compile_context>
chip_gen: v7x
topology: tpu7x:2x2x1
jax: 0.10.2.dev20260603
libtpu: 0.0.44.dev20260713+nightly
codegen_flags: <defaults>
</compile_context>

<pallas_src>
import jax
import jax.numpy as jnp
from jax import lax
from jax.experimental import pallas as pl
from jax.experimental.pallas import tpu as pltpu
from jax.experimental.pallas import tpu_sc as plsc

_EXPERTS = 16
_THRESH = 1.0
_LEAK = 0.9
_DT = 0.1
_RC = 10

_MM_BM = 512
_SC_CHUNK = 1024
_UNROLL = 8
_SM_BM = 512


def _matmul_body(x_ref, wt_ref, out_ref):
    out_ref[...] = lax.dot_general(
        x_ref[...], wt_ref[...], (((1,), (1,)), ((), ())),
        preferred_element_type=jnp.float32) * _DT


def _matmul(x, wt):
    n, h = x.shape
    e = wt.shape[0]
    return pl.pallas_call(
        _matmul_body,
        grid=(n // _MM_BM,),
        in_specs=[
            pl.BlockSpec((_MM_BM, h), lambda i: (i, 0)),
            pl.BlockSpec((e, h), lambda i: (0, 0)),
        ],
        out_specs=pl.BlockSpec((_MM_BM, e), lambda i: (i, 0)),
        out_shape=jax.ShapeDtypeStruct((n, e), jnp.float32),
    )(x, wt)


def _rot(v, k, rot_idx):
    return v.at[rot_idx[k]].get(mode="promise_in_bounds")


def _scan_body(cdt_hbm, rout_hbm, cur_a, cur_b, out_v, stage, memsl, rout_v,
               sem_a, sem_b):
    core = lax.axis_index("c")
    sub = lax.axis_index("s")
    n = cdt_hbm.shape[0] // _EXPERTS
    nch = n // _SC_CHUNK
    cw = _SC_CHUNK * _EXPERTS
    wid = core * 16 + sub

    @pl.when(wid == 0)
    def _():
        bufs = (cur_a, cur_b)
        sems = (sem_a, sem_b)
        cps = [None] * nch
        for c in range(min(2, nch)):
            cps[c] = pltpu.async_copy(
                cdt_hbm.at[pl.ds(c * cw, cw)], bufs[c].at[pl.ds(0, cw)],
                sems[c])

        mp = jnp.zeros((_EXPERTS,), jnp.float32)
        rc = jnp.zeros((_EXPERTS,), jnp.int32)
        for c in range(nch):
            buf = bufs[c % 2]
            cps[c].wait()
            base = c * _SC_CHUNK
            cg = jnp.where(rc <= 1, buf[pl.ds(0, _EXPERTS)], 0.0)

            def body(i, carry, buf=buf, base=base):
                mp, rc, cg = carry
                for j in range(_UNROLL):
                    t = i * _UNROLL + j
                    spike = mp > _THRESH
                    mp = jnp.where(spike, 0.0, mp * _LEAK + cg)
                    out_v[pl.ds((base + t) * _EXPERTS, _EXPERTS)] = mp
                    rc = jnp.where(spike, _RC, rc - 1)
                    cg = jnp.where(rc <= 1,
                                   buf[pl.ds((t + 1) * _EXPERTS, _EXPERTS)],
                                   0.0)
                return (mp, rc, cg)

            mp, rc, cg = lax.fori_loop(0, _SC_CHUNK // _UNROLL, body,
                                       (mp, rc, cg))
            if c + 2 < nch:
                cps[c + 2] = pltpu.async_copy(
                    cdt_hbm.at[pl.ds((c + 2) * cw, cw)],
                    buf.at[pl.ds(0, cw)], sems[c % 2])

        pltpu.sync_copy(out_v, stage)

    @pl.when(core == 0)
    def _():
        plsc.subcore_barrier()
        tw = n // 16 * _EXPERTS
        pltpu.sync_copy(stage.at[pl.ds(sub * tw, tw)], memsl)
        lanes = lax.iota(jnp.int32, 16)
        rot_idx = {k: (lanes + k) & 15 for k in (1, 2, 4, 8)}

        def tok(i, _):
            for j in range(4):
                t = i * 4 + j
                m = memsl[pl.ds(t * _EXPERTS, _EXPERTS)]
                spike = m > _THRESH
                sw = jnp.where(spike, 1.0, 0.0)
                mx = m
                for k in (8, 4, 2, 1):
                    mx = jnp.maximum(mx, _rot(mx, k, rot_idx))
                anyv = mx > _THRESH
                ex = jnp.exp(jnp.where(anyv, sw, m))
                s = ex
                for k in (8, 4, 2, 1):
                    s = s + _rot(s, k, rot_idx)
                rout_v[pl.ds(t * _EXPERTS, _EXPERTS)] = ex / s
            return 0

        lax.fori_loop(0, n // 16 // 4, tok, 0)
        pltpu.sync_copy(rout_v, rout_hbm.at[sub])


def _scan_softmax(cdt):
    n, e = cdt.shape
    mesh = plsc.VectorSubcoreMesh(core_axis_name="c", subcore_axis_name="s")
    flat = cdt.reshape(n * e)
    return pl.kernel(
        _scan_body,
        out_type=jax.ShapeDtypeStruct((16, n * e // 16), jnp.float32),
        mesh=mesh,
        scratch_types=[
            pltpu.VMEM((_SC_CHUNK * _EXPERTS + _EXPERTS,), jnp.float32),
            pltpu.VMEM((_SC_CHUNK * _EXPERTS + _EXPERTS,), jnp.float32),
            pltpu.VMEM((n * e,), jnp.float32),
            pltpu.VMEM_SHARED((n * e,), jnp.float32),
            pltpu.VMEM((n * e // 16,), jnp.float32),
            pltpu.VMEM((n * e // 16,), jnp.float32),
            pltpu.SemaphoreType.DMA,
            pltpu.SemaphoreType.DMA,
        ],
    )(flat)


def _routing_body(mem_ref, out_ref):
    mem = mem_ref[...]
    spike = mem > _THRESH
    any_spike = jnp.any(spike, axis=-1, keepdims=True)
    sel = jnp.where(any_spike, spike.astype(jnp.float32), mem / _THRESH)
    out_ref[...] = jax.nn.softmax(sel, axis=-1)


def _routing(mem_pre):
    n, e = mem_pre.shape
    return pl.pallas_call(
        _routing_body,
        grid=(n // _SM_BM,),
        in_specs=[pl.BlockSpec((_SM_BM, e), lambda i: (i, 0))],
        out_specs=pl.BlockSpec((_SM_BM, e), lambda i: (i, 0)),
        out_shape=jax.ShapeDtypeStruct((n, e), jnp.float32),
    )(mem_pre)


@jax.jit
def kernel(hidden_states, synaptic_weights):
    b, s, h = hidden_states.shape
    e = synaptic_weights.shape[1]
    x = hidden_states.reshape(b * s, h)
    cdt = _matmul(x, synaptic_weights.T)
    rout_flat = _scan_softmax(cdt)
    return rout_flat.reshape(b, s, e)

# --- scband reference (transcript-rebuilt; emitter-appended) ---
"""Pipeline reference for scband-neuromorphic-spiking-mo-e-5291399709238 (READ-ONLY COPY).

The authoritative reference and input builder live on the scoring server;
editing this copy changes nothing except your own understanding.
"""

import jax, jax.numpy as jnp
import numpy as np

HIDDEN = 1024
NUM_EXPERTS = 16
SPIKE_THRESHOLD = 1.0
REFRACTORY_PERIOD = 1.0
LEAK_RATE = 0.9
DT = 0.1
BATCH = 2
SEQ = 2048


def setup_inputs(seed: int = 0) -> dict:
    key = jax.random.key(seed)
    k1, k2 = jax.random.split(key)
    hidden_states = jax.random.normal(k1, (BATCH, SEQ, HIDDEN), dtype=jnp.float32)
    synaptic_weights = jax.random.normal(k2, (HIDDEN, NUM_EXPERTS), dtype=jnp.float32) * 0.1
    return {"hidden_states": hidden_states, "synaptic_weights": synaptic_weights}


def reference(hidden_states, synaptic_weights):
    # Faithful translation of the torch forward loop (b, t) over flattened tokens.
    # State (membrane potential, refractory counter) carries across batch and seq,
    # matching the torch buffer semantics of a fresh module (zeros init).
    B, S, H = hidden_states.shape
    E = synaptic_weights.shape[1]
    x = hidden_states.reshape(B * S, H)

    def step(carry, x_t):
        mem, refr = carry
        synaptic_current = x_t @ synaptic_weights  # [E]
        mem = mem * LEAK_RATE
        active = (refr <= 0).astype(jnp.float32)
        mem = mem + synaptic_current * active * DT
        refr = jnp.maximum(refr - DT, jnp.zeros_like(refr))
        spike_mask = mem > SPIKE_THRESHOLD
        any_spike = jnp.any(spike_mask)
        spike_weights = spike_mask.astype(jnp.float32)
        routing_spike = jax.nn.softmax(spike_weights)
        routing_nospike = jax.nn.softmax(mem / SPIKE_THRESHOLD)
        routing = jnp.where(any_spike, routing_spike, routing_nospike)
        # reset spiking neurons AFTER routing decision (matches torch order)
        mem = jnp.where(spike_mask, 0.0, mem)
        refr = jnp.where(spike_mask, REFRACTORY_PERIOD, refr)
        return (mem, refr), routing

    init = (jnp.zeros((E,), dtype=jnp.float32), jnp.zeros((E,), dtype=jnp.float32))
    _, routing_flat = jax.lax.scan(step, init, x)
    routing_decisions = routing_flat.reshape(B, S, E)
    return routing_decisions


if False:  # reference __main__ guard neutralized (emitter)
    out = reference(**setup_inputs())
    print(out.shape)

if __name__ == "__main__":
    import jax
    _d = setup_inputs()
    print(jax.jit(kernel)(*tuple(_d.values())))

</pallas_src>

<mosaic_0001>
#map = affine_map<(d0, d1) -> (0)>
#map1 = affine_map<(d0, d1) -> (0, 0)>
module attributes {stable_mosaic.version = 14 : i64} {
  func.func @_scan_body(%arg0: i32, %arg1: i32, %arg2: memref<65536xf32, #tpu.memory_space<hbm>>, %arg3: memref<16x4096xf32, #tpu.memory_space<hbm>>, %arg4: memref<16400xf32, #tpu.memory_space<vmem>>, %arg5: memref<16400xf32, #tpu.memory_space<vmem>>, %arg6: memref<65536xf32, #tpu.memory_space<vmem>>, %arg7: memref<65536xf32, #tpu.memory_space<vmem_shared>>, %arg8: memref<4096xf32, #tpu.memory_space<vmem>>, %arg9: memref<4096xf32, #tpu.memory_space<vmem>>, %arg10: memref<!tpu.dma_semaphore, #tpu.memory_space<semaphore_mem>>, %arg11: memref<!tpu.dma_semaphore, #tpu.memory_space<semaphore_mem>>) attributes {dimension_semantics = [#tpu.dimension_semantics<core_parallel>, #tpu.dimension_semantics<subcore_parallel>], iteration_bounds = array<i64: 2, 16>, scalar_prefetch = 0 : i64, scratch_operands = 8 : i64, tpu.core_type = #tpu.core_type<sc_vector_subcore>, window_params = [{transform_indices = #map}, {transform_indices = #map1}]} {
    %mul3A = arith.constant 16 : i32
    %mul3A_0 = arith.muli %arg0, %mul3A : i32
    %add3A = arith.addi %mul3A_0, %arg1 : i32
    %eq3A = arith.constant 0 : i32
    %eq3A_1 = arith.cmpi eq, %add3A, %eq3A : i32
    %convert_element_type3A = arith.extui %eq3A_1 : i1 to i32
    %cond3A = arith.constant 0 : i32
    %cond3A_2 = arith.cmpi ne, %convert_element_type3A, %cond3A : i32
    scf.if %cond3A_2 {
      %dma_start3A = arith.constant 0 : i32
      %dma_start3A_8 = tpu.memref_slice %arg4[%dma_start3A] : memref<16400xf32, #tpu.memory_space<vmem>> -> memref<16384xf32, #tpu.memory_space<vmem>>
      %dma_start3A_9 = arith.constant 0 : i32
      %dma_start3A_10 = tpu.memref_slice %arg2[%dma_start3A_9] : memref<65536xf32, #tpu.memory_space<hbm>> -> memref<16384xf32, #tpu.memory_space<hbm>>
      %dma_start3A_11 = arith.constant 0 : i32
      %dma_start3A_12 = tpu.memref_slice %arg4[%dma_start3A_11] : memref<16400xf32, #tpu.memory_space<vmem>> -> memref<16384xf32, #tpu.memory_space<vmem>>
      %dma_start3A_13 = arith.constant 0 : i32
      %dma_start3A_14 = tpu.memref_slice %arg2[%dma_start3A_13] : memref<65536xf32, #tpu.memory_space<hbm>> -> memref<16384xf32, #tpu.memory_space<hbm>>
      tpu.enqueue_dma source(%dma_start3A_14 : memref<16384xf32, #tpu.memory_space<hbm>>) target(%dma_start3A_12 : memref<16384xf32, #tpu.memory_space<vmem>>) target_semaphore(%arg10 : memref<!tpu.dma_semaphore, #tpu.memory_space<semaphore_mem>>)
      %dma_start3A_15 = arith.constant 0 : i32
      %dma_start3A_16 = tpu.memref_slice %arg5[%dma_start3A_15] : memref<16400xf32, #tpu.memory_space<vmem>> -> memref<16384xf32, #tpu.memory_space<vmem>>
      %dma_start3A_17 = arith.constant 16384 : i32
      %dma_start3A_18 = tpu.memref_slice %arg2[%dma_start3A_17] : memref<65536xf32, #tpu.memory_space<hbm>> -> memref<16384xf32, #tpu.memory_space<hbm>>
      %dma_start3A_19 = arith.constant 0 : i32
      %dma_start3A_20 = tpu.memref_slice %arg5[%dma_start3A_19] : memref<16400xf32, #tpu.memory_space<vmem>> -> memref<16384xf32, #tpu.memory_space<vmem>>
      %dma_start3A_21 = arith.constant 16384 : i32
      %dma_start3A_22 = tpu.memref_slice %arg2[%dma_start3A_21] : memref<65536xf32, #tpu.memory_space<hbm>> -> memref<16384xf32, #tpu.memory_space<hbm>>
      tpu.enqueue_dma source(%dma_start3A_22 : memref<16384xf32, #tpu.memory_space<hbm>>) target(%dma_start3A_20 : memref<16384xf32, #tpu.memory_space<vmem>>) target_semaphore(%arg11 : memref<!tpu.dma_semaphore, #tpu.memory_space<semaphore_mem>>)
      %broadcast_in_dim3A = arith.constant 0.000000e+00 : f32
      %broadcast_in_dim3A_23 = vector.broadcast %broadcast_in_dim3A : f32 to vector<16xf32>
      %broadcast_in_dim3A_24 = arith.constant 0 : i32
      %broadcast_in_dim3A_25 = vector.broadcast %broadcast_in_dim3A_24 : i32 to vector<16xi32>
      %dma_wait3A = arith.constant 0 : i32
      %dma_wait3A_26 = tpu.memref_slice %arg4[%dma_wait3A] : memref<16400xf32, #tpu.memory_space<vmem>> -> memref<16384xf32, #tpu.memory_space<vmem>>
      %dma_wait3A_27 = arith.constant 0 : i32
      %dma_wait3A_28 = tpu.memref_slice %arg2[%dma_wait3A_27] : memref<65536xf32, #tpu.memory_space<hbm>> -> memref<16384xf32, #tpu.memory_space<hbm>>
      %dma_wait3A_29 = arith.constant 0 : i32
      %dma_wait3A_30 = tpu.memref_slice %arg4[%dma_wait3A_29] : memref<16400xf32, #tpu.memory_space<vmem>> -> memref<16384xf32, #tpu.memory_space<vmem>>
      %dma_wait3A_31 = arith.constant 0 : i32
      %dma_wait3A_32 = tpu.memref_slice %arg2[%dma_wait3A_31] : memref<65536xf32, #tpu.memory_space<hbm>> -> memref<16384xf32, #tpu.memory_space<hbm>>
      tpu.wait_dma2 semaphore(%arg10 : memref<!tpu.dma_semaphore, #tpu.memory_space<semaphore_mem>>) src(%dma_wait3A_32 : memref<16384xf32, #tpu.memory_space<hbm>>) dst(%dma_wait3A_30 : memref<16384xf32, #tpu.memory_space<vmem>>)
      %le3A = arith.constant 1 : i32
      %le3A_33 = vector.broadcast %le3A : i32 to vector<16xi32>
      %le3A_34 = arith.cmpi sle, %broadcast_in_dim3A_25, %le3A_33 : vector<16xi32>
      %get3A = arith.constant 0 : index
      %get3A_35 = tpu.vector_load %arg4[%get3A] {strides = array<i32>} : memref<16400xf32, #tpu.memory_space<vmem>>, vector<16xf32>,
      %get3A_36 = vector.shape_cast %get3A_35 : vector<16xf32> to vector<16xf32>
      %jit3A = arith.constant 0.000000e+00 : f32
      %broadcast_in_dim3A_37 = vector.broadcast %jit3A : f32 to vector<16xf32>
      %select_n3A = arith.select %le3A_34, %get3A_36, %broadcast_in_dim3A_37 : vector<16xi1>, vector<16xf32>
      %scan3A = arith.constant 0 : i32
      %scan3A_38 = arith.constant 128 : i32
      %scan3A_39 = arith.addi %scan3A, %scan3A_38 : i32
      %scan3A_40 = arith.constant 1 : i32
      %scan3A_41:3 = scf.for %scan3A_128 = %scan3A to %scan3A_39 step %scan3A_40 iter_args(%scan3A_129 = %broadcast_in_dim3A_23, %scan3A_130 = %broadcast_in_dim3A_25, %scan3A_131 = %select_n3A) -> (vector<16xf32>, vector<16xi32>, vector<16xf32>)  : i32 {
        %mul3A_132 = arith.constant 8 : i32
        %mul3A_133 = arith.muli %scan3A_128, %mul3A_132 : i32
        %add3A_134 = arith.constant 0 : i32
        %add3A_135 = arith.addi %mul3A_133, %add3A_134 : i32
        %gt3A = arith.constant 1.000000e+00 : f32
        %gt3A_136 = vector.broadcast %gt3A : f32 to vector<16xf32>
        %gt3A_137 = arith.cmpf ogt, %scan3A_129, %gt3A_136 : vector<16xf32>
        %mul3A_138 = arith.constant 0.899999976 : f32
        %mul3A_139 = vector.broadcast %mul3A_138 : f32 to vector<16xf32>
        %mul3A_140 = arith.mulf %scan3A_129, %mul3A_139 : vector<16xf32>
        %add3A_141 = arith.addf %mul3A_140, %scan3A_131 : vector<16xf32>
        %jit3A_142 = arith.constant 0.000000e+00 : f32
        %broadcast_in_dim3A_143 = vector.broadcast %jit3A_142 : f32 to vector<16xf32>
        %select_n3A_144 = arith.select %gt3A_137, %broadcast_in_dim3A_143, %add3A_141 : vector<16xi1>, vector<16xf32>
        %add3A_145 = arith.constant 0 : i32
        %add3A_146 = arith.addi %add3A_145, %add3A_135 : i32
        %mul3A_147 = arith.constant 16 : i32
        %mul3A_148 = arith.muli %add3A_146, %mul3A_147 : i32
        %swap3A = arith.index_cast %mul3A_148 : i32 to index
        %swap3A_149 = tpu.vector_load %arg6[%swap3A] {strides = array<i32>} : memref<65536xf32, #tpu.memory_space<vmem>>, vector<16xf32>,
        %swap3A_150 = vector.shape_cast %swap3A_149 : vector<16xf32> to vector<16xf32>
        %swap3A_151 = vector.shape_cast %select_n3A_144 : vector<16xf32> to vector<16xf32>
        tpu.vector_store %arg6[%swap3A], %swap3A_151 {strides = array<i32>} : memref<65536xf32, #tpu.memory_space<vmem>>, vector<16xf32>,
        %sub3A = arith.constant 1 : i32
        %sub3A_152 = vector.broadcast %sub3A : i32 to vector<16xi32>
        %sub3A_153 = arith.subi %scan3A_130, %sub3A_152 : vector<16xi32>
        %jit3A_154 = arith.constant 10 : i32
        %broadcast_in_dim3A_155 = vector.broadcast %jit3A_154 : i32 to vector<16xi32>
        %select_n3A_156 = arith.select %gt3A_137, %broadcast_in_dim3A_155, %sub3A_153 : vector<16xi1>, vector<16xi32>
        %le3A_157 = arith.constant 1 : i32
        %le3A_158 = vector.broadcast %le3A_157 : i32 to vector<16xi32>
        %le3A_159 = arith.cmpi sle, %select_n3A_156, %le3A_158 : vector<16xi32>
        %add3A_160 = arith.constant 1 : i32
        %add3A_161 = arith.addi %add3A_135, %add3A_160 : i32
        %mul3A_162 = arith.constant 16 : i32
        %mul3A_163 = arith.muli %add3A_161, %mul3A_162 : i32
        %get3A_164 = arith.index_cast %mul3A_163 : i32 to index
        %get3A_165 = tpu.vector_load %arg4[%get3A_164] {strides = array<i32>} : memref<16400xf32, #tpu.memory_space<vmem>>, vector<16xf32>,
        %get3A_166 = vector.shape_cast %get3A_165 : vector<16xf32> to vector<16xf32>
        %jit3A_167 = arith.constant 0.000000e+00 : f32
        %broadcast_in_dim3A_168 = vector.broadcast %jit3A_167 : f32 to vector<16xf32>
        %select_n3A_169 = arith.select %le3A_159, %get3A_166, %broadcast_in_dim3A_168 : vector<16xi1>, vector<16xf32>
        %mul3A_170 = arith.constant 8 : i32
        %mul3A_171 = arith.muli %scan3A_128, %mul3A_170 : i32
        %add3A_172 = arith.constant 1 : i32
        %add3A_173 = arith.addi %mul3A_171, %add3A_172 : i32
        %gt3A_174 = arith.constant 1.000000e+00 : f32
        %gt3A_175 = vector.broadcast %gt3A_174 : f32 to vector<16xf32>
        %gt3A_176 = arith.cmpf ogt, %select_n3A_144, %gt3A_175 : vector<16xf32>
        %mul3A_177 = arith.constant 0.899999976 : f32
        %mul3A_178 = vector.broadcast %mul3A_177 : f32 to vector<16xf32>
        %mul3A_179 = arith.mulf %select_n3A_144, %mul3A_178 : vector<16xf32>
        %add3A_180 = arith.addf %mul3A_179, %select_n3A_169 : vector<16xf32>
        %jit3A_181 = arith.constant 0.000000e+00 : f32
        %broadcast_in_dim3A_182 = vector.broadcast %jit3A_181 : f32 to vector<16xf32>
        %select_n3A_183 = arith.select %gt3A_176, %broadcast_in_dim3A_182, %add3A_180 : vector<16xi1>, vector<16xf32>
        %add3A_184 = arith.constant 0 : i32
        %add3A_185 = arith.addi %add3A_184, %add3A_173 : i32
        %mul3A_186 = arith.constant 16 : i32
        %mul3A_187 = arith.muli %add3A_185, %mul3A_186 : i32
        %swap3A_188 = arith.index_cast %mul3A_187 : i32 to index
        %swap3A_189 = tpu.vector_load %arg6[%swap3A_188] {strides = array<i32>} : memref<65536xf32, #tpu.memory_space<vmem>>, vector<16xf32>,
        %swap3A_190 = vector.shape_cast %swap3A_189 : vector<16xf32> to vector<16xf32>
        %swap3A_191 = vector.shape_cast %select_n3A_183 : vector<16xf32> to vector<16xf32>
        tpu.vector_store %arg6[%swap3A_188], %swap3A_191 {strides = array<i32>} : memref<65536xf32, #tpu.memory_space<vmem>>, vector<16xf32>,
        %sub3A_192 = arith.constant 1 : i32
        %sub3A_193 = vector.broadcast %sub3A_192 : i32 to vector<16xi32>
        %sub3A_194 = arith.subi %select_n3A_156, %sub3A_193 : vector<16xi32>
        %jit3A_195 = arith.constant 10 : i32
        %broadcast_in_dim3A_196 = vector.broadcast %jit3A_195 : i32 to vector<16xi32>
        %select_n3A_197 = arith.select %gt3A_176, %broadcast_in_dim3A_196, %sub3A_194 : vector<16xi1>, vector<16xi32>
        %le3A_198 = arith.constant 1 : i32
        %le3A_199 = vector.broadcast %le3A_198 : i32 to vector<16xi32>
        %le3A_200 = arith.cmpi sle, %select_n3A_197, %le3A_199 : vector<16xi32>
        %add3A_201 = arith.constant 1 : i32
        %add3A_202 = arith.addi %add3A_173, %add3A_201 : i32
        %mul3A_203 = arith.constant 16 : i32
        %mul3A_204 = arith.muli %add3A_202, %mul3A_203 : i32
        %get3A_205 = arith.index_cast %mul3A_204 : i32 to index
        %get3A_206 = tpu.vector_load %arg4[%get3A_205] {strides = array<i32>} : memref<16400xf32, #tpu.memory_space<vmem>>, vector<16xf32>,
        %get3A_207 = vector.shape_cast %get3A_206 : vector<16xf32> to vector<16xf32>
        %jit3A_208 = arith.constant 0.000000e+00 : f32
        %broadcast_in_dim3A_209 = vector.broadcast %jit3A_208 : f32 to vector<16xf32>
        %select_n3A_210 = arith.select %le3A_200, %get3A_207, %broadcast_in_dim3A_209 : vector<16xi1>, vector<16xf32>
        %mul3A_211 = arith.constant 8 : i32
        %mul3A_212 = arith.muli %scan3A_128, %mul3A_211 : i32
        %add3A_213 = arith.constant 2 : i32
        %add3A_214 = arith.addi %mul3A_212, %add3A_213 : i32
        %gt3A_215 = arith.constant 1.000000e+00 : f32
        %gt3A_216 = vector.broadcast %gt3A_215 : f32 to vector<16xf32>
        %gt3A_217 = arith.cmpf ogt, %select_n3A_183, %gt3A_216 : vector<16xf32>
        %mul3A_218 = arith.constant 0.899999976 : f32
        %mul3A_219 = vector.broadcast %mul3A_218 : f32 to vector<16xf32>
        %mul3A_220 = arith.mulf %select_n3A_183, %mul3A_219 : vector<16xf32>
        %add3A_221 = arith.addf %mul3A_220, %select_n3A_210 : vector<16xf32>
        %jit3A_222 = arith.constant 0.000000e+00 : f32
        %broadcast_in_dim3A_223 = vector.broadcast %jit3A_222 : f32 to vector<16xf32>
        %select_n3A_224 = arith.select %gt3A_217, %broadcast_in_dim3A_223, %add3A_221 : vector<16xi1>, vector<16xf32>
        %add3A_225 = arith.constant 0 : i32
        %add3A_226 = arith.addi %add3A_225, %add3A_214 : i32
        %mul3A_227 = arith.constant 16 : i32
        %mul3A_228 = arith.muli %add3A_226, %mul3A_227 : i32
        %swap3A_229 = arith.index_cast %mul3A_228 : i32 to index
        %swap3A_230 = tpu.vector_load %arg6[%swap3A_229] {strides = array<i32>} : memref<65536xf32, #tpu.memory_space<vmem>>, vector<16xf32>,
        %swap3A_231 = vector.shape_cast %swap3A_230 : vector<16xf32> to vector<16xf32>
        %swap3A_232 = vector.shape_cast %select_n3A_224 : vector<16xf32> to vector<16xf32>
        tpu.vector_store %arg6[%swap3A_229], %swap3A_232 {strides = array<i32>} : memref<65536xf32, #tpu.memory_space<vmem>>, vector<16xf32>,
        %sub3A_233 = arith.constant 1 : i32
        %sub3A_234 = vector.broadcast %sub3A_233 : i32 to vector<16xi32>
        %sub3A_235 = arith.subi %select_n3A_197, %sub3A_234 : vector<16xi32>
        %jit3A_236 = arith.constant 10 : i32
        %broadcast_in_dim3A_237 = vector.broadcast %jit3A_236 : i32 to vector<16xi32>
        %select_n3A_238 = arith.select %gt3A_217, %broadcast_in_dim3A_237, %sub3A_235 : vector<16xi1>, vector<16xi32>
        %le3A_239 = arith.constant 1 : i32
        %le3A_240 = vector.broadcast %le3A_239 : i32 to vector<16xi32>
        %le3A_241 = arith.cmpi sle, %select_n3A_238, %le3A_240 : vector<16xi32>
        %add3A_242 = arith.constant 1 : i32
        %add3A_243 = arith.addi %add3A_214, %add3A_242 : i32
        %mul3A_244 = arith.constant 16 : i32
        %mul3A_245 = arith.muli %add3A_243, %mul3A_244 : i32
        %get3A_246 = arith.index_cast %mul3A_245 : i32 to index
        %get3A_247 = tpu.vector_load %arg4[%get3A_246] {strides = array<i32>} : memref<16400xf32, #tpu.memory_space<vmem>>, vector<16xf32>,
        %get3A_248 = vector.shape_cast %get3A_247 : vector<16xf32> to vector<16xf32>
        %jit3A_249 = arith.constant 0.000000e+00 : f32
        %broadcast_in_dim3A_250 = vector.broadcast %jit3A_249 : f32 to vector<16xf32>
        %select_n3A_251 = arith.select %le3A_241, %get3A_248, %broadcast_in_dim3A_250 : vector<16xi1>, vector<16xf32>
        %mul3A_252 = arith.constant 8 : i32
        %mul3A_253 = arith.muli %scan3A_128, %mul3A_252 : i32
        %add3A_254 = arith.constant 3 : i32
        %add3A_255 = arith.addi %mul3A_253, %add3A_254 : i32
        %gt3A_256 = arith.constant 1.000000e+00 : f32
        %gt3A_257 = vector.broadcast %gt3A_256 : f32 to vector<16xf32>
        %gt3A_258 = arith.cmpf ogt, %select_n3A_224, %gt3A_257 : vector<16xf32>
        %mul3A_259 = arith.constant 0.899999976 : f32
        %mul3A_260 = vector.broadcast %mul3A_259 : f32 to vector<16xf32>
        %mul3A_261 = arith.mulf %select_n3A_224, %mul3A_260 : vector<16xf32>
        %add3A_262 = arith.addf %mul3A_261, %select_n3A_251 : vector<16xf32>
        %jit3A_263 = arith.constant 0.000000e+00 : f32
        %broadcast_in_dim3A_264 = vector.broadcast %jit3A_263 : f32 to vector<16xf32>
        %select_n3A_265 = arith.select %gt3A_258, %broadcast_in_dim3A_264, %add3A_262 : vector<16xi1>, vector<16xf32>
        %add3A_266 = arith.constant 0 : i32
        %add3A_267 = arith.addi %add3A_266, %add3A_255 : i32
        %mul3A_268 = arith.constant 16 : i32
        %mul3A_269 = arith.muli %add3A_267, %mul3A_268 : i32
        %swap3A_270 = arith.index_cast %mul3A_269 : i32 to index
        %swap3A_271 = tpu.vector_load %arg6[%swap3A_270] {strides = array<i32>} : memref<65536xf32, #tpu.memory_space<vmem>>, vector<16xf32>,
        %swap3A_272 = vector.shape_cast %swap3A_271 : vector<16xf32> to vector<16xf32>
        %swap3A_273 = vector.shape_cast %select_n3A_265 : vector<16xf32> to vector<16xf32>
        tpu.vector_store %arg6[%swap3A_270], %swap3A_273 {strides = array<i32>} : memref<65536xf32, #tpu.memory_space<vmem>>, vector<16xf32>,
        %sub3A_274 = arith.constant 1 : i32
        %sub3A_275 = vector.broadcast %sub3A_274 : i32 to vector<16xi32>
        %sub3A_276 = arith.subi %select_n3A_238, %sub3A_275 : vector<16xi32>
        %jit3A_277 = arith.constant 10 : i32
        %broadcast_in_dim3A_278 = vector.broadcast %jit3A_277 : i32 to vector<16xi32>
        %select_n3A_279 = arith.select %gt3A_258, %broadcast_in_dim3A_278, %sub3A_276 : vector<16xi1>, vector<16xi32>
        %le3A_280 = arith.constant 1 : i32
        %le3A_281 = vector.broadcast %le3A_280 : i32 to vector<16xi32>
        %le3A_282 = arith.cmpi sle, %select_n3A_279, %le3A_281 : vector<16xi32>
        %add3A_283 = arith.constant 1 : i32
        %add3A_284 = arith.addi %add3A_255, %add3A_283 : i32
        %mul3A_285 = arith.constant 16 : i32
        %mul3A_286 = arith.muli %add3A_284, %mul3A_285 : i32
        %get3A_287 = arith.index_cast %mul3A_286 : i32 to index
        %get3A_288 = tpu.vector_load %arg4[%get3A_287] {strides = array<i32>} : memref<16400xf32, #tpu.memory_space<vmem>>, vector<16xf32>,
        %get3A_289 = vector.shape_cast %get3A_288 : vector<16xf32> to vector<16xf32>
        %jit3A_290 = arith.constant 0.000000e+00 : f32
        %broadcast_in_dim3A_291 = vector.broadcast %jit3A_290 : f32 to vector<16xf32>
        %select_n3A_292 = arith.select %le3A_282, %get3A_289, %broadcast_in_dim3A_291 : vector<16xi1>, vector<16xf32>
        %mul3A_293 = arith.constant 8 : i32
        %mul3A_294 = arith.muli %scan3A_128, %mul3A_293 : i32
        %add3A_295 = arith.constant 4 : i32
        %add3A_296 = arith.addi %mul3A_294, %add3A_295 : i32
        %gt3A_297 = arith.constant 1.000000e+00 : f32
        %gt3A_298 = vector.broadcast %gt3A_297 : f32 to vector<16xf32>
        %gt3A_299 = arith.cmpf ogt, %select_n3A_265, %gt3A_298 : vector<16xf32>
        %mul3A_300 = arith.constant 0.899999976 : f32
        %mul3A_301 = vector.broadcast %mul3A_300 : f32 to vector<16xf32>
        %mul3A_302 = arith.mulf %select_n3A_265, %mul3A_301 : vector<16xf32>
        %add3A_303 = arith.addf %mul3A_302, %select_n3A_292 : vector<16xf32>
        %jit3A_304 = arith.constant 0.000000e+00 : f32
        %broadcast_in_dim3A_305 = vector.broadcast %jit3A_304 : f32 to vector<16xf32>
        %select_n3A_306 = arith.select %gt3A_299, %broadcast_in_dim3A_305, %add3A_303 : vector<16xi1>, vector<16xf32>
        %add3A_307 = arith.constant 0 : i32
        %add3A_308 = arith.addi %add3A_307, %add3A_296 : i32
        %mul3A_309 = arith.constant 16 : i32
        %mul3A_310 = arith.muli %add3A_308, %mul3A_309 : i32
        %swap3A_311 = arith.index_cast %mul3A_310 : i32 to index
        %swap3A_312 = tpu.vector_load %arg6[%swap3A_311] {strides = array<i32>} : memref<65536xf32, #tpu.memory_space<vmem>>, vector<16xf32>,
        %swap3A_313 = vector.shape_cast %swap3A_312 : vector<16xf32> to vector<16xf32>
        %swap3A_314 = vector.shape_cast %select_n3A_306 : vector<16xf32> to vector<16xf32>
        tpu.vector_store %arg6[%swap3A_311], %swap3A_314 {strides = array<i32>} : memref<65536xf32, #tpu.memory_space<vmem>>, vector<16xf32>,
        %sub3A_315 = arith.constant 1 : i32
        %sub3A_316 = vector.broadcast %sub3A_315 : i32 to vector<16xi32>
        %sub3A_317 = arith.subi %select_n3A_279, %sub3A_316 : vector<16xi32>
        %jit3A_318 = arith.constant 10 : i32
        %broadcast_in_dim3A_319 = vector.broadcast %jit3A_318 : i32 to vector<16xi32>
        %select_n3A_320 = arith.select %gt3A_299, %broadcast_in_dim3A_319, %sub3A_317 : vector<16xi1>, vector<16xi32>
        %le3A_321 = arith.constant 1 : i32
        %le3A_322 = vector.broadcast %le3A_321 : i32 to vector<16xi32>
        %le3A_323 = arith.cmpi sle, %select_n3A_320, %le3A_322 : vector<16xi32>
        %add3A_324 = arith.constant 1 : i32
        %add3A_325 = arith.addi %add3A_296, %add3A_324 : i32
        %mul3A_326 = arith.constant 16 : i32
        %mul3A_327 = arith.muli %add3A_325, %mul3A_326 : i32
        %get3A_328 = arith.index_cast %mul3A_327 : i32 to index
        %get3A_329 = tpu.vector_load %arg4[%get3A_328] {strides = array<i32>} : memref<16400xf32, #tpu.memory_space<vmem>>, vector<16xf32>,
        %get3A_330 = vector.shape_cast %get3A_329 : vector<16xf32> to vector<16xf32>
        %jit3A_331 = arith.constant 0.000000e+00 : f32
        %broadcast_in_dim3A_332 = vector.broadcast %jit3A_331 : f32 to vector<16xf32>
        %select_n3A_333 = arith.select %le3A_323, %get3A_330, %broadcast_in_dim3A_332 : vector<16xi1>, vector<16xf32>
        %mul3A_334 = arith.constant 8 : i32
        %mul3A_335 = arith.muli %scan3A_128, %mul3A_334 : i32
        %add3A_336 = arith.constant 5 : i32
        %add3A_337 = arith.addi %mul3A_335, %add3A_336 : i32
        %gt3A_338 = arith.constant 1.000000e+00 : f32
        %gt3A_339 = vector.broadcast %gt3A_338 : f32 to vector<16xf32>
        %gt3A_340 = arith.cmpf ogt, %select_n3A_306, %gt3A_339 : vector<16xf32>
        %mul3A_341 = arith.constant 0.899999976 : f32
        %mul3A_342 = vector.broadcast %mul3A_341 : f32 to vector<16xf32>
        %mul3A_343 = arith.mulf %select_n3A_306, %mul3A_342 : vector<16xf32>
        %add3A_344 = arith.addf %mul3A_343, %select_n3A_333 : vector<16xf32>
        %jit3A_345 = arith.constant 0.000000e+00 : f32
        %broadcast_in_dim3A_346 = vector.broadcast %jit3A_345 : f32 to vector<16xf32>
        %select_n3A_347 = arith.select %gt3A_340, %broadcast_in_dim3A_346, %add3A_344 : vector<16xi1>, vector<16xf32>
        %add3A_348 = arith.constant 0 : i32
        %add3A_349 = arith.addi %add3A_348, %add3A_337 : i32
        %mul3A_350 = arith.constant 16 : i32
        %mul3A_351 = arith.muli %add3A_349, %mul3A_350 : i32
        %swap3A_352 = arith.index_cast %mul3A_351 : i32 to index
        %swap3A_353 = tpu.vector_load %arg6[%swap3A_352] {strides = array<i32>} : memref<65536xf32, #tpu.memory_space<vmem>>, vector<16xf32>,
        %swap3A_354 = vector.shape_cast %swap3A_353 : vector<16xf32> to vector<16xf32>
        %swap3A_355 = vector.shape_cast %select_n3A_347 : vector<16xf32> to vector<16xf32>
        tpu.vector_store %arg6[%swap3A_352], %swap3A_355 {strides = array<i32>} : memref<65536xf32, #tpu.memory_space<vmem>>, vector<16xf32>,
        %sub3A_356 = arith.constant 1 : i32
        %sub3A_357 = vector.broadcast %sub3A_356 : i32 to vector<16xi32>
        %sub3A_358 = arith.subi %select_n3A_320, %sub3A_357 : vector<16xi32>
        %jit3A_359 = arith.constant 10 : i32
        %broadcast_in_dim3A_360 = vector.broadcast %jit3A_359 : i32 to vector<16xi32>
        %select_n3A_361 = arith.select %gt3A_340, %broadcast_in_dim3A_360, %sub3A_358 : vector<16xi1>, vector<16xi32>
        %le3A_362 = arith.constant 1 : i32
        %le3A_363 = vector.broadcast %le3A_362 : i32 to vector<16xi32>
        %le3A_364 = arith.cmpi sle, %select_n3A_361, %le3A_363 : vector<16xi32>
        %add3A_365 = arith.constant 1 : i32
        %add3A_366 = arith.addi %add3A_337, %add3A_365 : i32
        %mul3A_367 = arith.constant 16 : i32
        %mul3A_368 = arith.muli %add3A_366, %mul3A_367 : i32
        %get3A_369 = arith.index_cast %mul3A_368 : i32 to index
        %get3A_370 = tpu.vector_load %arg4[%get3A_369] {strides = array<i32>} : memref<16400xf32, #tpu.memory_space<vmem>>, vector<16xf32>,
        %get3A_371 = vector.shape_cast %get3A_370 : vector<16xf32> to vector<16xf32>
        %jit3A_372 = arith.constant 0.000000e+00 : f32
        %broadcast_in_dim3A_373 = vector.broadcast %jit3A_372 : f32 to vector<16xf32>
        %select_n3A_374 = arith.select %le3A_364, %get3A_371, %broadcast_in_dim3A_373 : vector<16xi1>, vector<16xf32>
        %mul3A_375 = arith.constant 8 : i32
        %mul3A_376 = arith.muli %scan3A_128, %mul3A_375 : i32
        %add3A_377 = arith.constant 6 : i32
        %add3A_378 = arith.addi %mul3A_376, %add3A_377 : i32
        %gt3A_379 = arith.constant 1.000000e+00 : f32
        %gt3A_380 = vector.broadcast %gt3A_379 : f32 to vector<16xf32>
        %gt3A_381 = arith.cmpf ogt, %select_n3A_347, %gt3A_380 : vector<16xf32>
        %mul3A_382 = arith.constant 0.899999976 : f32
        %mul3A_383 = vector.broadcast %mul3A_382 : f32 to vector<16xf32>
        %mul3A_384 = arith.mulf %select_n3A_347, %mul3A_383 : vector<16xf32>
        %add3A_385 = arith.addf %mul3A_384, %select_n3A_374 : vector<16xf32>
        %jit3A_386 = arith.constant 0.000000e+00 : f32
        %broadcast_in_dim3A_387 = vector.broadcast %jit3A_386 : f32 to vector<16xf32>
        %select_n3A_388 = arith.select %gt3A_381, %broadcast_in_dim3A_387, %add3A_385 : vector<16xi1>, vector<16xf32>
        %add3A_389 = arith.constant 0 : i32
        %add3A_390 = arith.addi %add3A_389, %add3A_378 : i32
        %mul3A_391 = arith.constant 16 : i32
        %mul3A_392 = arith.muli %add3A_390, %mul3A_391 : i32
        %swap3A_393 = arith.index_cast %mul3A_392 : i32 to index
        %swap3A_394 = tpu.vector_load %arg6[%swap3A_393] {strides = array<i32>} : memref<65536xf32, #tpu.memory_space<vmem>>, vector<16xf32>,
        %swap3A_395 = vector.shape_cast %swap3A_394 : vector<16xf32> to vector<16xf32>
        %swap3A_396 = vector.shape_cast %select_n3A_388 : vector<16xf32> to vector<16xf32>
        tpu.vector_store %arg6[%swap3A_393], %swap3A_396 {strides = array<i32>} : memref<65536xf32, #tpu.memory_space<vmem>>, vector<16xf32>,
        %sub3A_397 = arith.constant 1 : i32
        %sub3A_398 = vector.broadcast %sub3A_397 : i32 to vector<16xi32>
        %sub3A_399 = arith.subi %select_n3A_361, %sub3A_398 : vector<16xi32>
        %jit3A_400 = arith.constant 10 : i32
        %broadcast_in_dim3A_401 = vector.broadcast %jit3A_400 : i32 to vector<16xi32>
        %select_n3A_402 = arith.select %gt3A_381, %broadcast_in_dim3A_401, %sub3A_399 : vector<16xi1>, vector<16xi32>
        %le3A_403 = arith.constant 1 : i32
        %le3A_404 = vector.broadcast %le3A_403 : i32 to vector<16xi32>
        %le3A_405 = arith.cmpi sle, %select_n3A_402, %le3A_404 : vector<16xi32>
        %add3A_406 = arith.constant 1 : i32
        %add3A_407 = arith.addi %add3A_378, %add3A_406 : i32
        %mul3A_408 = arith.constant 16 : i32
        %mul3A_409 = arith.muli %add3A_407, %mul3A_408 : i32
        %get3A_410 = arith.index_cast %mul3A_409 : i32 to index
        %get3A_411 = tpu.vector_load %arg4[%get3A_410] {strides = array<i32>} : memref<16400xf32, #tpu.memory_space<vmem>>, vector<16xf32>,
        %get3A_412 = vector.shape_cast %get3A_411 : vector<16xf32> to vector<16xf32>
        %jit3A_413 = arith.constant 0.000000e+00 : f32
        %broadcast_in_dim3A_414 = vector.broadcast %jit3A_413 : f32 to vector<16xf32>
        %select_n3A_415 = arith.select %le3A_405, %get3A_412, %broadcast_in_dim3A_414 : vector<16xi1>, vector<16xf32>
        %mul3A_416 = arith.constant 8 : i32
        %mul3A_417 = arith.muli %scan3A_128, %mul3A_416 : i32
        %add3A_418 = arith.constant 7 : i32
        %add3A_419 = arith.addi %mul3A_417, %add3A_418 : i32
        %gt3A_420 = arith.constant 1.000000e+00 : f32
        %gt3A_421 = vector.broadcast %gt3A_420 : f32 to vector<16xf32>
        %gt3A_422 = arith.cmpf ogt, %select_n3A_388, %gt3A_421 : vector<16xf32>
        %mul3A_423 = arith.constant 0.899999976 : f32
        %mul3A_424 = vector.broadcast %mul3A_423 : f32 to vector<16xf32>
        %mul3A_425 = arith.mulf %select_n3A_388, %mul3A_424 : vector<16xf32>
        %add3A_426 = arith.addf %mul3A_425, %select_n3A_415 : vector<16xf32>
        %jit3A_427 = arith.constant 0.000000e+00 : f32
        %broadcast_in_dim3A_428 = vector.broadcast %jit3A_427 : f32 to vector<16xf32>
        %select_n3A_429 = arith.select %gt3A_422, %broadcast_in_dim3A_428, %add3A_426 : vector<16xi1>, vector<16xf32>
        %add3A_430 = arith.constant 0 : i32
        %add3A_431 = arith.addi %add3A_430, %add3A_419 : i32
        %mul3A_432 = arith.constant 16 : i32
        %mul3A_433 = arith.muli %add3A_431, %mul3A_432 : i32
        %swap3A_434 = arith.index_cast %mul3A_433 : i32 to index
        %swap3A_435 = tpu.vector_load %arg6[%swap3A_434] {strides = array<i32>} : memref<65536xf32, #tpu.memory_space<vmem>>, vector<16xf32>,
        %swap3A_436 = vector.shape_cast %swap3A_435 : vector<16xf32> to vector<16xf32>
        %swap3A_437 = vector.shape_cast %select_n3A_429 : vector<16xf32> to vector<16xf32>
        tpu.vector_store %arg6[%swap3A_434], %swap3A_437 {strides = array<i32>} : memref<65536xf32, #tpu.memory_space<vmem>>, vector<16xf32>,
        %sub3A_438 = arith.constant 1 : i32
        %sub3A_439 = vector.broadcast %sub3A_438 : i32 to vector<16xi32>
        %sub3A_440 = arith.subi %select_n3A_402, %sub3A_439 : vector<16xi32>
        %jit3A_441 = arith.constant 10 : i32
        %broadcast_in_dim3A_442 = vector.broadcast %jit3A_441 : i32 to vector<16xi32>
        %select_n3A_443 = arith.select %gt3A_422, %broadcast_in_dim3A_442, %sub3A_440 : vector<16xi1>, vector<16xi32>
        %le3A_444 = arith.constant 1 : i32
        %le3A_445 = vector.broadcast %le3A_444 : i32 to vector<16xi32>
        %le3A_446 = arith.cmpi sle, %select_n3A_443, %le3A_445 : vector<16xi32>
        %add3A_447 = arith.constant 1 : i32
        %add3A_448 = arith.addi %add3A_419, %add3A_447 : i32
        %mul3A_449 = arith.constant 16 : i32
        %mul3A_450 = arith.muli %add3A_448, %mul3A_449 : i32
        %get3A_451 = arith.index_cast %mul3A_450 : i32 to index
        %get3A_452 = tpu.vector_load %arg4[%get3A_451] {strides = array<i32>} : memref<16400xf32, #tpu.memory_space<vmem>>, vector<16xf32>,
        %get3A_453 = vector.shape_cast %get3A_452 : vector<16xf32> to vector<16xf32>
        %jit3A_454 = arith.constant 0.000000e+00 : f32
        %broadcast_in_dim3A_455 = vector.broadcast %jit3A_454 : f32 to vector<16xf32>
        %select_n3A_456 = arith.select %le3A_446, %get3A_453, %broadcast_in_dim3A_455 : vector<16xi1>, vector<16xf32>
        scf.yield %select_n3A_429, %select_n3A_443, %select_n3A_456 : vector<16xf32>, vector<16xi32>, vector<16xf32>
      }
      %scan3A_42 = arith.constant 128 : i32
      %dma_start3A_43 = arith.constant 0 : i32
      %dma_start3A_44 = tpu.memref_slice %arg4[%dma_start3A_43] : memref<16400xf32, #tpu.memory_space<vmem>> -> memref<16384xf32, #tpu.memory_space<vmem>>
      %dma_start3A_45 = arith.constant 32768 : i32
      %dma_start3A_46 = tpu.memref_slice %arg2[%dma_start3A_45] : memref<65536xf32, #tpu.memory_space<hbm>> -> memref<16384xf32, #tpu.memory_space<hbm>>
      %dma_start3A_47 = arith.constant 0 : i32
      %dma_start3A_48 = tpu.memref_slice %arg4[%dma_start3A_47] : memref<16400xf32, #tpu.memory_space<vmem>> -> memref<16384xf32, #tpu.memory_space<vmem>>
      %dma_start3A_49 = arith.constant 32768 : i32
      %dma_start3A_50 = tpu.memref_slice %arg2[%dma_start3A_49] : memref<65536xf32, #tpu.memory_space<hbm>> -> memref<16384xf32, #tpu.memory_space<hbm>>
      tpu.enqueue_dma source(%dma_start3A_50 : memref<16384xf32, #tpu.memory_space<hbm>>) target(%dma_start3A_48 : memref<16384xf32, #tpu.memory_space<vmem>>) target_semaphore(%arg10 : memref<!tpu.dma_semaphore, #tpu.memory_space<semaphore_mem>>)
      %dma_wait3A_51 = arith.constant 0 : i32
      %dma_wait3A_52 = tpu.memref_slice %arg5[%dma_wait3A_51] : memref<16400xf32, #tpu.memory_space<vmem>> -> memref<16384xf32, #tpu.memory_space<vmem>>
      %dma_wait3A_53 = arith.constant 16384 : i32
      %dma_wait3A_54 = tpu.memref_slice %arg2[%dma_wait3A_53] : memref<65536xf32, #tpu.memory_space<hbm>> -> memref<16384xf32, #tpu.memory_space<hbm>>
      %dma_wait3A_55 = arith.constant 0 : i32
      %dma_wait3A_56 = tpu.memref_slice %arg5[%dma_wait3A_55] : memref<16400xf32, #tpu.memory_space<vmem>> -> memref<16384xf32, #tpu.memory_space<vmem>>
      %dma_wait3A_57 = arith.constant 16384 : i32
      %dma_wait3A_58 = tpu.memref_slice %arg2[%dma_wait3A_57] : memref<65536xf32, #tpu.memory_space<hbm>> -> memref<16384xf32, #tpu.memory_space<hbm>>
      tpu.wait_dma2 semaphore(%arg11 : memref<!tpu.dma_semaphore, #tpu.memory_space<semaphore_mem>>) src(%dma_wait3A_58 : memref<16384xf32, #tpu.memory_space<hbm>>) dst(%dma_wait3A_56 : memref<16384xf32, #tpu.memory_space<vmem>>)
      %le3A_59 = arith.constant 1 : i32
      %le3A_60 = vector.broadcast %le3A_59 : i32 to vector<16xi32>
      %le3A_61 = arith.cmpi sle, %scan3A_41#1, %le3A_60 : vector<16xi32>
      %get3A_62 = arith.constant 0 : index
      %get3A_63 = tpu.vector_load %arg5[%get3A_62] {strides = array<i32>} : memref<16400xf32, #tpu.memory_space<vmem>>, vector<16xf32>,
      %get3A_64 = vector.shape_cast %get3A_63 : vector<16xf32> to vector<16xf32>
      %jit3A_65 = arith.constant 0.000000e+00 : f32
      %broadcast_in_dim3A_66 = vector.broadcast %jit3A_65 : f32 to vector<16xf32>
      %select_n3A_67 = arith.select %le3A_61, %get3A_64, %broadcast_in_dim3A_66 : vector<16xi1>, vector<16xf32>
      %scan3A_68 = arith.constant 0 : i32
      %scan3A_69 = arith.constant 128 : i32
      %scan3A_70 = arith.addi %scan3A_68, %scan3A_69 : i32
      %scan3A_71 = arith.constant 1 : i32
      %scan3A_72:3 = scf.for %scan3A_128 = %scan3A_68 to %scan3A_70 step %scan3A_71 iter_args(%scan3A_129 = %scan3A_41#0, %scan3A_130 = %scan3A_41#1, %scan3A_131 = %select_n3A_67) -> (vector<16xf32>, vector<16xi32>, vector<16xf32>)  : i32 {
        %mul3A_132 = arith.constant 8 : i32
        %mul3A_133 = arith.muli %scan3A_128, %mul3A_132 : i32
        %add3A_134 = arith.constant 0 : i32
        %add3A_135 = arith.addi %mul3A_133, %add3A_134 : i32
        %gt3A = arith.constant 1.000000e+00 : f32
        %gt3A_136 = vector.broadcast %gt3A : f32 to vector<16xf32>
        %gt3A_137 = arith.cmpf ogt, %scan3A_129, %gt3A_136 : vector<16xf32>
        %mul3A_138 = arith.constant 0.899999976 : f32
        %mul3A_139 = vector.broadcast %mul3A_138 : f32 to vector<16xf32>
        %mul3A_140 = arith.mulf %scan3A_129, %mul3A_139 : vector<16xf32>
        %add3A_141 = arith.addf %mul3A_140, %scan3A_131 : vector<16xf32>
        %jit3A_142 = arith.constant 0.000000e+00 : f32
        %broadcast_in_dim3A_143 = vector.broadcast %jit3A_142 : f32 to vector<16xf32>
        %select_n3A_144 = arith.select %gt3A_137, %broadcast_in_dim3A_143, %add3A_141 : vector<16xi1>, vector<16xf32>
        %add3A_145 = arith.constant 1024 : i32
        %add3A_146 = arith.addi %add3A_145, %add3A_135 : i32
        %mul3A_147 = arith.constant 16 : i32
        %mul3A_148 = arith.muli %add3A_146, %mul3A_147 : i32
        %swap3A = arith.index_cast %mul3A_148 : i32 to index
        %swap3A_149 = tpu.vector_load %arg6[%swap3A] {strides = array<i32>} : memref<65536xf32, #tpu.memory_space<vmem>>, vector<16xf32>,
        %swap3A_150 = vector.shape_cast %swap3A_149 : vector<16xf32> to vector<16xf32>
        %swap3A_151 = vector.shape_cast %select_n3A_144 : vector<16xf32> to vector<16xf32>
        tpu.vector_store %arg6[%swap3A], %swap3A_151 {strides = array<i32>} : memref<65536xf32, #tpu.memory_space<vmem>>, vector<16xf32>,
        %sub3A = arith.constant 1 : i32
        %sub3A_152 = vector.broadcast %sub3A : i32 to vector<16xi32>
        %sub3A_153 = arith.subi %scan3A_130, %sub3A_152 : vector<16xi32>
        %jit3A_154 = arith.constant 10 : i32
        %broadcast_in_dim3A_155 = vector.broadcast %jit3A_154 : i32 to vector<16xi32>
        %select_n3A_156 = arith.select %gt3A_137, %broadcast_in_dim3A_155, %sub3A_153 : vector<16xi1>, vector<16xi32>
        %le3A_157 = arith.constant 1 : i32
        %le3A_158 = vector.broadcast %le3A_157 : i32 to vector<16xi32>
        %le3A_159 = arith.cmpi sle, %select_n3A_156, %le3A_158 : vector<16xi32>
        %add3A_160 = arith.constant 1 : i32
        %add3A_161 = arith.addi %add3A_135, %add3A_160 : i32
        %mul3A_162 = arith.constant 16 : i32
        %mul3A_163 = arith.muli %add3A_161, %mul3A_162 : i32
        %get3A_164 = arith.index_cast %mul3A_163 : i32 to index
        %get3A_165 = tpu.vector_load %arg5[%get3A_164] {strides = array<i32>} : memref<16400xf32, #tpu.memory_space<vmem>>, vector<16xf32>,
        %get3A_166 = vector.shape_cast %get3A_165 : vector<16xf32> to vector<16xf32>
        %jit3A_167 = arith.constant 0.000000e+00 : f32
        %broadcast_in_dim3A_168 = vector.broadcast %jit3A_167 : f32 to vector<16xf32>
        %select_n3A_169 = arith.select %le3A_159, %get3A_166, %broadcast_in_dim3A_168 : vector<16xi1>, vector<16xf32>
        %mul3A_170 = arith.constant 8 : i32
        %mul3A_171 = arith.muli %scan3A_128, %mul3A_170 : i32
        %add3A_172 = arith.constant 1 : i32
        %add3A_173 = arith.addi %mul3A_171, %add3A_172 : i32
        %gt3A_174 = arith.constant 1.000000e+00 : f32
        %gt3A_175 = vector.broadcast %gt3A_174 : f32 to vector<16xf32>
        %gt3A_176 = arith.cmpf ogt, %select_n3A_144, %gt3A_175 : vector<16xf32>
        %mul3A_177 = arith.constant 0.899999976 : f32
        %mul3A_178 = vector.broadcast %mul3A_177 : f32 to vector<16xf32>
        %mul3A_179 = arith.mulf %select_n3A_144, %mul3A_178 : vector<16xf32>
        %add3A_180 = arith.addf %mul3A_179, %select_n3A_169 : vector<16xf32>
        %jit3A_181 = arith.constant 0.000000e+00 : f32
        %broadcast_in_dim3A_182 = vector.broadcast %jit3A_181 : f32 to vector<16xf32>
        %select_n3A_183 = arith.select %gt3A_176, %broadcast_in_dim3A_182, %add3A_180 : vector<16xi1>, vector<16xf32>
        %add3A_184 = arith.constant 1024 : i32
        %add3A_185 = arith.addi %add3A_184, %add3A_173 : i32
        %mul3A_186 = arith.constant 16 : i32
        %mul3A_187 = arith.muli %add3A_185, %mul3A_186 : i32
        %swap3A_188 = arith.index_cast %mul3A_187 : i32 to index
        %swap3A_189 = tpu.vector_load %arg6[%swap3A_188] {strides = array<i32>} : memref<65536xf32, #tpu.memory_space<vmem>>, vector<16xf32>,
        %swap3A_190 = vector.shape_cast %swap3A_189 : vector<16xf32> to vector<16xf32>
        %swap3A_191 = vector.shape_cast %select_n3A_183 : vector<16xf32> to vector<16xf32>
        tpu.vector_store %arg6[%swap3A_188], %swap3A_191 {strides = array<i32>} : memref<65536xf32, #tpu.memory_space<vmem>>, vector<16xf32>,
        %sub3A_192 = arith.constant 1 : i32
        %sub3A_193 = vector.broadcast %sub3A_192 : i32 to vector<16xi32>
        %sub3A_194 = arith.subi %select_n3A_156, %sub3A_193 : vector<16xi32>
        %jit3A_195 = arith.constant 10 : i32
        %broadcast_in_dim3A_196 = vector.broadcast %jit3A_195 : i32 to vector<16xi32>
        %select_n3A_197 = arith.select %gt3A_176, %broadcast_in_dim3A_196, %sub3A_194 : vector<16xi1>, vector<16xi32>
        %le3A_198 = arith.constant 1 : i32
        %le3A_199 = vector.broadcast %le3A_198 : i32 to vector<16xi32>
        %le3A_200 = arith.cmpi sle, %select_n3A_197, %le3A_199 : vector<16xi32>
        %add3A_201 = arith.constant 1 : i32
        %add3A_202 = arith.addi %add3A_173, %add3A_201 : i32
        %mul3A_203 = arith.constant 16 : i32
        %mul3A_204 = arith.muli %add3A_202, %mul3A_203 : i32
        %get3A_205 = arith.index_cast %mul3A_204 : i32 to index
        %get3A_206 = tpu.vector_load %arg5[%get3A_205] {strides = array<i32>} : memref<16400xf32, #tpu.memory_space<vmem>>, vector<16xf32>,
        %get3A_207 = vector.shape_cast %get3A_206 : vector<16xf32> to vector<16xf32>
        %jit3A_208 = arith.constant 0.000000e+00 : f32
        %broadcast_in_dim3A_209 = vector.broadcast %jit3A_208 : f32 to vector<16xf32>
        %select_n3A_210 = arith.select %le3A_200, %get3A_207, %broadcast_in_dim3A_209 : vector<16xi1>, vector<16xf32>
        %mul3A_211 = arith.constant 8 : i32
        %mul3A_212 = arith.muli %scan3A_128, %mul3A_211 : i32
        %add3A_213 = arith.constant 2 : i32
        %add3A_214 = arith.addi %mul3A_212, %add3A_213 : i32
        %gt3A_215 = arith.constant 1.000000e+00 : f32
        %gt3A_216 = vector.broadcast %gt3A_215 : f32 to vector<16xf32>
        %gt3A_217 = arith.cmpf ogt, %select_n3A_183, %gt3A_216 : vector<16xf32>
        %mul3A_218 = arith.constant 0.899999976 : f32
        %mul3A_219 = vector.broadcast %mul3A_218 : f32 to vector<16xf32>
        %mul3A_220 = arith.mulf %select_n3A_183, %mul3A_219 : vector<16xf32>
        %add3A_221 = arith.addf %mul3A_220, %select_n3A_210 : vector<16xf32>
        %jit3A_222 = arith.constant 0.000000e+00 : f32
        %broadcast_in_dim3A_223 = vector.broadcast %jit3A_222 : f32 to vector<16xf32>
        %select_n3A_224 = arith.select %gt3A_217, %broadcast_in_dim3A_223, %add3A_221 : vector<16xi1>, vector<16xf32>
        %add3A_225 = arith.constant 1024 : i32
        %add3A_226 = arith.addi %add3A_225, %add3A_214 : i32
        %mul3A_227 = arith.constant 16 : i32
        %mul3A_228 = arith.muli %add3A_226, %mul3A_227 : i32
        %swap3A_229 = arith.index_cast %mul3A_228 : i32 to index
        %swap3A_230 = tpu.vector_load %arg6[%swap3A_229] {strides = array<i32>} : memref<65536xf32, #tpu.memory_space<vmem>>, vector<16xf32>,
        %swap3A_231 = vector.shape_cast %swap3A_230 : vector<16xf32> to vector<16xf32>
        %swap3A_232 = vector.shape_cast %select_n3A_224 : vector<16xf32> to vector<16xf32>
        tpu.vector_store %arg6[%swap3A_229], %swap3A_232 {strides = array<i32>} : memref<65536xf32, #tpu.memory_space<vmem>>, vector<16xf32>,
        %sub3A_233 = arith.constant 1 : i32
        %sub3A_234 = vector.broadcast %sub3A_233 : i32 to vector<16xi32>
        %sub3A_235 = arith.subi %select_n3A_197, %sub3A_234 : vector<16xi32>
        %jit3A_236 = arith.constant 10 : i32
        %broadcast_in_dim3A_237 = vector.broadcast %jit3A_236 : i32 to vector<16xi32>
        %select_n3A_238 = arith.select %gt3A_217, %broadcast_in_dim3A_237, %sub3A_235 : vector<16xi1>, vector<16xi32>
        %le3A_239 = arith.constant 1 : i32
        %le3A_240 = vector.broadcast %le3A_239 : i32 to vector<16xi32>
        %le3A_241 = arith.cmpi sle, %select_n3A_238, %le3A_240 : vector<16xi32>
        %add3A_242 = arith.constant 1 : i32
        %add3A_243 = arith.addi %add3A_214, %add3A_242 : i32
        %mul3A_244 = arith.constant 16 : i32
        %mul3A_245 = arith.muli %add3A_243, %mul3A_244 : i32
        %get3A_246 = arith.index_cast %mul3A_245 : i32 to index
        %get3A_247 = tpu.vector_load %arg5[%get3A_246] {strides = array<i32>} : memref<16400xf32, #tpu.memory_space<vmem>>, vector<16xf32>,
        %get3A_248 = vector.shape_cast %get3A_247 : vector<16xf32> to vector<16xf32>
        %jit3A_249 = arith.constant 0.000000e+00 : f32
        %broadcast_in_dim3A_250 = vector.broadcast %jit3A_249 : f32 to vector<16xf32>
        %select_n3A_251 = arith.select %le3A_241, %get3A_248, %broadcast_in_dim3A_250 : vector<16xi1>, vector<16xf32>
        %mul3A_252 = arith.constant 8 : i32
        %mul3A_253 = arith.muli %scan3A_128, %mul3A_252 : i32
        %add3A_254 = arith.constant 3 : i32
        %add3A_255 = arith.addi %mul3A_253, %add3A_254 : i32
        %gt3A_256 = arith.constant 1.000000e+00 : f32
        %gt3A_257 = vector.broadcast %gt3A_256 : f32 to vector<16xf32>
        %gt3A_258 = arith.cmpf ogt, %select_n3A_224, %gt3A_257 : vector<16xf32>
        %mul3A_259 = arith.constant 0.899999976 : f32
        %mul3A_260 = vector.broadcast %mul3A_259 : f32 to vector<16xf32>
        %mul3A_261 = arith.mulf %select_n3A_224, %mul3A_260 : vector<16xf32>
        %add3A_262 = arith.addf %mul3A_261, %select_n3A_251 : vector<16xf32>
        %jit3A_263 = arith.constant 0.000000e+00 : f32
        %broadcast_in_dim3A_264 = vector.broadcast %jit3A_263 : f32 to vector<16xf32>
        %select_n3A_265 = arith.select %gt3A_258, %broadcast_in_dim3A_264, %add3A_262 : vector<16xi1>, vector<16xf32>
        %add3A_266 = arith.constant 1024 : i32
        %add3A_267 = arith.addi %add3A_266, %add3A_255 : i32
        %mul3A_268 = arith.constant 16 : i32
        %mul3A_269 = arith.muli %add3A_267, %mul3A_268 : i32
        %swap3A_270 = arith.index_cast %mul3A_269 : i32 to index
        %swap3A_271 = tpu.vector_load %arg6[%swap3A_270] {strides = array<i32>} : memref<65536xf32, #tpu.memory_space<vmem>>, vector<16xf32>,
        %swap3A_272 = vector.shape_cast %swap3A_271 : vector<16xf32> to vector<16xf32>
        %swap3A_273 = vector.shape_cast %select_n3A_265 : vector<16xf32> to vector<16xf32>
        tpu.vector_store %arg6[%swap3A_270], %swap3A_273 {strides = array<i32>} : memref<65536xf32, #tpu.memory_space<vmem>>, vector<16xf32>,
        %sub3A_274 = arith.constant 1 : i32
        %sub3A_275 = vector.broadcast %sub3A_274 : i32 to vector<16xi32>
        %sub3A_276 = arith.subi %select_n3A_238, %sub3A_275 : vector<16xi32>
        %jit3A_277 = arith.constant 10 : i32
        %broadcast_in_dim3A_278 = vector.broadcast %jit3A_277 : i32 to vector<16xi32>
        %select_n3A_279 = arith.select %gt3A_258, %broadcast_in_dim3A_278, %sub3A_276 : vector<16xi1>, vector<16xi32>
        %le3A_280 = arith.constant 1 : i32
        %le3A_281 = vector.broadcast %le3A_280 : i32 to vector<16xi32>
        %le3A_282 = arith.cmpi sle, %select_n3A_279, %le3A_281 : vector<16xi32>
        %add3A_283 = arith.constant 1 : i32
        %add3A_284 = arith.addi %add3A_255, %add3A_283 : i32
        %mul3A_285 = arith.constant 16 : i32
        %mul3A_286 = arith.muli %add3A_284, %mul3A_285 : i32
        %get3A_287 = arith.index_cast %mul3A_286 : i32 to index
        %get3A_288 = tpu.vector_load %arg5[%get3A_287] {strides = array<i32>} : memref<16400xf32, #tpu.memory_space<vmem>>, vector<16xf32>,
        %get3A_289 = vector.shape_cast %get3A_288 : vector<16xf32> to vector<16xf32>
        %jit3A_290 = arith.constant 0.000000e+00 : f32
        %broadcast_in_dim3A_291 = vector.broadcast %jit3A_290 : f32 to vector<16xf32>
        %select_n3A_292 = arith.select %le3A_282, %get3A_289, %broadcast_in_dim3A_291 : vector<16xi1>, vector<16xf32>
        %mul3A_293 = arith.constant 8 : i32
        %mul3A_294 = arith.muli %scan3A_128, %mul3A_293 : i32
        %add3A_295 = arith.constant 4 : i32
        %add3A_296 = arith.addi %mul3A_294, %add3A_295 : i32
        %gt3A_297 = arith.constant 1.000000e+00 : f32
        %gt3A_298 = vector.broadcast %gt3A_297 : f32 to vector<16xf32>
        %gt3A_299 = arith.cmpf ogt, %select_n3A_265, %gt3A_298 : vector<16xf32>
        %mul3A_300 = arith.constant 0.899999976 : f32
        %mul3A_301 = vector.broadcast %mul3A_300 : f32 to vector<16xf32>
        %mul3A_302 = arith.mulf %select_n3A_265, %mul3A_301 : vector<16xf32>
        %add3A_303 = arith.addf %mul3A_302, %select_n3A_292 : vector<16xf32>
        %jit3A_304 = arith.constant 0.000000e+00 : f32
        %broadcast_in_dim3A_305 = vector.broadcast %jit3A_304 : f32 to vector<16xf32>
        %select_n3A_306 = arith.select %gt3A_299, %broadcast_in_dim3A_305, %add3A_303 : vector<16xi1>, vector<16xf32>
        %add3A_307 = arith.constant 1024 : i32
        %add3A_308 = arith.addi %add3A_307, %add3A_296 : i32
        %mul3A_309 = arith.constant 16 : i32
        %mul3A_310 = arith.muli %add3A_308, %mul3A_309 : i32
        %swap3A_311 = arith.index_cast %mul3A_310 : i32 to index
        %swap3A_312 = tpu.vector_load %arg6[%swap3A_311] {strides = array<i32>} : memref<65536xf32, #tpu.memory_space<vmem>>, vector<16xf32>,
        %swap3A_313 = vector.shape_cast %swap3A_312 : vector<16xf32> to vector<16xf32>
        %swap3A_314 = vector.shape_cast %select_n3A_306 : vector<16xf32> to vector<16xf32>
        tpu.vector_store %arg6[%swap3A_311], %swap3A_314 {strides = array<i32>} : memref<65536xf32, #tpu.memory_space<vmem>>, vector<16xf32>,
        %sub3A_315 = arith.constant 1 : i32
        %sub3A_316 = vector.broadcast %sub3A_315 : i32 to vector<16xi32>
        %sub3A_317 = arith.subi %select_n3A_279, %sub3A_316 : vector<16xi32>
        %jit3A_318 = arith.constant 10 : i32
        %broadcast_in_dim3A_319 = vector.broadcast %jit3A_318 : i32 to vector<16xi32>
        %select_n3A_320 = arith.select %gt3A_299, %broadcast_in_dim3A_319, %sub3A_317 : vector<16xi1>, vector<16xi32>
        %le3A_321 = arith.constant 1 : i32
        %le3A_322 = vector.broadcast %le3A_321 : i32 to vector<16xi32>
        %le3A_323 = arith.cmpi sle, %select_n3A_320, %le3A_322 : vector<16xi32>
        %add3A_324 = arith.constant 1 : i32
        %add3A_325 = arith.addi %add3A_296, %add3A_324 : i32
        %mul3A_326 = arith.constant 16 : i32
        %mul3A_327 = arith.muli %add3A_325, %mul3A_326 : i32
        %get3A_328 = arith.index_cast %mul3A_327 : i32 to index
        %get3A_329 = tpu.vector_load %arg5[%get3A_328] {strides = array<i32>} : memref<16400xf32, #tpu.memory_space<vmem>>, vector<16xf32>,
        %get3A_330 = vector.shape_cast %get3A_329 : vector<16xf32> to vector<16xf32>
        %jit3A_331 = arith.constant 0.000000e+00 : f32
        %broadcast_in_dim3A_332 = vector.broadcast %jit3A_331 : f32 to vector<16xf32>
        %select_n3A_333 = arith.select %le3A_323, %get3A_330, %broadcast_in_dim3A_332 : vector<16xi1>, vector<16xf32>
        %mul3A_334 = arith.constant 8 : i32
        %mul3A_335 = arith.muli %scan3A_128, %mul3A_334 : i32
        %add3A_336 = arith.constant 5 : i32
        %add3A_337 = arith.addi %mul3A_335, %add3A_336 : i32
        %gt3A_338 = arith.constant 1.000000e+00 : f32
        %gt3A_339 = vector.broadcast %gt3A_338 : f32 to vector<16xf32>
        %gt3A_340 = arith.cmpf ogt, %select_n3A_306, %gt3A_339 : vector<16xf32>
        %mul3A_341 = arith.constant 0.899999976 : f32
        %mul3A_342 = vector.broadcast %mul3A_341 : f32 to vector<16xf32>
        %mul3A_343 = arith.mulf %select_n3A_306, %mul3A_342 : vector<16xf32>
        %add3A_344 = arith.addf %mul3A_343, %select_n3A_333 : vector<16xf32>
        %jit3A_345 = arith.constant 0.000000e+00 : f32
        %broadcast_in_dim3A_346 = vector.broadcast %jit3A_345 : f32 to vector<16xf32>
        %select_n3A_347 = arith.select %gt3A_340, %broadcast_in_dim3A_346, %add3A_344 : vector<16xi1>, vector<16xf32>
        %add3A_348 = arith.constant 1024 : i32
        %add3A_349 = arith.addi %add3A_348, %add3A_337 : i32
        %mul3A_350 = arith.constant 16 : i32
        %mul3A_351 = arith.muli %add3A_349, %mul3A_350 : i32
        %swap3A_352 = arith.index_cast %mul3A_351 : i32 to index
        %swap3A_353 = tpu.vector_load %arg6[%swap3A_352] {strides = array<i32>} : memref<65536xf32, #tpu.memory_space<vmem>>, vector<16xf32>,
        %swap3A_354 = vector.shape_cast %swap3A_353 : vector<16xf32> to vector<16xf32>
        %swap3A_355 = vector.shape_cast %select_n3A_347 : vector<16xf32> to vector<16xf32>
        tpu.vector_store %arg6[%swap3A_352], %swap3A_355 {strides = array<i32>} : memref<65536xf32, #tpu.memory_space<vmem>>, vector<16xf32>,
        %sub3A_356 = arith.constant 1 : i32
        %sub3A_357 = vector.broadcast %sub3A_356 : i32 to vector<16xi32>
        %sub3A_358 = arith.subi %select_n3A_320, %sub3A_357 : vector<16xi32>
        %jit3A_359 = arith.constant 10 : i32
        %broadcast_in_dim3A_360 = vector.broadcast %jit3A_359 : i32 to vector<16xi32>
        %select_n3A_361 = arith.select %gt3A_340, %broadcast_in_dim3A_360, %sub3A_358 : vector<16xi1>, vector<16xi32>
        %le3A_362 = arith.constant 1 : i32
        %le3A_363 = vector.broadcast %le3A_362 : i32 to vector<16xi32>
        %le3A_364 = arith.cmpi sle, %select_n3A_361, %le3A_363 : vector<16xi32>
        %add3A_365 = arith.constant 1 : i32
        %add3A_366 = arith.addi %add3A_337, %add3A_365 : i32
        %mul3A_367 = arith.constant 16 : i32
        %mul3A_368 = arith.muli %add3A_366, %mul3A_367 : i32
        %get3A_369 = arith.index_cast %mul3A_368 : i32 to index
        %get3A_370 = tpu.vector_load %arg5[%get3A_369] {strides = array<i32>} : memref<16400xf32, #tpu.memory_space<vmem>>, vector<16xf32>,
        %get3A_371 = vector.shape_cast %get3A_370 : vector<16xf32> to vector<16xf32>
        %jit3A_372 = arith.constant 0.000000e+00 : f32
        %broadcast_in_dim3A_373 = vector.broadcast %jit3A_372 : f32 to vector<16xf32>
        %select_n3A_374 = arith.select %le3A_364, %get3A_371, %broadcast_in_dim3A_373 : vector<16xi1>, vector<16xf32>
        %mul3A_375 = arith.constant 8 : i32
        %mul3A_376 = arith.muli %scan3A_128, %mul3A_375 : i32
        %add3A_377 = arith.constant 6 : i32
        %add3A_378 = arith.addi %mul3A_376, %add3A_377 : i32
        %gt3A_379 = arith.constant 1.000000e+00 : f32
        %gt3A_380 = vector.broadcast %gt3A_379 : f32 to vector<16xf32>
        %gt3A_381 = arith.cmpf ogt, %select_n3A_347, %gt3A_380 : vector<16xf32>
        %mul3A_382 = arith.constant 0.899999976 : f32
        %mul3A_383 = vector.broadcast %mul3A_382 : f32 to vector<16xf32>
        %mul3A_384 = arith.mulf %select_n3A_347, %mul3A_383 : vector<16xf32>
        %add3A_385 = arith.addf %mul3A_384, %select_n3A_374 : vector<16xf32>
        %jit3A_386 = arith.constant 0.000000e+00 : f32
        %broadcast_in_dim3A_387 = vector.broadcast %jit3A_386 : f32 to vector<16xf32>
        %select_n3A_388 = arith.select %gt3A_381, %broadcast_in_dim3A_387, %add3A_385 : vector<16xi1>, vector<16xf32>
        %add3A_389 = arith.constant 1024 : i32
        %add3A_390 = arith.addi %add3A_389, %add3A_378 : i32
        %mul3A_391 = arith.constant 16 : i32
        %mul3A_392 = arith.muli %add3A_390, %mul3A_391 : i32
        %swap3A_393 = arith.index_cast %mul3A_392 : i32 to index
        %swap3A_394 = tpu.vector_load %arg6[%swap3A_393] {strides = array<i32>} : memref<65536xf32, #tpu.memory_space<vmem>>, vector<16xf32>,
        %swap3A_395 = vector.shape_cast %swap3A_394 : vector<16xf32> to vector<16xf32>
        %swap3A_396 = vector.shape_cast %select_n3A_388 : vector<16xf32> to vector<16xf32>
        tpu.vector_store %arg6[%swap3A_393], %swap3A_396 {strides = array<i32>} : memref<65536xf32, #tpu.memory_space<vmem>>, vector<16xf32>,
        %sub3A_397 = arith.constant 1 : i32
        %sub3A_398 = vector.broadcast %sub3A_397 : i32 to vector<16xi32>
        %sub3A_399 = arith.subi %select_n3A_361, %sub3A_398 : vector<16xi32>
        %jit3A_400 = arith.constant 10 : i32
        %broadcast_in_dim3A_401 = vector.broadcast %jit3A_400 : i32 to vector<16xi32>
        %select_n3A_402 = arith.select %gt3A_381, %broadcast_in_dim3A_401, %sub3A_399 : vector<16xi1>, vector<16xi32>
        %le3A_403 = arith.constant 1 : i32
        %le3A_404 = vector.broadcast %le3A_403 : i32 to vector<16xi32>
        %le3A_405 = arith.cmpi sle, %select_n3A_402, %le3A_404 : vector<16xi32>
        %add3A_406 = arith.constant 1 : i32
        %add3A_407 = arith.addi %add3A_378, %add3A_406 : i32
        %mul3A_408 = arith.constant 16 : i32
        %mul3A_409 = arith.muli %add3A_407, %mul3A_408 : i32
        %get3A_410 = arith.index_cast %mul3A_409 : i32 to index
        %get3A_411 = tpu.vector_load %arg5[%get3A_410] {strides = array<i32>} : memref<16400xf32, #tpu.memory_space<vmem>>, vector<16xf32>,
        %get3A_412 = vector.shape_cast %get3A_411 : vector<16xf32> to vector<16xf32>
        %jit3A_413 = arith.constant 0.000000e+00 : f32
        %broadcast_in_dim3A_414 = vector.broadcast %jit3A_413 : f32 to vector<16xf32>
        %select_n3A_415 = arith.select %le3A_405, %get3A_412, %broadcast_in_dim3A_414 : vector<16xi1>, vector<16xf32>
        %mul3A_416 = arith.constant 8 : i32
        %mul3A_417 = arith.muli %scan3A_128, %mul3A_416 : i32
        %add3A_418 = arith.constant 7 : i32
        %add3A_419 = arith.addi %mul3A_417, %add3A_418 : i32
        %gt3A_420 = arith.constant 1.000000e+00 : f32
        %gt3A_421 = vector.broadcast %gt3A_420 : f32 to vector<16xf32>
        %gt3A_422 = arith.cmpf ogt, %select_n3A_388, %gt3A_421 : vector<16xf32>
        %mul3A_423 = arith.constant 0.899999976 : f32
        %mul3A_424 = vector.broadcast %mul3A_423 : f32 to vector<16xf32>
        %mul3A_425 = arith.mulf %select_n3A_388, %mul3A_424 : vector<16xf32>
        %add3A_426 = arith.addf %mul3A_425, %select_n3A_415 : vector<16xf32>
        %jit3A_427 = arith.constant 0.000000e+00 : f32
        %broadcast_in_dim3A_428 = vector.broadcast %jit3A_427 : f32 to vector<16xf32>
        %select_n3A_429 = arith.select %gt3A_422, %broadcast_in_dim3A_428, %add3A_426 : vector<16xi1>, vector<16xf32>
        %add3A_430 = arith.constant 1024 : i32
        %add3A_431 = arith.addi %add3A_430, %add3A_419 : i32
        %mul3A_432 = arith.constant 16 : i32
        %mul3A_433 = arith.muli %add3A_431, %mul3A_432 : i32
        %swap3A_434 = arith.index_cast %mul3A_433 : i32 to index
        %swap3A_435 = tpu.vector_load %arg6[%swap3A_434] {strides = array<i32>} : memref<65536xf32, #tpu.memory_space<vmem>>, vector<16xf32>,
        %swap3A_436 = vector.shape_cast %swap3A_435 : vector<16xf32> to vector<16xf32>
        %swap3A_437 = vector.shape_cast %select_n3A_429 : vector<16xf32> to vector<16xf32>
        tpu.vector_store %arg6[%swap3A_434], %swap3A_437 {strides = array<i32>} : memref<65536xf32, #tpu.memory_space<vmem>>, vector<16xf32>,
        %sub3A_438 = arith.constant 1 : i32
        %sub3A_439 = vector.broadcast %sub3A_438 : i32 to vector<16xi32>
        %sub3A_440 = arith.subi %select_n3A_402, %sub3A_439 : vector<16xi32>
        %jit3A_441 = arith.constant 10 : i32
        %broadcast_in_dim3A_442 = vector.broadcast %jit3A_441 : i32 to vector<16xi32>
        %select_n3A_443 = arith.select %gt3A_422, %broadcast_in_dim3A_442, %sub3A_440 : vector<16xi1>, vector<16xi32>
        %le3A_444 = arith.constant 1 : i32
        %le3A_445 = vector.broadcast %le3A_444 : i32 to vector<16xi32>
        %le3A_446 = arith.cmpi sle, %select_n3A_443, %le3A_445 : vector<16xi32>
        %add3A_447 = arith.constant 1 : i32
        %add3A_448 = arith.addi %add3A_419, %add3A_447 : i32
        %mul3A_449 = arith.constant 16 : i32
        %mul3A_450 = arith.muli %add3A_448, %mul3A_449 : i32
        %get3A_451 = arith.index_cast %mul3A_450 : i32 to index
        %get3A_452 = tpu.vector_load %arg5[%get3A_451] {strides = array<i32>} : memref<16400xf32, #tpu.memory_space<vmem>>, vector<16xf32>,
        %get3A_453 = vector.shape_cast %get3A_452 : vector<16xf32> to vector<16xf32>
        %jit3A_454 = arith.constant 0.000000e+00 : f32
        %broadcast_in_dim3A_455 = vector.broadcast %jit3A_454 : f32 to vector<16xf32>
        %select_n3A_456 = arith.select %le3A_446, %get3A_453, %broadcast_in_dim3A_455 : vector<16xi1>, vector<16xf32>
        scf.yield %select_n3A_429, %select_n3A_443, %select_n3A_456 : vector<16xf32>, vector<16xi32>, vector<16xf32>
      }
      %scan3A_73 = arith.constant 128 : i32
      %dma_start3A_74 = arith.constant 0 : i32
      %dma_start3A_75 = tpu.memref_slice %arg5[%dma_start3A_74] : memref<16400xf32, #tpu.memory_space<vmem>> -> memref<16384xf32, #tpu.memory_space<vmem>>
      %dma_start3A_76 = arith.constant 49152 : i32
      %dma_start3A_77 = tpu.memref_slice %arg2[%dma_start3A_76] : memref<65536xf32, #tpu.memory_space<hbm>> -> memref<16384xf32, #tpu.memory_space<hbm>>
      %dma_start3A_78 = arith.constant 0 : i32
      %dma_start3A_79 = tpu.memref_slice %arg5[%dma_start3A_78] : memref<16400xf32, #tpu.memory_space<vmem>> -> memref<16384xf32, #tpu.memory_space<vmem>>
      %dma_start3A_80 = arith.constant 49152 : i32
      %dma_start3A_81 = tpu.memref_slice %arg2[%dma_start3A_80] : memref<65536xf32, #tpu.memory_space<hbm>> -> memref<16384xf32, #tpu.memory_space<hbm>>
      tpu.enqueue_dma source(%dma_start3A_81 : memref<16384xf32, #tpu.memory_space<hbm>>) target(%dma_start3A_79 : memref<16384xf32, #tpu.memory_space<vmem>>) target_semaphore(%arg11 : memref<!tpu.dma_semaphore, #tpu.memory_space<semaphore_mem>>)
      %dma_wait3A_82 = arith.constant 0 : i32
      %dma_wait3A_83 = tpu.memref_slice %arg4[%dma_wait3A_82] : memref<16400xf32, #tpu.memory_space<vmem>> -> memref<16384xf32, #tpu.memory_space<vmem>>
      %dma_wait3A_84 = arith.constant 32768 : i32
      %dma_wait3A_85 = tpu.memref_slice %arg2[%dma_wait3A_84] : memref<65536xf32, #tpu.memory_space<hbm>> -> memref<16384xf32, #tpu.memory_space<hbm>>
      %dma_wait3A_86 = arith.constant 0 : i32
      %dma_wait3A_87 = tpu.memref_slice %arg4[%dma_wait3A_86] : memref<16400xf32, #tpu.memory_space<vmem>> -> memref<16384xf32, #tpu.memory_space<vmem>>
      %dma_wait3A_88 = arith.constant 32768 : i32
      %dma_wait3A_89 = tpu.memref_slice %arg2[%dma_wait3A_88] : memref<65536xf32, #tpu.memory_space<hbm>> -> memref<16384xf32, #tpu.memory_space<hbm>>
      tpu.wait_dma2 semaphore(%arg10 : memref<!tpu.dma_semaphore, #tpu.memory_space<semaphore_mem>>) src(%dma_wait3A_89 : memref<16384xf32, #tpu.memory_space<hbm>>) dst(%dma_wait3A_87 : memref<16384xf32, #tpu.memory_space<vmem>>)
      %le3A_90 = arith.constant 1 : i32
      %le3A_91 = vector.broadcast %le3A_90 : i32 to vector<16xi32>
      %le3A_92 = arith.cmpi sle, %scan3A_72#1, %le3A_91 : vector<16xi32>
      %get3A_93 = arith.constant 0 : index
      %get3A_94 = tpu.vector_load %arg4[%get3A_93] {strides = array<i32>} : memref<16400xf32, #tpu.memory_space<vmem>>, vector<16xf32>,
      %get3A_95 = vector.shape_cast %get3A_94 : vector<16xf32> to vector<16xf32>
      %jit3A_96 = arith.constant 0.000000e+00 : f32
      %broadcast_in_dim3A_97 = vector.broadcast %jit3A_96 : f32 to vector<16xf32>
      %select_n3A_98 = arith.select %le3A_92, %get3A_95, %broadcast_in_dim3A_97 : vector<16xi1>, vector<16xf32>
      %scan3A_99 = arith.constant 0 : i32
      %scan3A_100 = arith.constant 128 : i32
      %scan3A_101 = arith.addi %scan3A_99, %scan3A_100 : i32
      %scan3A_102 = arith.constant 1 : i32
      %scan3A_103:3 = scf.for %scan3A_128 = %scan3A_99 to %scan3A_101 step %scan3A_102 iter_args(%scan3A_129 = %scan3A_72#0, %scan3A_130 = %scan3A_72#1, %scan3A_131 = %select_n3A_98) -> (vector<16xf32>, vector<16xi32>, vector<16xf32>)  : i32 {
        %mul3A_132 = arith.constant 8 : i32
        %mul3A_133 = arith.muli %scan3A_128, %mul3A_132 : i32
        %add3A_134 = arith.constant 0 : i32
        %add3A_135 = arith.addi %mul3A_133, %add3A_134 : i32
        %gt3A = arith.constant 1.000000e+00 : f32
        %gt3A_136 = vector.broadcast %gt3A : f32 to vector<16xf32>
        %gt3A_137 = arith.cmpf ogt, %scan3A_129, %gt3A_136 : vector<16xf32>
        %mul3A_138 = arith.constant 0.899999976 : f32
        %mul3A_139 = vector.broadcast %mul3A_138 : f32 to vector<16xf32>
        %mul3A_140 = arith.mulf %scan3A_129, %mul3A_139 : vector<16xf32>
        %add3A_141 = arith.addf %mul3A_140, %scan3A_131 : vector<16xf32>
        %jit3A_142 = arith.constant 0.000000e+00 : f32
        %broadcast_in_dim3A_143 = vector.broadcast %jit3A_142 : f32 to vector<16xf32>
        %select_n3A_144 = arith.select %gt3A_137, %broadcast_in_dim3A_143, %add3A_141 : vector<16xi1>, vector<16xf32>
        %add3A_145 = arith.constant 2048 : i32
        %add3A_146 = arith.addi %add3A_145, %add3A_135 : i32
        %mul3A_147 = arith.constant 16 : i32
        %mul3A_148 = arith.muli %add3A_146, %mul3A_147 : i32
        %swap3A = arith.index_cast %mul3A_148 : i32 to index
        %swap3A_149 = tpu.vector_load %arg6[%swap3A] {strides = array<i32>} : memref<65536xf32, #tpu.memory_space<vmem>>, vector<16xf32>,
        %swap3A_150 = vector.shape_cast %swap3A_149 : vector<16xf32> to vector<16xf32>
        %swap3A_151 = vector.shape_cast %select_n3A_144 : vector<16xf32> to vector<16xf32>
        tpu.vector_store %arg6[%swap3A], %swap3A_151 {strides = array<i32>} : memref<65536xf32, #tpu.memory_space<vmem>>, vector<16xf32>,
        %sub3A = arith.constant 1 : i32
        %sub3A_152 = vector.broadcast %sub3A : i32 to vector<16xi32>
        %sub3A_153 = arith.subi %scan3A_130, %sub3A_152 : vector<16xi32>
        %jit3A_154 = arith.constant 10 : i32
        %broadcast_in_dim3A_155 = vector.broadcast %jit3A_154 : i32 to vector<16xi32>
        %select_n3A_156 = arith.select %gt3A_137, %broadcast_in_dim3A_155, %sub3A_153 : vector<16xi1>, vector<16xi32>
        %le3A_157 = arith.constant 1 : i32
        %le3A_158 = vector.broadcast %le3A_157 : i32 to vector<16xi32>
        %le3A_159 = arith.cmpi sle, %select_n3A_156, %le3A_158 : vector<16xi32>
        %add3A_160 = arith.constant 1 : i32
        %add3A_161 = arith.addi %add3A_135, %add3A_160 : i32
        %mul3A_162 = arith.constant 16 : i32
        %mul3A_163 = arith.muli %add3A_161, %mul3A_162 : i32
        %get3A_164 = arith.index_cast %mul3A_163 : i32 to index
        %get3A_165 = tpu.vector_load %arg4[%get3A_164] {strides = array<i32>} : memref<16400xf32, #tpu.memory_space<vmem>>, vector<16xf32>,
        %get3A_166 = vector.shape_cast %get3A_165 : vector<16xf32> to vector<16xf32>
        %jit3A_167 = arith.constant 0.000000e+00 : f32
        %broadcast_in_dim3A_168 = vector.broadcast %jit3A_167 : f32 to vector<16xf32>
        %select_n3A_169 = arith.select %le3A_159, %get3A_166, %broadcast_in_dim3A_168 : vector<16xi1>, vector<16xf32>
        %mul3A_170 = arith.constant 8 : i32
        %mul3A_171 = arith.muli %scan3A_128, %mul3A_170 : i32
        %add3A_172 = arith.constant 1 : i32
        %add3A_173 = arith.addi %mul3A_171, %add3A_172 : i32
        %gt3A_174 = arith.constant 1.000000e+00 : f32
        %gt3A_175 = vector.broadcast %gt3A_174 : f32 to vector<16xf32>
        %gt3A_176 = arith.cmpf ogt, %select_n3A_144, %gt3A_175 : vector<16xf32>
        %mul3A_177 = arith.constant 0.899999976 : f32
        %mul3A_178 = vector.broadcast %mul3A_177 : f32 to vector<16xf32>
        %mul3A_179 = arith.mulf %select_n3A_144, %mul3A_178 : vector<16xf32>
        %add3A_180 = arith.addf %mul3A_179, %select_n3A_169 : vector<16xf32>
        %jit3A_181 = arith.constant 0.000000e+00 : f32
        %broadcast_in_dim3A_182 = vector.broadcast %jit3A_181 : f32 to vector<16xf32>
        %select_n3A_183 = arith.select %gt3A_176, %broadcast_in_dim3A_182, %add3A_180 : vector<16xi1>, vector<16xf32>
        %add3A_184 = arith.constant 2048 : i32
        %add3A_185 = arith.addi %add3A_184, %add3A_173 : i32
        %mul3A_186 = arith.constant 16 : i32
        %mul3A_187 = arith.muli %add3A_185, %mul3A_186 : i32
        %swap3A_188 = arith.index_cast %mul3A_187 : i32 to index
        %swap3A_189 = tpu.vector_load %arg6[%swap3A_188] {strides = array<i32>} : memref<65536xf32, #tpu.memory_space<vmem>>, vector<16xf32>,
        %swap3A_190 = vector.shape_cast %swap3A_189 : vector<16xf32> to vector<16xf32>
        %swap3A_191 = vector.shape_cast %select_n3A_183 : vector<16xf32> to vector<16xf32>
        tpu.vector_store %arg6[%swap3A_188], %swap3A_191 {strides = array<i32>} : memref<65536xf32, #tpu.memory_space<vmem>>, vector<16xf32>,
        %sub3A_192 = arith.constant 1 : i32
        %sub3A_193 = vector.broadcast %sub3A_192 : i32 to vector<16xi32>
        %sub3A_194 = arith.subi %select_n3A_156, %sub3A_193 : vector<16xi32>
        %jit3A_195 = arith.constant 10 : i32
        %broadcast_in_dim3A_196 = vector.broadcast %jit3A_195 : i32 to vector<16xi32>
        %select_n3A_197 = arith.select %gt3A_176, %broadcast_in_dim3A_196, %sub3A_194 : vector<16xi1>, vector<16xi32>
        %le3A_198 = arith.constant 1 : i32
        %le3A_199 = vector.broadcast %le3A_198 : i32 to vector<16xi32>
        %le3A_200 = arith.cmpi sle, %select_n3A_197, %le3A_199 : vector<16xi32>
        %add3A_201 = arith.constant 1 : i32
        %add3A_202 = arith.addi %add3A_173, %add3A_201 : i32
        %mul3A_203 = arith.constant 16 : i32
        %mul3A_204 = arith.muli %add3A_202, %mul3A_203 : i32
        %get3A_205 = arith.index_cast %mul3A_204 : i32 to index
        %get3A_206 = tpu.vector_load %arg4[%get3A_205] {strides = array<i32>} : memref<16400xf32, #tpu.memory_space<vmem>>, vector<16xf32>,
        %get3A_207 = vector.shape_cast %get3A_206 : vector<16xf32> to vector<16xf32>
        %jit3A_208 = arith.constant 0.000000e+00 : f32
        %broadcast_in_dim3A_209 = vector.broadcast %jit3A_208 : f32 to vector<16xf32>
        %select_n3A_210 = arith.select %le3A_200, %get3A_207, %broadcast_in_dim3A_209 : vector<16xi1>, vector<16xf32>
        %mul3A_211 = arith.constant 8 : i32
        %mul3A_212 = arith.muli %scan3A_128, %mul3A_211 : i32
        %add3A_213 = arith.constant 2 : i32
        %add3A_214 = arith.addi %mul3A_212, %add3A_213 : i32
        %gt3A_215 = arith.constant 1.000000e+00 : f32
        %gt3A_216 = vector.broadcast %gt3A_215 : f32 to vector<16xf32>
        %gt3A_217 = arith.cmpf ogt, %select_n3A_183, %gt3A_216 : vector<16xf32>
        %mul3A_218 = arith.constant 0.899999976 : f32
        %mul3A_219 = vector.broadcast %mul3A_218 : f32 to vector<16xf32>
        %mul3A_220 = arith.mulf %select_n3A_183, %mul3A_219 : vector<16xf32>
        %add3A_221 = arith.addf %mul3A_220, %select_n3A_210 : vector<16xf32>
        %jit3A_222 = arith.constant 0.000000e+00 : f32
        %broadcast_in_dim3A_223 = vector.broadcast %jit3A_222 : f32 to vector<16xf32>
        %select_n3A_224 = arith.select %gt3A_217, %broadcast_in_dim3A_223, %add3A_221 : vector<16xi1>, vector<16xf32>
        %add3A_225 = arith.constant 2048 : i32
        %add3A_226 = arith.addi %add3A_225, %add3A_214 : i32
        %mul3A_227 = arith.constant 16 : i32
        %mul3A_228 = arith.muli %add3A_226, %mul3A_227 : i32
        %swap3A_229 = arith.index_cast %mul3A_228 : i32 to index
        %swap3A_230 = tpu.vector_load %arg6[%swap3A_229] {strides = array<i32>} : memref<65536xf32, #tpu.memory_space<vmem>>, vector<16xf32>,
        %swap3A_231 = vector.shape_cast %swap3A_230 : vector<16xf32> to vector<16xf32>
        %swap3A_232 = vector.shape_cast %select_n3A_224 : vector<16xf32> to vector<16xf32>
        tpu.vector_store %arg6[%swap3A_229], %swap3A_232 {strides = array<i32>} : memref<65536xf32, #tpu.memory_space<vmem>>, vector<16xf32>,
        %sub3A_233 = arith.constant 1 : i32
        %sub3A_234 = vector.broadcast %sub3A_233 : i32 to vector<16xi32>
        %sub3A_235 = arith.subi %select_n3A_197, %sub3A_234 : vector<16xi32>
        %jit3A_236 = arith.constant 10 : i32
        %broadcast_in_dim3A_237 = vector.broadcast %jit3A_236 : i32 to vector<16xi32>
        %select_n3A_238 = arith.select %gt3A_217, %broadcast_in_dim3A_237, %sub3A_235 : vector<16xi1>, vector<16xi32>
        %le3A_239 = arith.constant 1 : i32
        %le3A_240 = vector.broadcast %le3A_239 : i32 to vector<16xi32>
        %le3A_241 = arith.cmpi sle, %select_n3A_238, %le3A_240 : vector<16xi32>
        %add3A_242 = arith.constant 1 : i32
        %add3A_243 = arith.addi %add3A_214, %add3A_242 : i32
        %mul3A_244 = arith.constant 16 : i32
        %mul3A_245 = arith.muli %add3A_243, %mul3A_244 : i32
        %get3A_246 = arith.index_cast %mul3A_245 : i32 to index
        %get3A_247 = tpu.vector_load %arg4[%get3A_246] {strides = array<i32>} : memref<16400xf32, #tpu.memory_space<vmem>>, vector<16xf32>,
        %get3A_248 = vector.shape_cast %get3A_247 : vector<16xf32> to vector<16xf32>
        %jit3A_249 = arith.constant 0.000000e+00 : f32
        %broadcast_in_dim3A_250 = vector.broadcast %jit3A_249 : f32 to vector<16xf32>
        %select_n3A_251 = arith.select %le3A_241, %get3A_248, %broadcast_in_dim3A_250 : vector<16xi1>, vector<16xf32>
        %mul3A_252 = arith.constant 8 : i32
        %mul3A_253 = arith.muli %scan3A_128, %mul3A_252 : i32
        %add3A_254 = arith.constant 3 : i32
        %add3A_255 = arith.addi %mul3A_253, %add3A_254 : i32
        %gt3A_256 = arith.constant 1.000000e+00 : f32
        %gt3A_257 = vector.broadcast %gt3A_256 : f32 to vector<16xf32>
        %gt3A_258 = arith.cmpf ogt, %select_n3A_224, %gt3A_257 : vector<16xf32>
        %mul3A_259 = arith.constant 0.899999976 : f32
        %mul3A_260 = vector.broadcast %mul3A_259 : f32 to vector<16xf32>
        %mul3A_261 = arith.mulf %select_n3A_224, %mul3A_260 : vector<16xf32>
        %add3A_262 = arith.addf %mul3A_261, %select_n3A_251 : vector<16xf32>
        %jit3A_263 = arith.constant 0.000000e+00 : f32
        %broadcast_in_dim3A_264 = vector.broadcast %jit3A_263 : f32 to vector<16xf32>
        %select_n3A_265 = arith.select %gt3A_258, %broadcast_in_dim3A_264, %add3A_262 : vector<16xi1>, vector<16xf32>
        %add3A_266 = arith.constant 2048 : i32
        %add3A_267 = arith.addi %add3A_266, %add3A_255 : i32
        %mul3A_268 = arith.constant 16 : i32
        %mul3A_269 = arith.muli %add3A_267, %mul3A_268 : i32
        %swap3A_270 = arith.index_cast %mul3A_269 : i32 to index
        %swap3A_271 = tpu.vector_load %arg6[%swap3A_270] {strides = array<i32>} : memref<65536xf32, #tpu.memory_space<vmem>>, vector<16xf32>,
        %swap3A_272 = vector.shape_cast %swap3A_271 : vector<16xf32> to vector<16xf32>
        %swap3A_273 = vector.shape_cast %select_n3A_265 : vector<16xf32> to vector<16xf32>
        tpu.vector_store %arg6[%swap3A_270], %swap3A_273 {strides = array<i32>} : memref<65536xf32, #tpu.memory_space<vmem>>, vector<16xf32>,
        %sub3A_274 = arith.constant 1 : i32
        %sub3A_275 = vector.broadcast %sub3A_274 : i32 to vector<16xi32>
        %sub3A_276 = arith.subi %select_n3A_238, %sub3A_275 : vector<16xi32>
        %jit3A_277 = arith.constant 10 : i32
        %broadcast_in_dim3A_278 = vector.broadcast %jit3A_277 : i32 to vector<16xi32>
        %select_n3A_279 = arith.select %gt3A_258, %broadcast_in_dim3A_278, %sub3A_276 : vector<16xi1>, vector<16xi32>
        %le3A_280 = arith.constant 1 : i32
        %le3A_281 = vector.broadcast %le3A_280 : i32 to vector<16xi32>
        %le3A_282 = arith.cmpi sle, %select_n3A_279, %le3A_281 : vector<16xi32>
        %add3A_283 = arith.constant 1 : i32
        %add3A_284 = arith.addi %add3A_255, %add3A_283 : i32
        %mul3A_285 = arith.constant 16 : i32
        %mul3A_286 = arith.muli %add3A_284, %mul3A_285 : i32
        %get3A_287 = arith.index_cast %mul3A_286 : i32 to index
        %get3A_288 = tpu.vector_load %arg4[%get3A_287] {strides = array<i32>} : memref<16400xf32, #tpu.memory_space<vmem>>, vector<16xf32>,
        %get3A_289 = vector.shape_cast %get3A_288 : vector<16xf32> to vector<16xf32>
        %jit3A_290 = arith.constant 0.000000e+00 : f32
        %broadcast_in_dim3A_291 = vector.broadcast %jit3A_290 : f32 to vector<16xf32>
        %select_n3A_292 = arith.select %le3A_282, %get3A_289, %broadcast_in_dim3A_291 : vector<16xi1>, vector<16xf32>
        %mul3A_293 = arith.constant 8 : i32
        %mul3A_294 = arith.muli %scan3A_128, %mul3A_293 : i32
        %add3A_295 = arith.constant 4 : i32
        %add3A_296 = arith.addi %mul3A_294, %add3A_295 : i32
        %gt3A_297 = arith.constant 1.000000e+00 : f32
        %gt3A_298 = vector.broadcast %gt3A_297 : f32 to vector<16xf32>
        %gt3A_299 = arith.cmpf ogt, %select_n3A_265, %gt3A_298 : vector<16xf32>
        %mul3A_300 = arith.constant 0.899999976 : f32
        %mul3A_301 = vector.broadcast %mul3A_300 : f32 to vector<16xf32>
        %mul3A_302 = arith.mulf %select_n3A_265, %mul3A_301 : vector<16xf32>
        %add3A_303 = arith.addf %mul3A_302, %select_n3A_292 : vector<16xf32>
        %jit3A_304 = arith.constant 0.000000e+00 : f32
        %broadcast_in_dim3A_305 = vector.broadcast %jit3A_304 : f32 to vector<16xf32>
        %select_n3A_306 = arith.select %gt3A_299, %broadcast_in_dim3A_305, %add3A_303 : vector<16xi1>, vector<16xf32>
        %add3A_307 = arith.constant 2048 : i32
        %add3A_308 = arith.addi %add3A_307, %add3A_296 : i32
        %mul3A_309 = arith.constant 16 : i32
        %mul3A_310 = arith.muli %add3A_308, %mul3A_309 : i32
        %swap3A_311 = arith.index_cast %mul3A_310 : i32 to index
        %swap3A_312 = tpu.vector_load %arg6[%swap3A_311] {strides = array<i32>} : memref<65536xf32, #tpu.memory_space<vmem>>, vector<16xf32>,
        %swap3A_313 = vector.shape_cast %swap3A_312 : vector<16xf32> to vector<16xf32>
        %swap3A_314 = vector.shape_cast %select_n3A_306 : vector<16xf32> to vector<16xf32>
        tpu.vector_store %arg6[%swap3A_311], %swap3A_314 {strides = array<i32>} : memref<65536xf32, #tpu.memory_space<vmem>>, vector<16xf32>,
        %sub3A_315 = arith.constant 1 : i32
        %sub3A_316 = vector.broadcast %sub3A_315 : i32 to vector<16xi32>
        %sub3A_317 = arith.subi %select_n3A_279, %sub3A_316 : vector<16xi32>
        %jit3A_318 = arith.constant 10 : i32
        %broadcast_in_dim3A_319 = vector.broadcast %jit3A_318 : i32 to vector<16xi32>
        %select_n3A_320 = arith.select %gt3A_299, %broadcast_in_dim3A_319, %sub3A_317 : vector<16xi1>, vector<16xi32>
        %le3A_321 = arith.constant 1 : i32
        %le3A_322 = vector.broadcast %le3A_321 : i32 to vector<16xi32>
        %le3A_323 = arith.cmpi sle, %select_n3A_320, %le3A_322 : vector<16xi32>
        %add3A_324 = arith.constant 1 : i32
        %add3A_325 = arith.addi %add3A_296, %add3A_324 : i32
        %mul3A_326 = arith.constant 16 : i32
        %mul3A_327 = arith.muli %add3A_325, %mul3A_326 : i32
        %get3A_328 = arith.index_cast %mul3A_327 : i32 to index
        %get3A_329 = tpu.vector_load %arg4[%get3A_328] {strides = array<i32>} : memref<16400xf32, #tpu.memory_space<vmem>>, vector<16xf32>,
        %get3A_330 = vector.shape_cast %get3A_329 : vector<16xf32> to vector<16xf32>
        %jit3A_331 = arith.constant 0.000000e+00 : f32
        %broadcast_in_dim3A_332 = vector.broadcast %jit3A_331 : f32 to vector<16xf32>
        %select_n3A_333 = arith.select %le3A_323, %get3A_330, %broadcast_in_dim3A_332 : vector<16xi1>, vector<16xf32>
        %mul3A_334 = arith.constant 8 : i32
        %mul3A_335 = arith.muli %scan3A_128, %mul3A_334 : i32
        %add3A_336 = arith.constant 5 : i32
        %add3A_337 = arith.addi %mul3A_335, %add3A_336 : i32
        %gt3A_338 = arith.constant 1.000000e+00 : f32
        %gt3A_339 = vector.broadcast %gt3A_338 : f32 to vector<16xf32>
        %gt3A_340 = arith.cmpf ogt, %select_n3A_306, %gt3A_339 : vector<16xf32>
        %mul3A_341 = arith.constant 0.899999976 : f32
        %mul3A_342 = vector.broadcast %mul3A_341 : f32 to vector<16xf32>
        %mul3A_343 = arith.mulf %select_n3A_306, %mul3A_342 : vector<16xf32>
        %add3A_344 = arith.addf %mul3A_343, %select_n3A_333 : vector<16xf32>
        %jit3A_345 = arith.constant 0.000000e+00 : f32
        %broadcast_in_dim3A_346 = vector.broadcast %jit3A_345 : f32 to vector<16xf32>
        %select_n3A_347 = arith.select %gt3A_340, %broadcast_in_dim3A_346, %add3A_344 : vector<16xi1>, vector<16xf32>
        %add3A_348 = arith.constant 2048 : i32
        %add3A_349 = arith.addi %add3A_348, %add3A_337 : i32
        %mul3A_350 = arith.constant 16 : i32
        %mul3A_351 = arith.muli %add3A_349, %mul3A_350 : i32
        %swap3A_352 = arith.index_cast %mul3A_351 : i32 to index
        %swap3A_353 = tpu.vector_load %arg6[%swap3A_352] {strides = array<i32>} : memref<65536xf32, #tpu.memory_space<vmem>>, vector<16xf32>,
        %swap3A_354 = vector.shape_cast %swap3A_353 : vector<16xf32> to vector<16xf32>
        %swap3A_355 = vector.shape_cast %select_n3A_347 : vector<16xf32> to vector<16xf32>
        tpu.vector_store %arg6[%swap3A_352], %swap3A_355 {strides = array<i32>} : memref<65536xf32, #tpu.memory_space<vmem>>, vector<16xf32>,
        %sub3A_356 = arith.constant 1 : i32
        %sub3A_357 = vector.broadcast %sub3A_356 : i32 to vector<16xi32>
        %sub3A_358 = arith.subi %select_n3A_320, %sub3A_357 : vector<16xi32>
        %jit3A_359 = arith.constant 10 : i32
        %broadcast_in_dim3A_360 = vector.broadcast %jit3A_359 : i32 to vector<16xi32>
        %select_n3A_361 = arith.select %gt3A_340, %broadcast_in_dim3A_360, %sub3A_358 : vector<16xi1>, vector<16xi32>
        %le3A_362 = arith.constant 1 : i32
        %le3A_363 = vector.broadcast %le3A_362 : i32 to vector<16xi32>
        %le3A_364 = arith.cmpi sle, %select_n3A_361, %le3A_363 : vector<16xi32>
        %add3A_365 = arith.constant 1 : i32
        %add3A_366 = arith.addi %add3A_337, %add3A_365 : i32
        %mul3A_367 = arith.constant 16 : i32
        %mul3A_368 = arith.muli %add3A_366, %mul3A_367 : i32
        %get3A_369 = arith.index_cast %mul3A_368 : i32 to index
        %get3A_370 = tpu.vector_load %arg4[%get3A_369] {strides = array<i32>} : memref<16400xf32, #tpu.memory_space<vmem>>, vector<16xf32>,
        %get3A_371 = vector.shape_cast %get3A_370 : vector<16xf32> to vector<16xf32>
        %jit3A_372 = arith.constant 0.000000e+00 : f32
        %broadcast_in_dim3A_373 = vector.broadcast %jit3A_372 : f32 to vector<16xf32>
        %select_n3A_374 = arith.select %le3A_364, %get3A_371, %broadcast_in_dim3A_373 : vector<16xi1>, vector<16xf32>
        %mul3A_375 = arith.constant 8 : i32
        %mul3A_376 = arith.muli %scan3A_128, %mul3A_375 : i32
        %add3A_377 = arith.constant 6 : i32
        %add3A_378 = arith.addi %mul3A_376, %add3A_377 : i32
        %gt3A_379 = arith.constant 1.000000e+00 : f32
        %gt3A_380 = vector.broadcast %gt3A_379 : f32 to vector<16xf32>
        %gt3A_381 = arith.cmpf ogt, %select_n3A_347, %gt3A_380 : vector<16xf32>
        %mul3A_382 = arith.constant 0.899999976 : f32
        %mul3A_383 = vector.broadcast %mul3A_382 : f32 to vector<16xf32>
        %mul3A_384 = arith.mulf %select_n3A_347, %mul3A_383 : vector<16xf32>
        %add3A_385 = arith.addf %mul3A_384, %select_n3A_374 : vector<16xf32>
        %jit3A_386 = arith.constant 0.000000e+00 : f32
        %broadcast_in_dim3A_387 = vector.broadcast %jit3A_386 : f32 to vector<16xf32>
        %select_n3A_388 = arith.select %gt3A_381, %broadcast_in_dim3A_387, %add3A_385 : vector<16xi1>, vector<16xf32>
        %add3A_389 = arith.constant 2048 : i32
        %add3A_390 = arith.addi %add3A_389, %add3A_378 : i32
        %mul3A_391 = arith.constant 16 : i32
        %mul3A_392 = arith.muli %add3A_390, %mul3A_391 : i32
        %swap3A_393 = arith.index_cast %mul3A_392 : i32 to index
        %swap3A_394 = tpu.vector_load %arg6[%swap3A_393] {strides = array<i32>} : memref<65536xf32, #tpu.memory_space<vmem>>, vector<16xf32>,
        %swap3A_395 = vector.shape_cast %swap3A_394 : vector<16xf32> to vector<16xf32>
        %swap3A_396 = vector.shape_cast %select_n3A_388 : vector<16xf32> to vector<16xf32>
        tpu.vector_store %arg6[%swap3A_393], %swap3A_396 {strides = array<i32>} : memref<65536xf32, #tpu.memory_space<vmem>>, vector<16xf32>,
        %sub3A_397 = arith.constant 1 : i32
        %sub3A_398 = vector.broadcast %sub3A_397 : i32 to vector<16xi32>
        %sub3A_399 = arith.subi %select_n3A_361, %sub3A_398 : vector<16xi32>
        %jit3A_400 = arith.constant 10 : i32
        %broadcast_in_dim3A_401 = vector.broadcast %jit3A_400 : i32 to vector<16xi32>
        %select_n3A_402 = arith.select %gt3A_381, %broadcast_in_dim3A_401, %sub3A_399 : vector<16xi1>, vector<16xi32>
        %le3A_403 = arith.constant 1 : i32
        %le3A_404 = vector.broadcast %le3A_403 : i32 to vector<16xi32>
        %le3A_405 = arith.cmpi sle, %select_n3A_402, %le3A_404 : vector<16xi32>
        %add3A_406 = arith.constant 1 : i32
        %add3A_407 = arith.addi %add3A_378, %add3A_406 : i32
        %mul3A_408 = arith.constant 16 : i32
        %mul3A_409 = arith.muli %add3A_407, %mul3A_408 : i32
        %get3A_410 = arith.index_cast %mul3A_409 : i32 to index
        %get3A_411 = tpu.vector_load %arg4[%get3A_410] {strides = array<i32>} : memref<16400xf32, #tpu.memory_space<vmem>>, vector<16xf32>,
        %get3A_412 = vector.shape_cast %get3A_411 : vector<16xf32> to vector<16xf32>
        %jit3A_413 = arith.constant 0.000000e+00 : f32
        %broadcast_in_dim3A_414 = vector.broadcast %jit3A_413 : f32 to vector<16xf32>
        %select_n3A_415 = arith.select %le3A_405, %get3A_412, %broadcast_in_dim3A_414 : vector<16xi1>, vector<16xf32>
        %mul3A_416 = arith.constant 8 : i32
        %mul3A_417 = arith.muli %scan3A_128, %mul3A_416 : i32
        %add3A_418 = arith.constant 7 : i32
        %add3A_419 = arith.addi %mul3A_417, %add3A_418 : i32
        %gt3A_420 = arith.constant 1.000000e+00 : f32
        %gt3A_421 = vector.broadcast %gt3A_420 : f32 to vector<16xf32>
        %gt3A_422 = arith.cmpf ogt, %select_n3A_388, %gt3A_421 : vector<16xf32>
        %mul3A_423 = arith.constant 0.899999976 : f32
        %mul3A_424 = vector.broadcast %mul3A_423 : f32 to vector<16xf32>
        %mul3A_425 = arith.mulf %select_n3A_388, %mul3A_424 : vector<16xf32>
        %add3A_426 = arith.addf %mul3A_425, %select_n3A_415 : vector<16xf32>
        %jit3A_427 = arith.constant 0.000000e+00 : f32
        %broadcast_in_dim3A_428 = vector.broadcast %jit3A_427 : f32 to vector<16xf32>
        %select_n3A_429 = arith.select %gt3A_422, %broadcast_in_dim3A_428, %add3A_426 : vector<16xi1>, vector<16xf32>
        %add3A_430 = arith.constant 2048 : i32
        %add3A_431 = arith.addi %add3A_430, %add3A_419 : i32
        %mul3A_432 = arith.constant 16 : i32
        %mul3A_433 = arith.muli %add3A_431, %mul3A_432 : i32
        %swap3A_434 = arith.index_cast %mul3A_433 : i32 to index
        %swap3A_435 = tpu.vector_load %arg6[%swap3A_434] {strides = array<i32>} : memref<65536xf32, #tpu.memory_space<vmem>>, vector<16xf32>,
        %swap3A_436 = vector.shape_cast %swap3A_435 : vector<16xf32> to vector<16xf32>
        %swap3A_437 = vector.shape_cast %select_n3A_429 : vector<16xf32> to vector<16xf32>
        tpu.vector_store %arg6[%swap3A_434], %swap3A_437 {strides = array<i32>} : memref<65536xf32, #tpu.memory_space<vmem>>, vector<16xf32>,
        %sub3A_438 = arith.constant 1 : i32
        %sub3A_439 = vector.broadcast %sub3A_438 : i32 to vector<16xi32>
        %sub3A_440 = arith.subi %select_n3A_402, %sub3A_439 : vector<16xi32>
        %jit3A_441 = arith.constant 10 : i32
        %broadcast_in_dim3A_442 = vector.broadcast %jit3A_441 : i32 to vector<16xi32>
        %select_n3A_443 = arith.select %gt3A_422, %broadcast_in_dim3A_442, %sub3A_440 : vector<16xi1>, vector<16xi32>
        %le3A_444 = arith.constant 1 : i32
        %le3A_445 = vector.broadcast %le3A_444 : i32 to vector<16xi32>
        %le3A_446 = arith.cmpi sle, %select_n3A_443, %le3A_445 : vector<16xi32>
        %add3A_447 = arith.constant 1 : i32
        %add3A_448 = arith.addi %add3A_419, %add3A_447 : i32
        %mul3A_449 = arith.constant 16 : i32
        %mul3A_450 = arith.muli %add3A_448, %mul3A_449 : i32
        %get3A_451 = arith.index_cast %mul3A_450 : i32 to index
        %get3A_452 = tpu.vector_load %arg4[%get3A_451] {strides = array<i32>} : memref<16400xf32, #tpu.memory_space<vmem>>, vector<16xf32>,
        %get3A_453 = vector.shape_cast %get3A_452 : vector<16xf32> to vector<16xf32>
        %jit3A_454 = arith.constant 0.000000e+00 : f32
        %broadcast_in_dim3A_455 = vector.broadcast %jit3A_454 : f32 to vector<16xf32>
        %select_n3A_456 = arith.select %le3A_446, %get3A_453, %broadcast_in_dim3A_455 : vector<16xi1>, vector<16xf32>
        scf.yield %select_n3A_429, %select_n3A_443, %select_n3A_456 : vector<16xf32>, vector<16xi32>, vector<16xf32>
      }
      %scan3A_104 = arith.constant 128 : i32
      %dma_wait3A_105 = arith.constant 0 : i32
      %dma_wait3A_106 = tpu.memref_slice %arg5[%dma_wait3A_105] : memref<16400xf32, #tpu.memory_space<vmem>> -> memref<16384xf32, #tpu.memory_space<vmem>>
      %dma_wait3A_107 = arith.constant 49152 : i32
      %dma_wait3A_108 = tpu.memref_slice %arg2[%dma_wait3A_107] : memref<65536xf32, #tpu.memory_space<hbm>> -> memref<16384xf32, #tpu.memory_space<hbm>>
      %dma_wait3A_109 = arith.constant 0 : i32
      %dma_wait3A_110 = tpu.memref_slice %arg5[%dma_wait3A_109] : memref<16400xf32, #tpu.memory_space<vmem>> -> memref<16384xf32, #tpu.memory_space<vmem>>
      %dma_wait3A_111 = arith.constant 49152 : i32
      %dma_wait3A_112 = tpu.memref_slice %arg2[%dma_wait3A_111] : memref<65536xf32, #tpu.memory_space<hbm>> -> memref<16384xf32, #tpu.memory_space<hbm>>
      tpu.wait_dma2 semaphore(%arg11 : memref<!tpu.dma_semaphore, #tpu.memory_space<semaphore_mem>>) src(%dma_wait3A_112 : memref<16384xf32, #tpu.memory_space<hbm>>) dst(%dma_wait3A_110 : memref<16384xf32, #tpu.memory_space<vmem>>)
      %le3A_113 = arith.constant 1 : i32
      %le3A_114 = vector.broadcast %le3A_113 : i32 to vector<16xi32>
      %le3A_115 = arith.cmpi sle, %scan3A_103#1, %le3A_114 : vector<16xi32>
      %get3A_116 = arith.constant 0 : index
      %get3A_117 = tpu.vector_load %arg5[%get3A_116] {strides = array<i32>} : memref<16400xf32, #tpu.memory_space<vmem>>, vector<16xf32>,
      %get3A_118 = vector.shape_cast %get3A_117 : vector<16xf32> to vector<16xf32>
      %jit3A_119 = arith.constant 0.000000e+00 : f32
      %broadcast_in_dim3A_120 = vector.broadcast %jit3A_119 : f32 to vector<16xf32>
      %select_n3A_121 = arith.select %le3A_115, %get3A_118, %broadcast_in_dim3A_120 : vector<16xi1>, vector<16xf32>
      %scan3A_122 = arith.constant 0 : i32
      %scan3A_123 = arith.constant 128 : i32
      %scan3A_124 = arith.addi %scan3A_122, %scan3A_123 : i32
      %scan3A_125 = arith.constant 1 : i32
      %scan3A_126:3 = scf.for %scan3A_128 = %scan3A_122 to %scan3A_124 step %scan3A_125 iter_args(%scan3A_129 = %scan3A_103#0, %scan3A_130 = %scan3A_103#1, %scan3A_131 = %select_n3A_121) -> (vector<16xf32>, vector<16xi32>, vector<16xf32>)  : i32 {
        %mul3A_132 = arith.constant 8 : i32
        %mul3A_133 = arith.muli %scan3A_128, %mul3A_132 : i32
        %add3A_134 = arith.constant 0 : i32
        %add3A_135 = arith.addi %mul3A_133, %add3A_134 : i32
        %gt3A = arith.constant 1.000000e+00 : f32
        %gt3A_136 = vector.broadcast %gt3A : f32 to vector<16xf32>
        %gt3A_137 = arith.cmpf ogt, %scan3A_129, %gt3A_136 : vector<16xf32>
        %mul3A_138 = arith.constant 0.899999976 : f32
        %mul3A_139 = vector.broadcast %mul3A_138 : f32 to vector<16xf32>
        %mul3A_140 = arith.mulf %scan3A_129, %mul3A_139 : vector<16xf32>
        %add3A_141 = arith.addf %mul3A_140, %scan3A_131 : vector<16xf32>
        %jit3A_142 = arith.constant 0.000000e+00 : f32
        %broadcast_in_dim3A_143 = vector.broadcast %jit3A_142 : f32 to vector<16xf32>
        %select_n3A_144 = arith.select %gt3A_137, %broadcast_in_dim3A_143, %add3A_141 : vector<16xi1>, vector<16xf32>
        %add3A_145 = arith.constant 3072 : i32
        %add3A_146 = arith.addi %add3A_145, %add3A_135 : i32
        %mul3A_147 = arith.constant 16 : i32
        %mul3A_148 = arith.muli %add3A_146, %mul3A_147 : i32
        %swap3A = arith.index_cast %mul3A_148 : i32 to index
        %swap3A_149 = tpu.vector_load %arg6[%swap3A] {strides = array<i32>} : memref<65536xf32, #tpu.memory_space<vmem>>, vector<16xf32>,
        %swap3A_150 = vector.shape_cast %swap3A_149 : vector<16xf32> to vector<16xf32>
        %swap3A_151 = vector.shape_cast %select_n3A_144 : vector<16xf32> to vector<16xf32>
        tpu.vector_store %arg6[%swap3A], %swap3A_151 {strides = array<i32>} : memref<65536xf32, #tpu.memory_space<vmem>>, vector<16xf32>,
        %sub3A = arith.constant 1 : i32
        %sub3A_152 = vector.broadcast %sub3A : i32 to vector<16xi32>
        %sub3A_153 = arith.subi %scan3A_130, %sub3A_152 : vector<16xi32>
        %jit3A_154 = arith.constant 10 : i32
        %broadcast_in_dim3A_155 = vector.broadcast %jit3A_154 : i32 to vector<16xi32>
        %select_n3A_156 = arith.select %gt3A_137, %broadcast_in_dim3A_155, %sub3A_153 : vector<16xi1>, vector<16xi32>
        %le3A_157 = arith.constant 1 : i32
        %le3A_158 = vector.broadcast %le3A_157 : i32 to vector<16xi32>
        %le3A_159 = arith.cmpi sle, %select_n3A_156, %le3A_158 : vector<16xi32>
        %add3A_160 = arith.constant 1 : i32
        %add3A_161 = arith.addi %add3A_135, %add3A_160 : i32
        %mul3A_162 = arith.constant 16 : i32
        %mul3A_163 = arith.muli %add3A_161, %mul3A_162 : i32
        %get3A_164 = arith.index_cast %mul3A_163 : i32 to index
        %get3A_165 = tpu.vector_load %arg5[%get3A_164] {strides = array<i32>} : memref<16400xf32, #tpu.memory_space<vmem>>, vector<16xf32>,
        %get3A_166 = vector.shape_cast %get3A_165 : vector<16xf32> to vector<16xf32>
        %jit3A_167 = arith.constant 0.000000e+00 : f32
        %broadcast_in_dim3A_168 = vector.broadcast %jit3A_167 : f32 to vector<16xf32>
        %select_n3A_169 = arith.select %le3A_159, %get3A_166, %broadcast_in_dim3A_168 : vector<16xi1>, vector<16xf32>
        %mul3A_170 = arith.constant 8 : i32
        %mul3A_171 = arith.muli %scan3A_128, %mul3A_170 : i32
        %add3A_172 = arith.constant 1 : i32
        %add3A_173 = arith.addi %mul3A_171, %add3A_172 : i32
        %gt3A_174 = arith.constant 1.000000e+00 : f32
        %gt3A_175 = vector.broadcast %gt3A_174 : f32 to vector<16xf32>
        %gt3A_176 = arith.cmpf ogt, %select_n3A_144, %gt3A_175 : vector<16xf32>
        %mul3A_177 = arith.constant 0.899999976 : f32
        %mul3A_178 = vector.broadcast %mul3A_177 : f32 to vector<16xf32>
        %mul3A_179 = arith.mulf %select_n3A_144, %mul3A_178 : vector<16xf32>
        %add3A_180 = arith.addf %mul3A_179, %select_n3A_169 : vector<16xf32>
        %jit3A_181 = arith.constant 0.000000e+00 : f32
        %broadcast_in_dim3A_182 = vector.broadcast %jit3A_181 : f32 to vector<16xf32>
        %select_n3A_183 = arith.select %gt3A_176, %broadcast_in_dim3A_182, %add3A_180 : vector<16xi1>, vector<16xf32>
        %add3A_184 = arith.constant 3072 : i32
        %add3A_185 = arith.addi %add3A_184, %add3A_173 : i32
        %mul3A_186 = arith.constant 16 : i32
        %mul3A_187 = arith.muli %add3A_185, %mul3A_186 : i32
        %swap3A_188 = arith.index_cast %mul3A_187 : i32 to index
        %swap3A_189 = tpu.vector_load %arg6[%swap3A_188] {strides = array<i32>} : memref<65536xf32, #tpu.memory_space<vmem>>, vector<16xf32>,
        %swap3A_190 = vector.shape_cast %swap3A_189 : vector<16xf32> to vector<16xf32>
        %swap3A_191 = vector.shape_cast %select_n3A_183 : vector<16xf32> to vector<16xf32>
        tpu.vector_store %arg6[%swap3A_188], %swap3A_191 {strides = array<i32>} : memref<65536xf32, #tpu.memory_space<vmem>>, vector<16xf32>,
        %sub3A_192 = arith.constant 1 : i32
        %sub3A_193 = vector.broadcast %sub3A_192 : i32 to vector<16xi32>
        %sub3A_194 = arith.subi %select_n3A_156, %sub3A_193 : vector<16xi32>
        %jit3A_195 = arith.constant 10 : i32
        %broadcast_in_dim3A_196 = vector.broadcast %jit3A_195 : i32 to vector<16xi32>
        %select_n3A_197 = arith.select %gt3A_176, %broadcast_in_dim3A_196, %sub3A_194 : vector<16xi1>, vector<16xi32>
        %le3A_198 = arith.constant 1 : i32
        %le3A_199 = vector.broadcast %le3A_198 : i32 to vector<16xi32>
        %le3A_200 = arith.cmpi sle, %select_n3A_197, %le3A_199 : vector<16xi32>
        %add3A_201 = arith.constant 1 : i32
        %add3A_202 = arith.addi %add3A_173, %add3A_201 : i32
        %mul3A_203 = arith.constant 16 : i32
        %mul3A_204 = arith.muli %add3A_202, %mul3A_203 : i32
        %get3A_205 = arith.index_cast %mul3A_204 : i32 to index
        %get3A_206 = tpu.vector_load %arg5[%get3A_205] {strides = array<i32>} : memref<16400xf32, #tpu.memory_space<vmem>>, vector<16xf32>,
        %get3A_207 = vector.shape_cast %get3A_206 : vector<16xf32> to vector<16xf32>
        %jit3A_208 = arith.constant 0.000000e+00 : f32
        %broadcast_in_dim3A_209 = vector.broadcast %jit3A_208 : f32 to vector<16xf32>
        %select_n3A_210 = arith.select %le3A_200, %get3A_207, %broadcast_in_dim3A_209 : vector<16xi1>, vector<16xf32>
        %mul3A_211 = arith.constant 8 : i32
        %mul3A_212 = arith.muli %scan3A_128, %mul3A_211 : i32
        %add3A_213 = arith.constant 2 : i32
        %add3A_214 = arith.addi %mul3A_212, %add3A_213 : i32
        %gt3A_215 = arith.constant 1.000000e+00 : f32
        %gt3A_216 = vector.broadcast %gt3A_215 : f32 to vector<16xf32>
        %gt3A_217 = arith.cmpf ogt, %select_n3A_183, %gt3A_216 : vector<16xf32>
        %mul3A_218 = arith.constant 0.899999976 : f32
        %mul3A_219 = vector.broadcast %mul3A_218 : f32 to vector<16xf32>
        %mul3A_220 = arith.mulf %select_n3A_183, %mul3A_219 : vector<16xf32>
        %add3A_221 = arith.addf %mul3A_220, %select_n3A_210 : vector<16xf32>
        %jit3A_222 = arith.constant 0.000000e+00 : f32
        %broadcast_in_dim3A_223 = vector.broadcast %jit3A_222 : f32 to vector<16xf32>
        %select_n3A_224 = arith.select %gt3A_217, %broadcast_in_dim3A_223, %add3A_221 : vector<16xi1>, vector<16xf32>
        %add3A_225 = arith.constant 3072 : i32
        %add3A_226 = arith.addi %add3A_225, %add3A_214 : i32
        %mul3A_227 = arith.constant 16 : i32
        %mul3A_228 = arith.muli %add3A_226, %mul3A_227 : i32
        %swap3A_229 = arith.index_cast %mul3A_228 : i32 to index
        %swap3A_230 = tpu.vector_load %arg6[%swap3A_229] {strides = array<i32>} : memref<65536xf32, #tpu.memory_space<vmem>>, vector<16xf32>,
        %swap3A_231 = vector.shape_cast %swap3A_230 : vector<16xf32> to vector<16xf32>
        %swap3A_232 = vector.shape_cast %select_n3A_224 : vector<16xf32> to vector<16xf32>
        tpu.vector_store %arg6[%swap3A_229], %swap3A_232 {strides = array<i32>} : memref<65536xf32, #tpu.memory_space<vmem>>, vector<16xf32>,
        %sub3A_233 = arith.constant 1 : i32
        %sub3A_234 = vector.broadcast %sub3A_233 : i32 to vector<16xi32>
        %sub3A_235 = arith.subi %select_n3A_197, %sub3A_234 : vector<16xi32>
        %jit3A_236 = arith.constant 10 : i32
        %broadcast_in_dim3A_237 = vector.broadcast %jit3A_236 : i32 to vector<16xi32>
        %select_n3A_238 = arith.select %gt3A_217, %broadcast_in_dim3A_237, %sub3A_235 : vector<16xi1>, vector<16xi32>
        %le3A_239 = arith.constant 1 : i32
        %le3A_240 = vector.broadcast %le3A_239 : i32 to vector<16xi32>
        %le3A_241 = arith.cmpi sle, %select_n3A_238, %le3A_240 : vector<16xi32>
        %add3A_242 = arith.constant 1 : i32
        %add3A_243 = arith.addi %add3A_214, %add3A_242 : i32
        %mul3A_244 = arith.constant 16 : i32
        %mul3A_245 = arith.muli %add3A_243, %mul3A_244 : i32
        %get3A_246 = arith.index_cast %mul3A_245 : i32 to index
        %get3A_247 = tpu.vector_load %arg5[%get3A_246] {strides = array<i32>} : memref<16400xf32, #tpu.memory_space<vmem>>, vector<16xf32>,
        %get3A_248 = vector.shape_cast %get3A_247 : vector<16xf32> to vector<16xf32>
        %jit3A_249 = arith.constant 0.000000e+00 : f32
        %broadcast_in_dim3A_250 = vector.broadcast %jit3A_249 : f32 to vector<16xf32>
        %select_n3A_251 = arith.select %le3A_241, %get3A_248, %broadcast_in_dim3A_250 : vector<16xi1>, vector<16xf32>
        %mul3A_252 = arith.constant 8 : i32
        %mul3A_253 = arith.muli %scan3A_128, %mul3A_252 : i32
        %add3A_254 = arith.constant 3 : i32
        %add3A_255 = arith.addi %mul3A_253, %add3A_254 : i32
        %gt3A_256 = arith.constant 1.000000e+00 : f32
        %gt3A_257 = vector.broadcast %gt3A_256 : f32 to vector<16xf32>
        %gt3A_258 = arith.cmpf ogt, %select_n3A_224, %gt3A_257 : vector<16xf32>
        %mul3A_259 = arith.constant 0.899999976 : f32
        %mul3A_260 = vector.broadcast %mul3A_259 : f32 to vector<16xf32>
        %mul3A_261 = arith.mulf %select_n3A_224, %mul3A_260 : vector<16xf32>
        %add3A_262 = arith.addf %mul3A_261, %select_n3A_251 : vector<16xf32>
        %jit3A_263 = arith.constant 0.000000e+00 : f32
        %broadcast_in_dim3A_264 = vector.broadcast %jit3A_263 : f32 to vector<16xf32>
        %select_n3A_265 = arith.select %gt3A_258, %broadcast_in_dim3A_264, %add3A_262 : vector<16xi1>, vector<16xf32>
        %add3A_266 = arith.constant 3072 : i32
        %add3A_267 = arith.addi %add3A_266, %add3A_255 : i32
        %mul3A_268 = arith.constant 16 : i32
        %mul3A_269 = arith.muli %add3A_267, %mul3A_268 : i32
        %swap3A_270 = arith.index_cast %mul3A_269 : i32 to index
        %swap3A_271 = tpu.vector_load %arg6[%swap3A_270] {strides = array<i32>} : memref<65536xf32, #tpu.memory_space<vmem>>, vector<16xf32>,
        %swap3A_272 = vector.shape_cast %swap3A_271 : vector<16xf32> to vector<16xf32>
        %swap3A_273 = vector.shape_cast %select_n3A_265 : vector<16xf32> to vector<16xf32>
        tpu.vector_store %arg6[%swap3A_270], %swap3A_273 {strides = array<i32>} : memref<65536xf32, #tpu.memory_space<vmem>>, vector<16xf32>,
        %sub3A_274 = arith.constant 1 : i32
        %sub3A_275 = vector.broadcast %sub3A_274 : i32 to vector<16xi32>
        %sub3A_276 = arith.subi %select_n3A_238, %sub3A_275 : vector<16xi32>
        %jit3A_277 = arith.constant 10 : i32
        %broadcast_in_dim3A_278 = vector.broadcast %jit3A_277 : i32 to vector<16xi32>
        %select_n3A_279 = arith.select %gt3A_258, %broadcast_in_dim3A_278, %sub3A_276 : vector<16xi1>, vector<16xi32>
        %le3A_280 = arith.constant 1 : i32
        %le3A_281 = vector.broadcast %le3A_280 : i32 to vector<16xi32>
        %le3A_282 = arith.cmpi sle, %select_n3A_279, %le3A_281 : vector<16xi32>
        %add3A_283 = arith.constant 1 : i32
        %add3A_284 = arith.addi %add3A_255, %add3A_283 : i32
        %mul3A_285 = arith.constant 16 : i32
        %mul3A_286 = arith.muli %add3A_284, %mul3A_285 : i32
        %get3A_287 = arith.index_cast %mul3A_286 : i32 to index
        %get3A_288 = tpu.vector_load %arg5[%get3A_287] {strides = array<i32>} : memref<16400xf32, #tpu.memory_space<vmem>>, vector<16xf32>,
        %get3A_289 = vector.shape_cast %get3A_288 : vector<16xf32> to vector<16xf32>
        %jit3A_290 = arith.constant 0.000000e+00 : f32
        %broadcast_in_dim3A_291 = vector.broadcast %jit3A_290 : f32 to vector<16xf32>
        %select_n3A_292 = arith.select %le3A_282, %get3A_289, %broadcast_in_dim3A_291 : vector<16xi1>, vector<16xf32>
        %mul3A_293 = arith.constant 8 : i32
        %mul3A_294 = arith.muli %scan3A_128, %mul3A_293 : i32
        %add3A_295 = arith.constant 4 : i32
        %add3A_296 = arith.addi %mul3A_294, %add3A_295 : i32
        %gt3A_297 = arith.constant 1.000000e+00 : f32
        %gt3A_298 = vector.broadcast %gt3A_297 : f32 to vector<16xf32>
        %gt3A_299 = arith.cmpf ogt, %select_n3A_265, %gt3A_298 : vector<16xf32>
        %mul3A_300 = arith.constant 0.899999976 : f32
        %mul3A_301 = vector.broadcast %mul3A_300 : f32 to vector<16xf32>
        %mul3A_302 = arith.mulf %select_n3A_265, %mul3A_301 : vector<16xf32>
        %add3A_303 = arith.addf %mul3A_302, %select_n3A_292 : vector<16xf32>
        %jit3A_304 = arith.constant 0.000000e+00 : f32
        %broadcast_in_dim3A_305 = vector.broadcast %jit3A_304 : f32 to vector<16xf32>
        %select_n3A_306 = arith.select %gt3A_299, %broadcast_in_dim3A_305, %add3A_303 : vector<16xi1>, vector<16xf32>
        %add3A_307 = arith.constant 3072 : i32
        %add3A_308 = arith.addi %add3A_307, %add3A_296 : i32
        %mul3A_309 = arith.constant 16 : i32
        %mul3A_310 = arith.muli %add3A_308, %mul3A_309 : i32
        %swap3A_311 = arith.index_cast %mul3A_310 : i32 to index
        %swap3A_312 = tpu.vector_load %arg6[%swap3A_311] {strides = array<i32>} : memref<65536xf32, #tpu.memory_space<vmem>>, vector<16xf32>,
        %swap3A_313 = vector.shape_cast %swap3A_312 : vector<16xf32> to vector<16xf32>
        %swap3A_314 = vector.shape_cast %select_n3A_306 : vector<16xf32> to vector<16xf32>
        tpu.vector_store %arg6[%swap3A_311], %swap3A_314 {strides = array<i32>} : memref<65536xf32, #tpu.memory_space<vmem>>, vector<16xf32>,
        %sub3A_315 = arith.constant 1 : i32
        %sub3A_316 = vector.broadcast %sub3A_315 : i32 to vector<16xi32>
        %sub3A_317 = arith.subi %select_n3A_279, %sub3A_316 : vector<16xi32>
        %jit3A_318 = arith.constant 10 : i32
        %broadcast_in_dim3A_319 = vector.broadcast %jit3A_318 : i32 to vector<16xi32>
        %select_n3A_320 = arith.select %gt3A_299, %broadcast_in_dim3A_319, %sub3A_317 : vector<16xi1>, vector<16xi32>
        %le3A_321 = arith.constant 1 : i32
        %le3A_322 = vector.broadcast %le3A_321 : i32 to vector<16xi32>
        %le3A_323 = arith.cmpi sle, %select_n3A_320, %le3A_322 : vector<16xi32>
        %add3A_324 = arith.constant 1 : i32
        %add3A_325 = arith.addi %add3A_296, %add3A_324 : i32
        %mul3A_326 = arith.constant 16 : i32
        %mul3A_327 = arith.muli %add3A_325, %mul3A_326 : i32
        %get3A_328 = arith.index_cast %mul3A_327 : i32 to index
        %get3A_329 = tpu.vector_load %arg5[%get3A_328] {strides = array<i32>} : memref<16400xf32, #tpu.memory_space<vmem>>, vector<16xf32>,
        %get3A_330 = vector.shape_cast %get3A_329 : vector<16xf32> to vector<16xf32>
        %jit3A_331 = arith.constant 0.000000e+00 : f32
        %broadcast_in_dim3A_332 = vector.broadcast %jit3A_331 : f32 to vector<16xf32>
        %select_n3A_333 = arith.select %le3A_323, %get3A_330, %broadcast_in_dim3A_332 : vector<16xi1>, vector<16xf32>
        %mul3A_334 = arith.constant 8 : i32
        %mul3A_335 = arith.muli %scan3A_128, %mul3A_334 : i32
        %add3A_336 = arith.constant 5 : i32
        %add3A_337 = arith.addi %mul3A_335, %add3A_336 : i32
        %gt3A_338 = arith.constant 1.000000e+00 : f32
        %gt3A_339 = vector.broadcast %gt3A_338 : f32 to vector<16xf32>
        %gt3A_340 = arith.cmpf ogt, %select_n3A_306, %gt3A_339 : vector<16xf32>
        %mul3A_341 = arith.constant 0.899999976 : f32
        %mul3A_342 = vector.broadcast %mul3A_341 : f32 to vector<16xf32>
        %mul3A_343 = arith.mulf %select_n3A_306, %mul3A_342 : vector<16xf32>
        %add3A_344 = arith.addf %mul3A_343, %select_n3A_333 : vector<16xf32>
        %jit3A_345 = arith.constant 0.000000e+00 : f32
        %broadcast_in_dim3A_346 = vector.broadcast %jit3A_345 : f32 to vector<16xf32>
        %select_n3A_347 = arith.select %gt3A_340, %broadcast_in_dim3A_346, %add3A_344 : vector<16xi1>, vector<16xf32>
        %add3A_348 = arith.constant 3072 : i32
        %add3A_349 = arith.addi %add3A_348, %add3A_337 : i32
        %mul3A_350 = arith.constant 16 : i32
        %mul3A_351 = arith.muli %add3A_349, %mul3A_350 : i32
        %swap3A_352 = arith.index_cast %mul3A_351 : i32 to index
        %swap3A_353 = tpu.vector_load %arg6[%swap3A_352] {strides = array<i32>} : memref<65536xf32, #tpu.memory_space<vmem>>, vector<16xf32>,
        %swap3A_354 = vector.shape_cast %swap3A_353 : vector<16xf32> to vector<16xf32>
        %swap3A_355 = vector.shape_cast %select_n3A_347 : vector<16xf32> to vector<16xf32>
        tpu.vector_store %arg6[%swap3A_352], %swap3A_355 {strides = array<i32>} : memref<65536xf32, #tpu.memory_space<vmem>>, vector<16xf32>,
        %sub3A_356 = arith.constant 1 : i32
        %sub3A_357 = vector.broadcast %sub3A_356 : i32 to vector<16xi32>
        %sub3A_358 = arith.subi %select_n3A_320, %sub3A_357 : vector<16xi32>
        %jit3A_359 = arith.constant 10 : i32
        %broadcast_in_dim3A_360 = vector.broadcast %jit3A_359 : i32 to vector<16xi32>
        %select_n3A_361 = arith.select %gt3A_340, %broadcast_in_dim3A_360, %sub3A_358 : vector<16xi1>, vector<16xi32>
        %le3A_362 = arith.constant 1 : i32
        %le3A_363 = vector.broadcast %le3A_362 : i32 to vector<16xi32>
        %le3A_364 = arith.cmpi sle, %select_n3A_361, %le3A_363 : vector<16xi32>
        %add3A_365 = arith.constant 1 : i32
        %add3A_366 = arith.addi %add3A_337, %add3A_365 : i32
        %mul3A_367 = arith.constant 16 : i32
        %mul3A_368 = arith.muli %add3A_366, %mul3A_367 : i32
        %get3A_369 = arith.index_cast %mul3A_368 : i32 to index
        %get3A_370 = tpu.vector_load %arg5[%get3A_369] {strides = array<i32>} : memref<16400xf32, #tpu.memory_space<vmem>>, vector<16xf32>,
        %get3A_371 = vector.shape_cast %get3A_370 : vector<16xf32> to vector<16xf32>
        %jit3A_372 = arith.constant 0.000000e+00 : f32
        %broadcast_in_dim3A_373 = vector.broadcast %jit3A_372 : f32 to vector<16xf32>
        %select_n3A_374 = arith.select %le3A_364, %get3A_371, %broadcast_in_dim3A_373 : vector<16xi1>, vector<16xf32>
        %mul3A_375 = arith.constant 8 : i32
        %mul3A_376 = arith.muli %scan3A_128, %mul3A_375 : i32
        %add3A_377 = arith.constant 6 : i32
        %add3A_378 = arith.addi %mul3A_376, %add3A_377 : i32
        %gt3A_379 = arith.constant 1.000000e+00 : f32
        %gt3A_380 = vector.broadcast %gt3A_379 : f32 to vector<16xf32>
        %gt3A_381 = arith.cmpf ogt, %select_n3A_347, %gt3A_380 : vector<16xf32>
        %mul3A_382 = arith.constant 0.899999976 : f32
        %mul3A_383 = vector.broadcast %mul3A_382 : f32 to vector<16xf32>
        %mul3A_384 = arith.mulf %select_n3A_347, %mul3A_383 : vector<16xf32>
        %add3A_385 = arith.addf %mul3A_384, %select_n3A_374 : vector<16xf32>
        %jit3A_386 = arith.constant 0.000000e+00 : f32
        %broadcast_in_dim3A_387 = vector.broadcast %jit3A_386 : f32 to vector<16xf32>
        %select_n3A_388 = arith.select %gt3A_381, %broadcast_in_dim3A_387, %add3A_385 : vector<16xi1>, vector<16xf32>
        %add3A_389 = arith.constant 3072 : i32
        %add3A_390 = arith.addi %add3A_389, %add3A_378 : i32
        %mul3A_391 = arith.constant 16 : i32
        %mul3A_392 = arith.muli %add3A_390, %mul3A_391 : i32
        %swap3A_393 = arith.index_cast %mul3A_392 : i32 to index
        %swap3A_394 = tpu.vector_load %arg6[%swap3A_393] {strides = array<i32>} : memref<65536xf32, #tpu.memory_space<vmem>>, vector<16xf32>,
        %swap3A_395 = vector.shape_cast %swap3A_394 : vector<16xf32> to vector<16xf32>
        %swap3A_396 = vector.shape_cast %select_n3A_388 : vector<16xf32> to vector<16xf32>
        tpu.vector_store %arg6[%swap3A_393], %swap3A_396 {strides = array<i32>} : memref<65536xf32, #tpu.memory_space<vmem>>, vector<16xf32>,
        %sub3A_397 = arith.constant 1 : i32
        %sub3A_398 = vector.broadcast %sub3A_397 : i32 to vector<16xi32>
        %sub3A_399 = arith.subi %select_n3A_361, %sub3A_398 : vector<16xi32>
        %jit3A_400 = arith.constant 10 : i32
        %broadcast_in_dim3A_401 = vector.broadcast %jit3A_400 : i32 to vector<16xi32>
        %select_n3A_402 = arith.select %gt3A_381, %broadcast_in_dim3A_401, %sub3A_399 : vector<16xi1>, vector<16xi32>
        %le3A_403 = arith.constant 1 : i32
        %le3A_404 = vector.broadcast %le3A_403 : i32 to vector<16xi32>
        %le3A_405 = arith.cmpi sle, %select_n3A_402, %le3A_404 : vector<16xi32>
        %add3A_406 = arith.constant 1 : i32
        %add3A_407 = arith.addi %add3A_378, %add3A_406 : i32
        %mul3A_408 = arith.constant 16 : i32
        %mul3A_409 = arith.muli %add3A_407, %mul3A_408 : i32
        %get3A_410 = arith.index_cast %mul3A_409 : i32 to index
        %get3A_411 = tpu.vector_load %arg5[%get3A_410] {strides = array<i32>} : memref<16400xf32, #tpu.memory_space<vmem>>, vector<16xf32>,
        %get3A_412 = vector.shape_cast %get3A_411 : vector<16xf32> to vector<16xf32>
        %jit3A_413 = arith.constant 0.000000e+00 : f32
        %broadcast_in_dim3A_414 = vector.broadcast %jit3A_413 : f32 to vector<16xf32>
        %select_n3A_415 = arith.select %le3A_405, %get3A_412, %broadcast_in_dim3A_414 : vector<16xi1>, vector<16xf32>
        %mul3A_416 = arith.constant 8 : i32
        %mul3A_417 = arith.muli %scan3A_128, %mul3A_416 : i32
        %add3A_418 = arith.constant 7 : i32
        %add3A_419 = arith.addi %mul3A_417, %add3A_418 : i32
        %gt3A_420 = arith.constant 1.000000e+00 : f32
        %gt3A_421 = vector.broadcast %gt3A_420 : f32 to vector<16xf32>
        %gt3A_422 = arith.cmpf ogt, %select_n3A_388, %gt3A_421 : vector<16xf32>
        %mul3A_423 = arith.constant 0.899999976 : f32
        %mul3A_424 = vector.broadcast %mul3A_423 : f32 to vector<16xf32>
        %mul3A_425 = arith.mulf %select_n3A_388, %mul3A_424 : vector<16xf32>
        %add3A_426 = arith.addf %mul3A_425, %select_n3A_415 : vector<16xf32>
        %jit3A_427 = arith.constant 0.000000e+00 : f32
        %broadcast_in_dim3A_428 = vector.broadcast %jit3A_427 : f32 to vector<16xf32>
        %select_n3A_429 = arith.select %gt3A_422, %broadcast_in_dim3A_428, %add3A_426 : vector<16xi1>, vector<16xf32>
        %add3A_430 = arith.constant 3072 : i32
        %add3A_431 = arith.addi %add3A_430, %add3A_419 : i32
        %mul3A_432 = arith.constant 16 : i32
        %mul3A_433 = arith.muli %add3A_431, %mul3A_432 : i32
        %swap3A_434 = arith.index_cast %mul3A_433 : i32 to index
        %swap3A_435 = tpu.vector_load %arg6[%swap3A_434] {strides = array<i32>} : memref<65536xf32, #tpu.memory_space<vmem>>, vector<16xf32>,
        %swap3A_436 = vector.shape_cast %swap3A_435 : vector<16xf32> to vector<16xf32>
        %swap3A_437 = vector.shape_cast %select_n3A_429 : vector<16xf32> to vector<16xf32>
        tpu.vector_store %arg6[%swap3A_434], %swap3A_437 {strides = array<i32>} : memref<65536xf32, #tpu.memory_space<vmem>>, vector<16xf32>,
        %sub3A_438 = arith.constant 1 : i32
        %sub3A_439 = vector.broadcast %sub3A_438 : i32 to vector<16xi32>
        %sub3A_440 = arith.subi %select_n3A_402, %sub3A_439 : vector<16xi32>
        %jit3A_441 = arith.constant 10 : i32
        %broadcast_in_dim3A_442 = vector.broadcast %jit3A_441 : i32 to vector<16xi32>
        %select_n3A_443 = arith.select %gt3A_422, %broadcast_in_dim3A_442, %sub3A_440 : vector<16xi1>, vector<16xi32>
        %le3A_444 = arith.constant 1 : i32
        %le3A_445 = vector.broadcast %le3A_444 : i32 to vector<16xi32>
        %le3A_446 = arith.cmpi sle, %select_n3A_443, %le3A_445 : vector<16xi32>
        %add3A_447 = arith.constant 1 : i32
        %add3A_448 = arith.addi %add3A_419, %add3A_447 : i32
        %mul3A_449 = arith.constant 16 : i32
        %mul3A_450 = arith.muli %add3A_448, %mul3A_449 : i32
        %get3A_451 = arith.index_cast %mul3A_450 : i32 to index
        %get3A_452 = tpu.vector_load %arg5[%get3A_451] {strides = array<i32>} : memref<16400xf32, #tpu.memory_space<vmem>>, vector<16xf32>,
        %get3A_453 = vector.shape_cast %get3A_452 : vector<16xf32> to vector<16xf32>
        %jit3A_454 = arith.constant 0.000000e+00 : f32
        %broadcast_in_dim3A_455 = vector.broadcast %jit3A_454 : f32 to vector<16xf32>
        %select_n3A_456 = arith.select %le3A_446, %get3A_453, %broadcast_in_dim3A_455 : vector<16xi1>, vector<16xf32>
        scf.yield %select_n3A_429, %select_n3A_443, %select_n3A_456 : vector<16xf32>, vector<16xi32>, vector<16xf32>
      }
      %scan3A_127 = arith.constant 128 : i32
      "tpu.region"() ({
        %run_scoped3A = tpu.sem_alloc : memref<!tpu.dma_semaphore, #tpu.memory_space<semaphore_mem>>
        tpu.enqueue_dma source(%arg6 : memref<65536xf32, #tpu.memory_space<vmem>>) target(%arg7 : memref<65536xf32, #tpu.memory_space<vmem_shared>>) target_semaphore(%run_scoped3A : memref<!tpu.dma_semaphore, #tpu.memory_space<semaphore_mem>>)
        tpu.wait_dma2 semaphore(%run_scoped3A : memref<!tpu.dma_semaphore, #tpu.memory_space<semaphore_mem>>) src(%arg6 : memref<65536xf32, #tpu.memory_space<vmem>>) dst(%arg7 : memref<65536xf32, #tpu.memory_space<vmem_shared>>)
        tpu.yield
      }) : () -> ()
    } else {
    }
    %eq3A_3 = arith.constant 0 : i32
    %eq3A_4 = arith.cmpi eq, %arg0, %eq3A_3 : i32
    %convert_element_type3A_5 = arith.extui %eq3A_4 : i1 to i32
    %cond3A_6 = arith.constant 0 : i32
    %cond3A_7 = arith.cmpi ne, %convert_element_type3A_5, %cond3A_6 : i32
    scf.if %cond3A_7 {
      %barrier3A = arith.constant 0 : index
      tpu.barrier barrier_id(%barrier3A)
      %mul3A_8 = arith.constant 4096 : i32
      %mul3A_9 = arith.muli %arg1, %mul3A_8 : i32
      "tpu.region"() ({
        %run_scoped3A = tpu.sem_alloc : memref<!tpu.dma_semaphore, #tpu.memory_space<semaphore_mem>>
        %dma_start3A = tpu.memref_slice %arg7[%mul3A_9] : memref<65536xf32, #tpu.memory_space<vmem_shared>> -> memref<4096xf32, #tpu.memory_space<vmem_shared>>
        %dma_start3A_39 = tpu.memref_slice %arg7[%mul3A_9] : memref<65536xf32, #tpu.memory_space<vmem_shared>> -> memref<4096xf32, #tpu.memory_space<vmem_shared>>
        tpu.enqueue_dma source(%dma_start3A_39 : memref<4096xf32, #tpu.memory_space<vmem_shared>>) target(%arg8 : memref<4096xf32, #tpu.memory_space<vmem>>) target_semaphore(%run_scoped3A : memref<!tpu.dma_semaphore, #tpu.memory_space<semaphore_mem>>)
        %dma_wait3A = tpu.memref_slice %arg7[%mul3A_9] : memref<65536xf32, #tpu.memory_space<vmem_shared>> -> memref<4096xf32, #tpu.memory_space<vmem_shared>>
        %dma_wait3A_40 = tpu.memref_slice %arg7[%mul3A_9] : memref<65536xf32, #tpu.memory_space<vmem_shared>> -> memref<4096xf32, #tpu.memory_space<vmem_shared>>
        tpu.wait_dma2 semaphore(%run_scoped3A : memref<!tpu.dma_semaphore, #tpu.memory_space<semaphore_mem>>) src(%dma_wait3A_40 : memref<4096xf32, #tpu.memory_space<vmem_shared>>) dst(%arg8 : memref<4096xf32, #tpu.memory_space<vmem>>)
        tpu.yield
      }) : () -> ()
      %iota3A = tpu.iota {dimensions = array<i32: 0>} : vector<16xi32>
      %add3A_10 = arith.constant 1 : i32
      %add3A_11 = vector.broadcast %add3A_10 : i32 to vector<16xi32>
      %add3A_12 = arith.addi %iota3A, %add3A_11 : vector<16xi32>
      %and3A = arith.constant 15 : i32
      %and3A_13 = vector.broadcast %and3A : i32 to vector<16xi32>
      %and3A_14 = arith.andi %add3A_12, %and3A_13 : vector<16xi32>
      %add3A_15 = arith.constant 2 : i32
      %add3A_16 = vector.broadcast %add3A_15 : i32 to vector<16xi32>
      %add3A_17 = arith.addi %iota3A, %add3A_16 : vector<16xi32>
      %and3A_18 = arith.constant 15 : i32
      %and3A_19 = vector.broadcast %and3A_18 : i32 to vector<16xi32>
      %and3A_20 = arith.andi %add3A_17, %and3A_19 : vector<16xi32>
      %add3A_21 = arith.constant 4 : i32
      %add3A_22 = vector.broadcast %add3A_21 : i32 to vector<16xi32>
      %add3A_23 = arith.addi %iota3A, %add3A_22 : vector<16xi32>
      %and3A_24 = arith.constant 15 : i32
      %and3A_25 = vector.broadcast %and3A_24 : i32 to vector<16xi32>
      %and3A_26 = arith.andi %add3A_23, %and3A_25 : vector<16xi32>
      %add3A_27 = arith.constant 8 : i32
      %add3A_28 = vector.broadcast %add3A_27 : i32 to vector<16xi32>
      %add3A_29 = arith.addi %iota3A, %add3A_28 : vector<16xi32>
      %and3A_30 = arith.constant 15 : i32
      %and3A_31 = vector.broadcast %and3A_30 : i32 to vector<16xi32>
      %and3A_32 = arith.andi %add3A_29, %and3A_31 : vector<16xi32>
      %scan3A = arith.constant 0 : i32
      %scan3A_33 = arith.constant 0 : i32
      %scan3A_34 = arith.constant 64 : i32
      %scan3A_35 = arith.addi %scan3A_33, %scan3A_34 : i32
      %scan3A_36 = arith.constant 1 : i32
      %scan3A_37 = scf.for %scan3A_39 = %scan3A_33 to %scan3A_35 step %scan3A_36 iter_args(%scan3A_40 = %scan3A) -> (i32)  : i32 {
        %mul3A_41 = arith.constant 4 : i32
        %mul3A_42 = arith.muli %scan3A_39, %mul3A_41 : i32
        %add3A_43 = arith.constant 0 : i32
        %add3A_44 = arith.addi %mul3A_42, %add3A_43 : i32
        %mul3A_45 = arith.constant 16 : i32
        %mul3A_46 = arith.muli %add3A_44, %mul3A_45 : i32
        %get3A = arith.index_cast %mul3A_46 : i32 to index
        %get3A_47 = tpu.vector_load %arg8[%get3A] {strides = array<i32>} : memref<4096xf32, #tpu.memory_space<vmem>>, vector<16xf32>,
        %get3A_48 = vector.shape_cast %get3A_47 : vector<16xf32> to vector<16xf32>
        %gt3A = arith.constant 1.000000e+00 : f32
        %gt3A_49 = vector.broadcast %gt3A : f32 to vector<16xf32>
        %gt3A_50 = arith.cmpf ogt, %get3A_48, %gt3A_49 : vector<16xf32>
        %jit3A = arith.constant 1.000000e+00 : f32
        %jit3A_51 = arith.constant 0.000000e+00 : f32
        %broadcast_in_dim3A = vector.broadcast %jit3A : f32 to vector<16xf32>
        %broadcast_in_dim3A_52 = vector.broadcast %jit3A_51 : f32 to vector<16xf32>
        %select_n3A = arith.select %gt3A_50, %broadcast_in_dim3A, %broadcast_in_dim3A_52 : vector<16xi1>, vector<16xf32>
        %lt3A = arith.constant 0 : i32
        %lt3A_53 = vector.broadcast %lt3A : i32 to vector<16xi32>
        %lt3A_54 = arith.cmpi slt, %and3A_32, %lt3A_53 : vector<16xi32>
        %add3A_55 = arith.constant 16 : i32
        %add3A_56 = vector.broadcast %add3A_55 : i32 to vector<16xi32>
        %add3A_57 = arith.addi %and3A_32, %add3A_56 : vector<16xi32>
        %select_n3A_58 = arith.select %lt3A_54, %add3A_57, %and3A_32 : vector<16xi1>, vector<16xi32>
        %broadcast_in_dim3A_59 = vector.shape_cast %select_n3A_58 : vector<16xi32> to vector<16x1xi32>
        %gather3A = vector.shape_cast %broadcast_in_dim3A_59 : vector<16x1xi32> to vector<16xi32>
        %gather3A_60 = tpu.dynamic_gather %get3A_48[%gather3A] in [0] : vector<16xf32>, vector<16xi32> -> vector<16xf32>
        %max3A = arith.maximumf %get3A_48, %gather3A_60 : vector<16xf32>
        %lt3A_61 = arith.constant 0 : i32
        %lt3A_62 = vector.broadcast %lt3A_61 : i32 to vector<16xi32>
        %lt3A_63 = arith.cmpi slt, %and3A_26, %lt3A_62 : vector<16xi32>
        %add3A_64 = arith.constant 16 : i32
        %add3A_65 = vector.broadcast %add3A_64 : i32 to vector<16xi32>
        %add3A_66 = arith.addi %and3A_26, %add3A_65 : vector<16xi32>
        %select_n3A_67 = arith.select %lt3A_63, %add3A_66, %and3A_26 : vector<16xi1>, vector<16xi32>
        %broadcast_in_dim3A_68 = vector.shape_cast %select_n3A_67 : vector<16xi32> to vector<16x1xi32>
        %gather3A_69 = vector.shape_cast %broadcast_in_dim3A_68 : vector<16x1xi32> to vector<16xi32>
        %gather3A_70 = tpu.dynamic_gather %max3A[%gather3A_69] in [0] : vector<16xf32>, vector<16xi32> -> vector<16xf32>
        %max3A_71 = arith.maximumf %max3A, %gather3A_70 : vector<16xf32>
        %lt3A_72 = arith.constant 0 : i32
        %lt3A_73 = vector.broadcast %lt3A_72 : i32 to vector<16xi32>
        %lt3A_74 = arith.cmpi slt, %and3A_20, %lt3A_73 : vector<16xi32>
        %add3A_75 = arith.constant 16 : i32
        %add3A_76 = vector.broadcast %add3A_75 : i32 to vector<16xi32>
        %add3A_77 = arith.addi %and3A_20, %add3A_76 : vector<16xi32>
        %select_n3A_78 = arith.select %lt3A_74, %add3A_77, %and3A_20 : vector<16xi1>, vector<16xi32>
        %broadcast_in_dim3A_79 = vector.shape_cast %select_n3A_78 : vector<16xi32> to vector<16x1xi32>
        %gather3A_80 = vector.shape_cast %broadcast_in_dim3A_79 : vector<16x1xi32> to vector<16xi32>
        %gather3A_81 = tpu.dynamic_gather %max3A_71[%gather3A_80] in [0] : vector<16xf32>, vector<16xi32> -> vector<16xf32>
        %max3A_82 = arith.maximumf %max3A_71, %gather3A_81 : vector<16xf32>
        %lt3A_83 = arith.constant 0 : i32
        %lt3A_84 = vector.broadcast %lt3A_83 : i32 to vector<16xi32>
        %lt3A_85 = arith.cmpi slt, %and3A_14, %lt3A_84 : vector<16xi32>
        %add3A_86 = arith.constant 16 : i32
        %add3A_87 = vector.broadcast %add3A_86 : i32 to vector<16xi32>
        %add3A_88 = arith.addi %and3A_14, %add3A_87 : vector<16xi32>
        %select_n3A_89 = arith.select %lt3A_85, %add3A_88, %and3A_14 : vector<16xi1>, vector<16xi32>
        %broadcast_in_dim3A_90 = vector.shape_cast %select_n3A_89 : vector<16xi32> to vector<16x1xi32>
        %gather3A_91 = vector.shape_cast %broadcast_in_dim3A_90 : vector<16x1xi32> to vector<16xi32>
        %gather3A_92 = tpu.dynamic_gather %max3A_82[%gather3A_91] in [0] : vector<16xf32>, vector<16xi32> -> vector<16xf32>
        %max3A_93 = arith.maximumf %max3A_82, %gather3A_92 : vector<16xf32>
        %gt3A_94 = arith.constant 1.000000e+00 : f32
        %gt3A_95 = vector.broadcast %gt3A_94 : f32 to vector<16xf32>
        %gt3A_96 = arith.cmpf ogt, %max3A_93, %gt3A_95 : vector<16xf32>
        %select_n3A_97 = arith.select %gt3A_96, %select_n3A, %get3A_48 : vector<16xi1>, vector<16xf32>
        %exp3A = math.exp %select_n3A_97 : vector<16xf32>
        %lt3A_98 = arith.constant 0 : i32
        %lt3A_99 = vector.broadcast %lt3A_98 : i32 to vector<16xi32>
        %lt3A_100 = arith.cmpi slt, %and3A_32, %lt3A_99 : vector<16xi32>
        %add3A_101 = arith.constant 16 : i32
        %add3A_102 = vector.broadcast %add3A_101 : i32 to vector<16xi32>
        %add3A_103 = arith.addi %and3A_32, %add3A_102 : vector<16xi32>
        %select_n3A_104 = arith.select %lt3A_100, %add3A_103, %and3A_32 : vector<16xi1>, vector<16xi32>
        %broadcast_in_dim3A_105 = vector.shape_cast %select_n3A_104 : vector<16xi32> to vector<16x1xi32>
        %gather3A_106 = vector.shape_cast %broadcast_in_dim3A_105 : vector<16x1xi32> to vector<16xi32>
        %gather3A_107 = tpu.dynamic_gather %exp3A[%gather3A_106] in [0] : vector<16xf32>, vector<16xi32> -> vector<16xf32>
        %add3A_108 = arith.addf %exp3A, %gather3A_107 : vector<16xf32>
        %lt3A_109 = arith.constant 0 : i32
        %lt3A_110 = vector.broadcast %lt3A_109 : i32 to vector<16xi32>
        %lt3A_111 = arith.cmpi slt, %and3A_26, %lt3A_110 : vector<16xi32>
        %add3A_112 = arith.constant 16 : i32
        %add3A_113 = vector.broadcast %add3A_112 : i32 to vector<16xi32>
        %add3A_114 = arith.addi %and3A_26, %add3A_113 : vector<16xi32>
        %select_n3A_115 = arith.select %lt3A_111, %add3A_114, %and3A_26 : vector<16xi1>, vector<16xi32>
        %broadcast_in_dim3A_116 = vector.shape_cast %select_n3A_115 : vector<16xi32> to vector<16x1xi32>
        %gather3A_117 = vector.shape_cast %broadcast_in_dim3A_116 : vector<16x1xi32> to vector<16xi32>
        %gather3A_118 = tpu.dynamic_gather %add3A_108[%gather3A_117] in [0] : vector<16xf32>, vector<16xi32> -> vector<16xf32>
        %add3A_119 = arith.addf %add3A_108, %gather3A_118 : vector<16xf32>
        %lt3A_120 = arith.constant 0 : i32
        %lt3A_121 = vector.broadcast %lt3A_120 : i32 to vector<16xi32>
        %lt3A_122 = arith.cmpi slt, %and3A_20, %lt3A_121 : vector<16xi32>
        %add3A_123 = arith.constant 16 : i32
        %add3A_124 = vector.broadcast %add3A_123 : i32 to vector<16xi32>
        %add3A_125 = arith.addi %and3A_20, %add3A_124 : vector<16xi32>
        %select_n3A_126 = arith.select %lt3A_122, %add3A_125, %and3A_20 : vector<16xi1>, vector<16xi32>
        %broadcast_in_dim3A_127 = vector.shape_cast %select_n3A_126 : vector<16xi32> to vector<16x1xi32>
        %gather3A_128 = vector.shape_cast %broadcast_in_dim3A_127 : vector<16x1xi32> to vector<16xi32>
        %gather3A_129 = tpu.dynamic_gather %add3A_119[%gather3A_128] in [0] : vector<16xf32>, vector<16xi32> -> vector<16xf32>
        %add3A_130 = arith.addf %add3A_119, %gather3A_129 : vector<16xf32>
        %lt3A_131 = arith.constant 0 : i32
        %lt3A_132 = vector.broadcast %lt3A_131 : i32 to vector<16xi32>
        %lt3A_133 = arith.cmpi slt, %and3A_14, %lt3A_132 : vector<16xi32>
        %add3A_134 = arith.constant 16 : i32
        %add3A_135 = vector.broadcast %add3A_134 : i32 to vector<16xi32>
        %add3A_136 = arith.addi %and3A_14, %add3A_135 : vector<16xi32>
        %select_n3A_137 = arith.select %lt3A_133, %add3A_136, %and3A_14 : vector<16xi1>, vector<16xi32>
        %broadcast_in_dim3A_138 = vector.shape_cast %select_n3A_137 : vector<16xi32> to vector<16x1xi32>
        %gather3A_139 = vector.shape_cast %broadcast_in_dim3A_138 : vector<16x1xi32> to vector<16xi32>
        %gather3A_140 = tpu.dynamic_gather %add3A_130[%gather3A_139] in [0] : vector<16xf32>, vector<16xi32> -> vector<16xf32>
        %add3A_141 = arith.addf %add3A_130, %gather3A_140 : vector<16xf32>
        %div3A = arith.divf %exp3A, %add3A_141 : vector<16xf32>
        %mul3A_142 = arith.constant 16 : i32
        %mul3A_143 = arith.muli %add3A_44, %mul3A_142 : i32
        %swap3A = arith.index_cast %mul3A_143 : i32 to index
        %swap3A_144 = tpu.vector_load %arg9[%swap3A] {strides = array<i32>} : memref<4096xf32, #tpu.memory_space<vmem>>, vector<16xf32>,
        %swap3A_145 = vector.shape_cast %swap3A_144 : vector<16xf32> to vector<16xf32>
        %swap3A_146 = vector.shape_cast %div3A : vector<16xf32> to vector<16xf32>
        tpu.vector_store %arg9[%swap3A], %swap3A_146 {strides = array<i32>} : memref<4096xf32, #tpu.memory_space<vmem>>, vector<16xf32>,
        %mul3A_147 = arith.constant 4 : i32
        %mul3A_148 = arith.muli %scan3A_39, %mul3A_147 : i32
        %add3A_149 = arith.constant 1 : i32
        %add3A_150 = arith.addi %mul3A_148, %add3A_149 : i32
        %mul3A_151 = arith.constant 16 : i32
        %mul3A_152 = arith.muli %add3A_150, %mul3A_151 : i32
        %get3A_153 = arith.index_cast %mul3A_152 : i32 to index
        %get3A_154 = tpu.vector_load %arg8[%get3A_153] {strides = array<i32>} : memref<4096xf32, #tpu.memory_space<vmem>>, vector<16xf32>,
        %get3A_155 = vector.shape_cast %get3A_154 : vector<16xf32> to vector<16xf32>
        %gt3A_156 = arith.constant 1.000000e+00 : f32
        %gt3A_157 = vector.broadcast %gt3A_156 : f32 to vector<16xf32>
        %gt3A_158 = arith.cmpf ogt, %get3A_155, %gt3A_157 : vector<16xf32>
        %jit3A_159 = arith.constant 1.000000e+00 : f32
        %jit3A_160 = arith.constant 0.000000e+00 : f32
        %broadcast_in_dim3A_161 = vector.broadcast %jit3A_159 : f32 to vector<16xf32>
        %broadcast_in_dim3A_162 = vector.broadcast %jit3A_160 : f32 to vector<16xf32>
        %select_n3A_163 = arith.select %gt3A_158, %broadcast_in_dim3A_161, %broadcast_in_dim3A_162 : vector<16xi1>, vector<16xf32>
        %lt3A_164 = arith.constant 0 : i32
        %lt3A_165 = vector.broadcast %lt3A_164 : i32 to vector<16xi32>
        %lt3A_166 = arith.cmpi slt, %and3A_32, %lt3A_165 : vector<16xi32>
        %add3A_167 = arith.constant 16 : i32
        %add3A_168 = vector.broadcast %add3A_167 : i32 to vector<16xi32>
        %add3A_169 = arith.addi %and3A_32, %add3A_168 : vector<16xi32>
        %select_n3A_170 = arith.select %lt3A_166, %add3A_169, %and3A_32 : vector<16xi1>, vector<16xi32>
        %broadcast_in_dim3A_171 = vector.shape_cast %select_n3A_170 : vector<16xi32> to vector<16x1xi32>
        %gather3A_172 = vector.shape_cast %broadcast_in_dim3A_171 : vector<16x1xi32> to vector<16xi32>
        %gather3A_173 = tpu.dynamic_gather %get3A_155[%gather3A_172] in [0] : vector<16xf32>, vector<16xi32> -> vector<16xf32>
        %max3A_174 = arith.maximumf %get3A_155, %gather3A_173 : vector<16xf32>
        %lt3A_175 = arith.constant 0 : i32
        %lt3A_176 = vector.broadcast %lt3A_175 : i32 to vector<16xi32>
        %lt3A_177 = arith.cmpi slt, %and3A_26, %lt3A_176 : vector<16xi32>
        %add3A_178 = arith.constant 16 : i32
        %add3A_179 = vector.broadcast %add3A_178 : i32 to vector<16xi32>
        %add3A_180 = arith.addi %and3A_26, %add3A_179 : vector<16xi32>
        %select_n3A_181 = arith.select %lt3A_177, %add3A_180, %and3A_26 : vector<16xi1>, vector<16xi32>
        %broadcast_in_dim3A_182 = vector.shape_cast %select_n3A_181 : vector<16xi32> to vector<16x1xi32>
        %gather3A_183 = vector.shape_cast %broadcast_in_dim3A_182 : vector<16x1xi32> to vector<16xi32>
        %gather3A_184 = tpu.dynamic_gather %max3A_174[%gather3A_183] in [0] : vector<16xf32>, vector<16xi32> -> vector<16xf32>
        %max3A_185 = arith.maximumf %max3A_174, %gather3A_184 : vector<16xf32>
        %lt3A_186 = arith.constant 0 : i32
        %lt3A_187 = vector.broadcast %lt3A_186 : i32 to vector<16xi32>
        %lt3A_188 = arith.cmpi slt, %and3A_20, %lt3A_187 : vector<16xi32>
        %add3A_189 = arith.constant 16 : i32
        %add3A_190 = vector.broadcast %add3A_189 : i32 to vector<16xi32>
        %add3A_191 = arith.addi %and3A_20, %add3A_190 : vector<16xi32>
        %select_n3A_192 = arith.select %lt3A_188, %add3A_191, %and3A_20 : vector<16xi1>, vector<16xi32>
        %broadcast_in_dim3A_193 = vector.shape_cast %select_n3A_192 : vector<16xi32> to vector<16x1xi32>
        %gather3A_194 = vector.shape_cast %broadcast_in_dim3A_193 : vector<16x1xi32> to vector<16xi32>
        %gather3A_195 = tpu.dynamic_gather %max3A_185[%gather3A_194] in [0] : vector<16xf32>, vector<16xi32> -> vector<16xf32>
        %max3A_196 = arith.maximumf %max3A_185, %gather3A_195 : vector<16xf32>
        %lt3A_197 = arith.constant 0 : i32
        %lt3A_198 = vector.broadcast %lt3A_197 : i32 to vector<16xi32>
        %lt3A_199 = arith.cmpi slt, %and3A_14, %lt3A_198 : vector<16xi32>
        %add3A_200 = arith.constant 16 : i32
        %add3A_201 = vector.broadcast %add3A_200 : i32 to vector<16xi32>
        %add3A_202 = arith.addi %and3A_14, %add3A_201 : vector<16xi32>
        %select_n3A_203 = arith.select %lt3A_199, %add3A_202, %and3A_14 : vector<16xi1>, vector<16xi32>
        %broadcast_in_dim3A_204 = vector.shape_cast %select_n3A_203 : vector<16xi32> to vector<16x1xi32>
        %gather3A_205 = vector.shape_cast %broadcast_in_dim3A_204 : vector<16x1xi32> to vector<16xi32>
        %gather3A_206 = tpu.dynamic_gather %max3A_196[%gather3A_205] in [0] : vector<16xf32>, vector<16xi32> -> vector<16xf32>
        %max3A_207 = arith.maximumf %max3A_196, %gather3A_206 : vector<16xf32>
        %gt3A_208 = arith.constant 1.000000e+00 : f32
        %gt3A_209 = vector.broadcast %gt3A_208 : f32 to vector<16xf32>
        %gt3A_210 = arith.cmpf ogt, %max3A_207, %gt3A_209 : vector<16xf32>
        %select_n3A_211 = arith.select %gt3A_210, %select_n3A_163, %get3A_155 : vector<16xi1>, vector<16xf32>
        %exp3A_212 = math.exp %select_n3A_211 : vector<16xf32>
        %lt3A_213 = arith.constant 0 : i32
        %lt3A_214 = vector.broadcast %lt3A_213 : i32 to vector<16xi32>
        %lt3A_215 = arith.cmpi slt, %and3A_32, %lt3A_214 : vector<16xi32>
        %add3A_216 = arith.constant 16 : i32
        %add3A_217 = vector.broadcast %add3A_216 : i32 to vector<16xi32>
        %add3A_218 = arith.addi %and3A_32, %add3A_217 : vector<16xi32>
        %select_n3A_219 = arith.select %lt3A_215, %add3A_218, %and3A_32 : vector<16xi1>, vector<16xi32>
        %broadcast_in_dim3A_220 = vector.shape_cast %select_n3A_219 : vector<16xi32> to vector<16x1xi32>
        %gather3A_221 = vector.shape_cast %broadcast_in_dim3A_220 : vector<16x1xi32> to vector<16xi32>
        %gather3A_222 = tpu.dynamic_gather %exp3A_212[%gather3A_221] in [0] : vector<16xf32>, vector<16xi32> -> vector<16xf32>
        %add3A_223 = arith.addf %exp3A_212, %gather3A_222 : vector<16xf32>
        %lt3A_224 = arith.constant 0 : i32
        %lt3A_225 = vector.broadcast %lt3A_224 : i32 to vector<16xi32>
        %lt3A_226 = arith.cmpi slt, %and3A_26, %lt3A_225 : vector<16xi32>
        %add3A_227 = arith.constant 16 : i32
        %add3A_228 = vector.broadcast %add3A_227 : i32 to vector<16xi32>
        %add3A_229 = arith.addi %and3A_26, %add3A_228 : vector<16xi32>
        %select_n3A_230 = arith.select %lt3A_226, %add3A_229, %and3A_26 : vector<16xi1>, vector<16xi32>
        %broadcast_in_dim3A_231 = vector.shape_cast %select_n3A_230 : vector<16xi32> to vector<16x1xi32>
        %gather3A_232 = vector.shape_cast %broadcast_in_dim3A_231 : vector<16x1xi32> to vector<16xi32>
        %gather3A_233 = tpu.dynamic_gather %add3A_223[%gather3A_232] in [0] : vector<16xf32>, vector<16xi32> -> vector<16xf32>
        %add3A_234 = arith.addf %add3A_223, %gather3A_233 : vector<16xf32>
        %lt3A_235 = arith.constant 0 : i32
        %lt3A_236 = vector.broadcast %lt3A_235 : i32 to vector<16xi32>
        %lt3A_237 = arith.cmpi slt, %and3A_20, %lt3A_236 : vector<16xi32>
        %add3A_238 = arith.constant 16 : i32
        %add3A_239 = vector.broadcast %add3A_238 : i32 to vector<16xi32>
        %add3A_240 = arith.addi %and3A_20, %add3A_239 : vector<16xi32>
        %select_n3A_241 = arith.select %lt3A_237, %add3A_240, %and3A_20 : vector<16xi1>, vector<16xi32>
        %broadcast_in_dim3A_242 = vector.shape_cast %select_n3A_241 : vector<16xi32> to vector<16x1xi32>
        %gather3A_243 = vector.shape_cast %broadcast_in_dim3A_242 : vector<16x1xi32> to vector<16xi32>
        %gather3A_244 = tpu.dynamic_gather %add3A_234[%gather3A_243] in [0] : vector<16xf32>, vector<16xi32> -> vector<16xf32>
        %add3A_245 = arith.addf %add3A_234, %gather3A_244 : vector<16xf32>
        %lt3A_246 = arith.constant 0 : i32
        %lt3A_247 = vector.broadcast %lt3A_246 : i32 to vector<16xi32>
        %lt3A_248 = arith.cmpi slt, %and3A_14, %lt3A_247 : vector<16xi32>
        %add3A_249 = arith.constant 16 : i32
        %add3A_250 = vector.broadcast %add3A_249 : i32 to vector<16xi32>
        %add3A_251 = arith.addi %and3A_14, %add3A_250 : vector<16xi32>
        %select_n3A_252 = arith.select %lt3A_248, %add3A_251, %and3A_14 : vector<16xi1>, vector<16xi32>
        %broadcast_in_dim3A_253 = vector.shape_cast %select_n3A_252 : vector<16xi32> to vector<16x1xi32>
        %gather3A_254 = vector.shape_cast %broadcast_in_dim3A_253 : vector<16x1xi32> to vector<16xi32>
        %gather3A_255 = tpu.dynamic_gather %add3A_245[%gather3A_254] in [0] : vector<16xf32>, vector<16xi32> -> vector<16xf32>
        %add3A_256 = arith.addf %add3A_245, %gather3A_255 : vector<16xf32>
        %div3A_257 = arith.divf %exp3A_212, %add3A_256 : vector<16xf32>
        %mul3A_258 = arith.constant 16 : i32
        %mul3A_259 = arith.muli %add3A_150, %mul3A_258 : i32
        %swap3A_260 = arith.index_cast %mul3A_259 : i32 to index
        %swap3A_261 = tpu.vector_load %arg9[%swap3A_260] {strides = array<i32>} : memref<4096xf32, #tpu.memory_space<vmem>>, vector<16xf32>,
        %swap3A_262 = vector.shape_cast %swap3A_261 : vector<16xf32> to vector<16xf32>
        %swap3A_263 = vector.shape_cast %div3A_257 : vector<16xf32> to vector<16xf32>
        tpu.vector_store %arg9[%swap3A_260], %swap3A_263 {strides = array<i32>} : memref<4096xf32, #tpu.memory_space<vmem>>, vector<16xf32>,
        %mul3A_264 = arith.constant 4 : i32
        %mul3A_265 = arith.muli %scan3A_39, %mul3A_264 : i32
        %add3A_266 = arith.constant 2 : i32
        %add3A_267 = arith.addi %mul3A_265, %add3A_266 : i32
        %mul3A_268 = arith.constant 16 : i32
        %mul3A_269 = arith.muli %add3A_267, %mul3A_268 : i32
        %get3A_270 = arith.index_cast %mul3A_269 : i32 to index
        %get3A_271 = tpu.vector_load %arg8[%get3A_270] {strides = array<i32>} : memref<4096xf32, #tpu.memory_space<vmem>>, vector<16xf32>,
        %get3A_272 = vector.shape_cast %get3A_271 : vector<16xf32> to vector<16xf32>
        %gt3A_273 = arith.constant 1.000000e+00 : f32
        %gt3A_274 = vector.broadcast %gt3A_273 : f32 to vector<16xf32>
        %gt3A_275 = arith.cmpf ogt, %get3A_272, %gt3A_274 : vector<16xf32>
        %jit3A_276 = arith.constant 1.000000e+00 : f32
        %jit3A_277 = arith.constant 0.000000e+00 : f32
        %broadcast_in_dim3A_278 = vector.broadcast %jit3A_276 : f32 to vector<16xf32>
        %broadcast_in_dim3A_279 = vector.broadcast %jit3A_277 : f32 to vector<16xf32>
        %select_n3A_280 = arith.select %gt3A_275, %broadcast_in_dim3A_278, %broadcast_in_dim3A_279 : vector<16xi1>, vector<16xf32>
        %lt3A_281 = arith.constant 0 : i32
        %lt3A_282 = vector.broadcast %lt3A_281 : i32 to vector<16xi32>
        %lt3A_283 = arith.cmpi slt, %and3A_32, %lt3A_282 : vector<16xi32>
        %add3A_284 = arith.constant 16 : i32
        %add3A_285 = vector.broadcast %add3A_284 : i32 to vector<16xi32>
        %add3A_286 = arith.addi %and3A_32, %add3A_285 : vector<16xi32>
        %select_n3A_287 = arith.select %lt3A_283, %add3A_286, %and3A_32 : vector<16xi1>, vector<16xi32>
        %broadcast_in_dim3A_288 = vector.shape_cast %select_n3A_287 : vector<16xi32> to vector<16x1xi32>
        %gather3A_289 = vector.shape_cast %broadcast_in_dim3A_288 : vector<16x1xi32> to vector<16xi32>
        %gather3A_290 = tpu.dynamic_gather %get3A_272[%gather3A_289] in [0] : vector<16xf32>, vector<16xi32> -> vector<16xf32>
        %max3A_291 = arith.maximumf %get3A_272, %gather3A_290 : vector<16xf32>
        %lt3A_292 = arith.constant 0 : i32
        %lt3A_293 = vector.broadcast %lt3A_292 : i32 to vector<16xi32>
        %lt3A_294 = arith.cmpi slt, %and3A_26, %lt3A_293 : vector<16xi32>
        %add3A_295 = arith.constant 16 : i32
        %add3A_296 = vector.broadcast %add3A_295 : i32 to vector<16xi32>
        %add3A_297 = arith.addi %and3A_26, %add3A_296 : vector<16xi32>
        %select_n3A_298 = arith.select %lt3A_294, %add3A_297, %and3A_26 : vector<16xi1>, vector<16xi32>
        %broadcast_in_dim3A_299 = vector.shape_cast %select_n3A_298 : vector<16xi32> to vector<16x1xi32>
        %gather3A_300 = vector.shape_cast %broadcast_in_dim3A_299 : vector<16x1xi32> to vector<16xi32>
        %gather3A_301 = tpu.dynamic_gather %max3A_291[%gather3A_300] in [0] : vector<16xf32>, vector<16xi32> -> vector<16xf32>
        %max3A_302 = arith.maximumf %max3A_291, %gather3A_301 : vector<16xf32>
        %lt3A_303 = arith.constant 0 : i32
        %lt3A_304 = vector.broadcast %lt3A_303 : i32 to vector<16xi32>
        %lt3A_305 = arith.cmpi slt, %and3A_20, %lt3A_304 : vector<16xi32>
        %add3A_306 = arith.constant 16 : i32
        %add3A_307 = vector.broadcast %add3A_306 : i32 to vector<16xi32>
        %add3A_308 = arith.addi %and3A_20, %add3A_307 : vector<16xi32>
        %select_n3A_309 = arith.select %lt3A_305, %add3A_308, %and3A_20 : vector<16xi1>, vector<16xi32>
        %broadcast_in_dim3A_310 = vector.shape_cast %select_n3A_309 : vector<16xi32> to vector<16x1xi32>
        %gather3A_311 = vector.shape_cast %broadcast_in_dim3A_310 : vector<16x1xi32> to vector<16xi32>
        %gather3A_312 = tpu.dynamic_gather %max3A_302[%gather3A_311] in [0] : vector<16xf32>, vector<16xi32> -> vector<16xf32>
        %max3A_313 = arith.maximumf %max3A_302, %gather3A_312 : vector<16xf32>
        %lt3A_314 = arith.constant 0 : i32
        %lt3A_315 = vector.broadcast %lt3A_314 : i32 to vector<16xi32>
        %lt3A_316 = arith.cmpi slt, %and3A_14, %lt3A_315 : vector<16xi32>
        %add3A_317 = arith.constant 16 : i32
        %add3A_318 = vector.broadcast %add3A_317 : i32 to vector<16xi32>
        %add3A_319 = arith.addi %and3A_14, %add3A_318 : vector<16xi32>
        %select_n3A_320 = arith.select %lt3A_316, %add3A_319, %and3A_14 : vector<16xi1>, vector<16xi32>
        %broadcast_in_dim3A_321 = vector.shape_cast %select_n3A_320 : vector<16xi32> to vector<16x1xi32>
        %gather3A_322 = vector.shape_cast %broadcast_in_dim3A_321 : vector<16x1xi32> to vector<16xi32>
        %gather3A_323 = tpu.dynamic_gather %max3A_313[%gather3A_322] in [0] : vector<16xf32>, vector<16xi32> -> vector<16xf32>
        %max3A_324 = arith.maximumf %max3A_313, %gather3A_323 : vector<16xf32>
        %gt3A_325 = arith.constant 1.000000e+00 : f32
        %gt3A_326 = vector.broadcast %gt3A_325 : f32 to vector<16xf32>
        %gt3A_327 = arith.cmpf ogt, %max3A_324, %gt3A_326 : vector<16xf32>
        %select_n3A_328 = arith.select %gt3A_327, %select_n3A_280, %get3A_272 : vector<16xi1>, vector<16xf32>
        %exp3A_329 = math.exp %select_n3A_328 : vector<16xf32>
        %lt3A_330 = arith.constant 0 : i32
        %lt3A_331 = vector.broadcast %lt3A_330 : i32 to vector<16xi32>
        %lt3A_332 = arith.cmpi slt, %and3A_32, %lt3A_331 : vector<16xi32>
        %add3A_333 = arith.constant 16 : i32
        %add3A_334 = vector.broadcast %add3A_333 : i32 to vector<16xi32>
        %add3A_335 = arith.addi %and3A_32, %add3A_334 : vector<16xi32>
        %select_n3A_336 = arith.select %lt3A_332, %add3A_335, %and3A_32 : vector<16xi1>, vector<16xi32>
        %broadcast_in_dim3A_337 = vector.shape_cast %select_n3A_336 : vector<16xi32> to vector<16x1xi32>
        %gather3A_338 = vector.shape_cast %broadcast_in_dim3A_337 : vector<16x1xi32> to vector<16xi32>
        %gather3A_339 = tpu.dynamic_gather %exp3A_329[%gather3A_338] in [0] : vector<16xf32>, vector<16xi32> -> vector<16xf32>
        %add3A_340 = arith.addf %exp3A_329, %gather3A_339 : vector<16xf32>
        %lt3A_341 = arith.constant 0 : i32
        %lt3A_342 = vector.broadcast %lt3A_341 : i32 to vector<16xi32>
        %lt3A_343 = arith.cmpi slt, %and3A_26, %lt3A_342 : vector<16xi32>
        %add3A_344 = arith.constant 16 : i32
        %add3A_345 = vector.broadcast %add3A_344 : i32 to vector<16xi32>
        %add3A_346 = arith.addi %and3A_26, %add3A_345 : vector<16xi32>
        %select_n3A_347 = arith.select %lt3A_343, %add3A_346, %and3A_26 : vector<16xi1>, vector<16xi32>
        %broadcast_in_dim3A_348 = vector.shape_cast %select_n3A_347 : vector<16xi32> to vector<16x1xi32>
        %gather3A_349 = vector.shape_cast %broadcast_in_dim3A_348 : vector<16x1xi32> to vector<16xi32>
        %gather3A_350 = tpu.dynamic_gather %add3A_340[%gather3A_349] in [0] : vector<16xf32>, vector<16xi32> -> vector<16xf32>
        %add3A_351 = arith.addf %add3A_340, %gather3A_350 : vector<16xf32>
        %lt3A_352 = arith.constant 0 : i32
        %lt3A_353 = vector.broadcast %lt3A_352 : i32 to vector<16xi32>
        %lt3A_354 = arith.cmpi slt, %and3A_20, %lt3A_353 : vector<16xi32>
        %add3A_355 = arith.constant 16 : i32
        %add3A_356 = vector.broadcast %add3A_355 : i32 to vector<16xi32>
        %add3A_357 = arith.addi %and3A_20, %add3A_356 : vector<16xi32>
        %select_n3A_358 = arith.select %lt3A_354, %add3A_357, %and3A_20 : vector<16xi1>, vector<16xi32>
        %broadcast_in_dim3A_359 = vector.shape_cast %select_n3A_358 : vector<16xi32> to vector<16x1xi32>
        %gather3A_360 = vector.shape_cast %broadcast_in_dim3A_359 : vector<16x1xi32> to vector<16xi32>
        %gather3A_361 = tpu.dynamic_gather %add3A_351[%gather3A_360] in [0] : vector<16xf32>, vector<16xi32> -> vector<16xf32>
        %add3A_362 = arith.addf %add3A_351, %gather3A_361 : vector<16xf32>
        %lt3A_363 = arith.constant 0 : i32
        %lt3A_364 = vector.broadcast %lt3A_363 : i32 to vector<16xi32>
        %lt3A_365 = arith.cmpi slt, %and3A_14, %lt3A_364 : vector<16xi32>
        %add3A_366 = arith.constant 16 : i32
        %add3A_367 = vector.broadcast %add3A_366 : i32 to vector<16xi32>
        %add3A_368 = arith.addi %and3A_14, %add3A_367 : vector<16xi32>
        %select_n3A_369 = arith.select %lt3A_365, %add3A_368, %and3A_14 : vector<16xi1>, vector<16xi32>
        %broadcast_in_dim3A_370 = vector.shape_cast %select_n3A_369 : vector<16xi32> to vector<16x1xi32>
        %gather3A_371 = vector.shape_cast %broadcast_in_dim3A_370 : vector<16x1xi32> to vector<16xi32>
        %gather3A_372 = tpu.dynamic_gather %add3A_362[%gather3A_371] in [0] : vector<16xf32>, vector<16xi32> -> vector<16xf32>
        %add3A_373 = arith.addf %add3A_362, %gather3A_372 : vector<16xf32>
        %div3A_374 = arith.divf %exp3A_329, %add3A_373 : vector<16xf32>
        %mul3A_375 = arith.constant 16 : i32
        %mul3A_376 = arith.muli %add3A_267, %mul3A_375 : i32
        %swap3A_377 = arith.index_cast %mul3A_376 : i32 to index
        %swap3A_378 = tpu.vector_load %arg9[%swap3A_377] {strides = array<i32>} : memref<4096xf32, #tpu.memory_space<vmem>>, vector<16xf32>,
        %swap3A_379 = vector.shape_cast %swap3A_378 : vector<16xf32> to vector<16xf32>
        %swap3A_380 = vector.shape_cast %div3A_374 : vector<16xf32> to vector<16xf32>
        tpu.vector_store %arg9[%swap3A_377], %swap3A_380 {strides = array<i32>} : memref<4096xf32, #tpu.memory_space<vmem>>, vector<16xf32>,
        %mul3A_381 = arith.constant 4 : i32
        %mul3A_382 = arith.muli %scan3A_39, %mul3A_381 : i32
        %add3A_383 = arith.constant 3 : i32
        %add3A_384 = arith.addi %mul3A_382, %add3A_383 : i32
        %mul3A_385 = arith.constant 16 : i32
        %mul3A_386 = arith.muli %add3A_384, %mul3A_385 : i32
        %get3A_387 = arith.index_cast %mul3A_386 : i32 to index
        %get3A_388 = tpu.vector_load %arg8[%get3A_387] {strides = array<i32>} : memref<4096xf32, #tpu.memory_space<vmem>>, vector<16xf32>,
        %get3A_389 = vector.shape_cast %get3A_388 : vector<16xf32> to vector<16xf32>
        %gt3A_390 = arith.constant 1.000000e+00 : f32
        %gt3A_391 = vector.broadcast %gt3A_390 : f32 to vector<16xf32>
        %gt3A_392 = arith.cmpf ogt, %get3A_389, %gt3A_391 : vector<16xf32>
        %jit3A_393 = arith.constant 1.000000e+00 : f32
        %jit3A_394 = arith.constant 0.000000e+00 : f32
        %broadcast_in_dim3A_395 = vector.broadcast %jit3A_393 : f32 to vector<16xf32>
        %broadcast_in_dim3A_396 = vector.broadcast %jit3A_394 : f32 to vector<16xf32>
        %select_n3A_397 = arith.select %gt3A_392, %broadcast_in_dim3A_395, %broadcast_in_dim3A_396 : vector<16xi1>, vector<16xf32>
        %lt3A_398 = arith.constant 0 : i32
        %lt3A_399 = vector.broadcast %lt3A_398 : i32 to vector<16xi32>
        %lt3A_400 = arith.cmpi slt, %and3A_32, %lt3A_399 : vector<16xi32>
        %add3A_401 = arith.constant 16 : i32
        %add3A_402 = vector.broadcast %add3A_401 : i32 to vector<16xi32>
        %add3A_403 = arith.addi %and3A_32, %add3A_402 : vector<16xi32>
        %select_n3A_404 = arith.select %lt3A_400, %add3A_403, %and3A_32 : vector<16xi1>, vector<16xi32>
        %broadcast_in_dim3A_405 = vector.shape_cast %select_n3A_404 : vector<16xi32> to vector<16x1xi32>
        %gather3A_406 = vector.shape_cast %broadcast_in_dim3A_405 : vector<16x1xi32> to vector<16xi32>
        %gather3A_407 = tpu.dynamic_gather %get3A_389[%gather3A_406] in [0] : vector<16xf32>, vector<16xi32> -> vector<16xf32>
        %max3A_408 = arith.maximumf %get3A_389, %gather3A_407 : vector<16xf32>
        %lt3A_409 = arith.constant 0 : i32
        %lt3A_410 = vector.broadcast %lt3A_409 : i32 to vector<16xi32>
        %lt3A_411 = arith.cmpi slt, %and3A_26, %lt3A_410 : vector<16xi32>
        %add3A_412 = arith.constant 16 : i32
        %add3A_413 = vector.broadcast %add3A_412 : i32 to vector<16xi32>
        %add3A_414 = arith.addi %and3A_26, %add3A_413 : vector<16xi32>
        %select_n3A_415 = arith.select %lt3A_411, %add3A_414, %and3A_26 : vector<16xi1>, vector<16xi32>
        %broadcast_in_dim3A_416 = vector.shape_cast %select_n3A_415 : vector<16xi32> to vector<16x1xi32>
        %gather3A_417 = vector.shape_cast %broadcast_in_dim3A_416 : vector<16x1xi32> to vector<16xi32>
        %gather3A_418 = tpu.dynamic_gather %max3A_408[%gather3A_417] in [0] : vector<16xf32>, vector<16xi32> -> vector<16xf32>
        %max3A_419 = arith.maximumf %max3A_408, %gather3A_418 : vector<16xf32>
        %lt3A_420 = arith.constant 0 : i32
        %lt3A_421 = vector.broadcast %lt3A_420 : i32 to vector<16xi32>
        %lt3A_422 = arith.cmpi slt, %and3A_20, %lt3A_421 : vector<16xi32>
        %add3A_423 = arith.constant 16 : i32
        %add3A_424 = vector.broadcast %add3A_423 : i32 to vector<16xi32>
        %add3A_425 = arith.addi %and3A_20, %add3A_424 : vector<16xi32>
        %select_n3A_426 = arith.select %lt3A_422, %add3A_425, %and3A_20 : vector<16xi1>, vector<16xi32>
        %broadcast_in_dim3A_427 = vector.shape_cast %select_n3A_426 : vector<16xi32> to vector<16x1xi32>
        %gather3A_428 = vector.shape_cast %broadcast_in_dim3A_427 : vector<16x1xi32> to vector<16xi32>
        %gather3A_429 = tpu.dynamic_gather %max3A_419[%gather3A_428] in [0] : vector<16xf32>, vector<16xi32> -> vector<16xf32>
        %max3A_430 = arith.maximumf %max3A_419, %gather3A_429 : vector<16xf32>
        %lt3A_431 = arith.constant 0 : i32
        %lt3A_432 = vector.broadcast %lt3A_431 : i32 to vector<16xi32>
        %lt3A_433 = arith.cmpi slt, %and3A_14, %lt3A_432 : vector<16xi32>
        %add3A_434 = arith.constant 16 : i32
        %add3A_435 = vector.broadcast %add3A_434 : i32 to vector<16xi32>
        %add3A_436 = arith.addi %and3A_14, %add3A_435 : vector<16xi32>
        %select_n3A_437 = arith.select %lt3A_433, %add3A_436, %and3A_14 : vector<16xi1>, vector<16xi32>
        %broadcast_in_dim3A_438 = vector.shape_cast %select_n3A_437 : vector<16xi32> to vector<16x1xi32>
        %gather3A_439 = vector.shape_cast %broadcast_in_dim3A_438 : vector<16x1xi32> to vector<16xi32>
        %gather3A_440 = tpu.dynamic_gather %max3A_430[%gather3A_439] in [0] : vector<16xf32>, vector<16xi32> -> vector<16xf32>
        %max3A_441 = arith.maximumf %max3A_430, %gather3A_440 : vector<16xf32>
        %gt3A_442 = arith.constant 1.000000e+00 : f32
        %gt3A_443 = vector.broadcast %gt3A_442 : f32 to vector<16xf32>
        %gt3A_444 = arith.cmpf ogt, %max3A_441, %gt3A_443 : vector<16xf32>
        %select_n3A_445 = arith.select %gt3A_444, %select_n3A_397, %get3A_389 : vector<16xi1>, vector<16xf32>
        %exp3A_446 = math.exp %select_n3A_445 : vector<16xf32>
        %lt3A_447 = arith.constant 0 : i32
        %lt3A_448 = vector.broadcast %lt3A_447 : i32 to vector<16xi32>
        %lt3A_449 = arith.cmpi slt, %and3A_32, %lt3A_448 : vector<16xi32>
        %add3A_450 = arith.constant 16 : i32
        %add3A_451 = vector.broadcast %add3A_450 : i32 to vector<16xi32>
        %add3A_452 = arith.addi %and3A_32, %add3A_451 : vector<16xi32>
        %select_n3A_453 = arith.select %lt3A_449, %add3A_452, %and3A_32 : vector<16xi1>, vector<16xi32>
        %broadcast_in_dim3A_454 = vector.shape_cast %select_n3A_453 : vector<16xi32> to vector<16x1xi32>
        %gather3A_455 = vector.shape_cast %broadcast_in_dim3A_454 : vector<16x1xi32> to vector<16xi32>
        %gather3A_456 = tpu.dynamic_gather %exp3A_446[%gather3A_455] in [0] : vector<16xf32>, vector<16xi32> -> vector<16xf32>
        %add3A_457 = arith.addf %exp3A_446, %gather3A_456 : vector<16xf32>
        %lt3A_458 = arith.constant 0 : i32
        %lt3A_459 = vector.broadcast %lt3A_458 : i32 to vector<16xi32>
        %lt3A_460 = arith.cmpi slt, %and3A_26, %lt3A_459 : vector<16xi32>
        %add3A_461 = arith.constant 16 : i32
        %add3A_462 = vector.broadcast %add3A_461 : i32 to vector<16xi32>
        %add3A_463 = arith.addi %and3A_26, %add3A_462 : vector<16xi32>
        %select_n3A_464 = arith.select %lt3A_460, %add3A_463, %and3A_26 : vector<16xi1>, vector<16xi32>
        %broadcast_in_dim3A_465 = vector.shape_cast %select_n3A_464 : vector<16xi32> to vector<16x1xi32>
        %gather3A_466 = vector.shape_cast %broadcast_in_dim3A_465 : vector<16x1xi32> to vector<16xi32>
        %gather3A_467 = tpu.dynamic_gather %add3A_457[%gather3A_466] in [0] : vector<16xf32>, vector<16xi32> -> vector<16xf32>
        %add3A_468 = arith.addf %add3A_457, %gather3A_467 : vector<16xf32>
        %lt3A_469 = arith.constant 0 : i32
        %lt3A_470 = vector.broadcast %lt3A_469 : i32 to vector<16xi32>
        %lt3A_471 = arith.cmpi slt, %and3A_20, %lt3A_470 : vector<16xi32>
        %add3A_472 = arith.constant 16 : i32
        %add3A_473 = vector.broadcast %add3A_472 : i32 to vector<16xi32>
        %add3A_474 = arith.addi %and3A_20, %add3A_473 : vector<16xi32>
        %select_n3A_475 = arith.select %lt3A_471, %add3A_474, %and3A_20 : vector<16xi1>, vector<16xi32>
        %broadcast_in_dim3A_476 = vector.shape_cast %select_n3A_475 : vector<16xi32> to vector<16x1xi32>
        %gather3A_477 = vector.shape_cast %broadcast_in_dim3A_476 : vector<16x1xi32> to vector<16xi32>
        %gather3A_478 = tpu.dynamic_gather %add3A_468[%gather3A_477] in [0] : vector<16xf32>, vector<16xi32> -> vector<16xf32>
        %add3A_479 = arith.addf %add3A_468, %gather3A_478 : vector<16xf32>
        %lt3A_480 = arith.constant 0 : i32
        %lt3A_481 = vector.broadcast %lt3A_480 : i32 to vector<16xi32>
        %lt3A_482 = arith.cmpi slt, %and3A_14, %lt3A_481 : vector<16xi32>
        %add3A_483 = arith.constant 16 : i32
        %add3A_484 = vector.broadcast %add3A_483 : i32 to vector<16xi32>
        %add3A_485 = arith.addi %and3A_14, %add3A_484 : vector<16xi32>
        %select_n3A_486 = arith.select %lt3A_482, %add3A_485, %and3A_14 : vector<16xi1>, vector<16xi32>
        %broadcast_in_dim3A_487 = vector.shape_cast %select_n3A_486 : vector<16xi32> to vector<16x1xi32>
        %gather3A_488 = vector.shape_cast %broadcast_in_dim3A_487 : vector<16x1xi32> to vector<16xi32>
        %gather3A_489 = tpu.dynamic_gather %add3A_479[%gather3A_488] in [0] : vector<16xf32>, vector<16xi32> -> vector<16xf32>
        %add3A_490 = arith.addf %add3A_479, %gather3A_489 : vector<16xf32>
        %div3A_491 = arith.divf %exp3A_446, %add3A_490 : vector<16xf32>
        %mul3A_492 = arith.constant 16 : i32
        %mul3A_493 = arith.muli %add3A_384, %mul3A_492 : i32
        %swap3A_494 = arith.index_cast %mul3A_493 : i32 to index
        %swap3A_495 = tpu.vector_load %arg9[%swap3A_494] {strides = array<i32>} : memref<4096xf32, #tpu.memory_space<vmem>>, vector<16xf32>,
        %swap3A_496 = vector.shape_cast %swap3A_495 : vector<16xf32> to vector<16xf32>
        %swap3A_497 = vector.shape_cast %div3A_491 : vector<16xf32> to vector<16xf32>
        tpu.vector_store %arg9[%swap3A_494], %swap3A_497 {strides = array<i32>} : memref<4096xf32, #tpu.memory_space<vmem>>, vector<16xf32>,
        %scan3A_498 = arith.constant 0 : i32
        scf.yield %scan3A_498 : i32
      }
      %scan3A_38 = arith.constant 64 : i32
      "tpu.region"() ({
        %run_scoped3A = tpu.sem_alloc : memref<!tpu.dma_semaphore, #tpu.memory_space<semaphore_mem>>
        %dma_start3A = arith.constant 0 : i32
        %dma_start3A_39 = tpu.memref_slice %arg3[%arg1, %dma_start3A] : memref<16x4096xf32, #tpu.memory_space<hbm>> -> memref<1x4096xf32, #tpu.memory_space<hbm>>
        %dma_start3A_40 = tpu.memref_squeeze %dma_start3A_39 : memref<1x4096xf32, #tpu.memory_space<hbm>> -> memref<4096xf32, #tpu.memory_space<hbm>>
        %dma_start3A_41 = arith.constant 0 : i32
        %dma_start3A_42 = tpu.memref_slice %arg3[%arg1, %dma_start3A_41] : memref<16x4096xf32, #tpu.memory_space<hbm>> -> memref<1x4096xf32, #tpu.memory_space<hbm>>
        %dma_start3A_43 = tpu.memref_squeeze %dma_start3A_42 : memref<1x4096xf32, #tpu.memory_space<hbm>> -> memref<4096xf32, #tpu.memory_space<hbm>>
        tpu.enqueue_dma source(%arg9 : memref<4096xf32, #tpu.memory_space<vmem>>) target(%dma_start3A_43 : memref<4096xf32, #tpu.memory_space<hbm>>) target_semaphore(%run_scoped3A : memref<!tpu.dma_semaphore, #tpu.memory_space<semaphore_mem>>)
        %dma_wait3A = arith.constant 0 : i32
        %dma_wait3A_44 = tpu.memref_slice %arg3[%arg1, %dma_wait3A] : memref<16x4096xf32, #tpu.memory_space<hbm>> -> memref<1x4096xf32, #tpu.memory_space<hbm>>
        %dma_wait3A_45 = tpu.memref_squeeze %dma_wait3A_44 : memref<1x4096xf32, #tpu.memory_space<hbm>> -> memref<4096xf32, #tpu.memory_space<hbm>>
        %dma_wait3A_46 = arith.constant 0 : i32
        %dma_wait3A_47 = tpu.memref_slice %arg3[%arg1, %dma_wait3A_46] : memref<16x4096xf32, #tpu.memory_space<hbm>> -> memref<1x4096xf32, #tpu.memory_space<hbm>>
        %dma_wait3A_48 = tpu.memref_squeeze %dma_wait3A_47 : memref<1x4096xf32, #tpu.memory_space<hbm>> -> memref<4096xf32, #tpu.memory_space<hbm>>
        tpu.wait_dma2 semaphore(%run_scoped3A : memref<!tpu.dma_semaphore, #tpu.memory_space<semaphore_mem>>) src(%arg9 : memref<4096xf32, #tpu.memory_space<vmem>>) dst(%dma_wait3A_48 : memref<4096xf32, #tpu.memory_space<hbm>>)
        tpu.yield
      }) : () -> ()
    } else {
    }
    return
  }
}

module attributes {stable_mosaic.version = 14 : i64} {
  func.func @_matmul_body(%arg0: i32, %arg1: memref<512x1024xf32, #tpu.memory_space<vmem>>, %arg2: memref<16x1024xf32, #tpu.memory_space<vmem>>, %arg3: memref<512x16xf32, #tpu.memory_space<vmem>>) attributes {dimension_semantics = [#tpu.dimension_semantics<arbitrary>], iteration_bounds = array<i64: 8>, scalar_prefetch = 0 : i64, scratch_operands = 0 : i64, tpu.core_type = #tpu.core_type<tc>, window_params = [{transform_indices = @transform_0, window_bounds = array<i64: 512, 1024>}, {pipeline_mode = #tpu.pipeline_mode<synchronous>, transform_indices = @transform_1, window_bounds = array<i64: 16, 1024>}, {transform_indices = @transform_2, window_bounds = array<i64: 512, 16>}]} {
    %get3A = arith.constant 0 : index
    %get3A_0 = arith.constant 0 : index
    %get3A_1 = vector.load %arg1[%get3A, %get3A_0] : memref<512x1024xf32, #tpu.memory_space<vmem>>, vector<512x1024xf32>
    %get3A_2 = arith.constant 0 : index
    %get3A_3 = arith.constant 0 : index
    %get3A_4 = vector.load %arg2[%get3A_2, %get3A_3] : memref<16x1024xf32, #tpu.memory_space<vmem>>, vector<16x1024xf32>
    %dot_general3A = arith.constant dense<0.000000e+00> : vector<512x16xf32>
    %dot_general3A_5 = tpu.matmul %get3A_1, %get3A_4, %dot_general3A {dimension_numbers = #tpu.dot_dimension_numbers<[1], [1], [0], [0], [0, 0, 1, 0], [], []>, transpose_lhs_hint = false} : vector<512x1024xf32>, vector<16x1024xf32>, vector<512x16xf32> -> vector<512x16xf32>
    %mul3A = arith.constant 1.000000e-01 : f32
    %mul3A_6 = vector.broadcast %mul3A : f32 to vector<512x16xf32>
    %mul3A_7 = arith.mulf %dot_general3A_5, %mul3A_6 : vector<512x16xf32>
    %swap3A = arith.constant 0 : index
    %swap3A_8 = arith.constant 0 : index
    %swap3A_9 = vector.load %arg3[%swap3A, %swap3A_8] : memref<512x16xf32, #tpu.memory_space<vmem>>, vector<512x16xf32>
    tpu.vector_store %arg3[%swap3A, %swap3A_8], %mul3A_7 {strides = array<i32>} : memref<512x16xf32, #tpu.memory_space<vmem>>, vector<512x16xf32>,
    return
  }
  func.func @transform_0(%arg0: i32) -> (i32, i32) {
    %c0_i32 = arith.constant 0 : i32
    %c0_i32_0 = arith.constant 0 : i32
    return %arg0, %c0_i32 : i32, i32
  }
  func.func @transform_1(%arg0: i32) -> (i32, i32) {
    %c0_i32 = arith.constant 0 : i32
    %c0_i32_0 = arith.constant 0 : i32
    %c0_i32_1 = arith.constant 0 : i32
    return %c0_i32, %c0_i32_0 : i32, i32
  }
  func.func @transform_2(%arg0: i32) -> (i32, i32) {
    %c0_i32 = arith.constant 0 : i32
    %c0_i32_0 = arith.constant 0 : i32
    return %arg0, %c0_i32 : i32, i32
  }
}

</mosaic_0001>

<sc_bundles>
// kernel: kernel.4.cloned.1.call-start
scs
__scs_entry_jumppad:
0x0: {  	(pc) =	sbr.rel $0x88, $3  }
0x1: {  	(tag) =	ssettag $0x0;
	lr =	simm.s32 $0x1  }
0x2: {  	[smem:$0x3F9F] =	sst lr;
	_ =	strace $0xD0000000  }
0x3: {  	_ = 	snop  }
0x4: {  	_ = 	snop  }
0x5: {  	_ = 	snop  }
0x6: {  	_ = 	snop  }
0x7: {  	_ = 	snop  }
__scs_overlays_trampoline_lowered:
0x8: {  	[smem:$0x3FAE] =	sst s0  }
0x9: {  	[smem:$0x3FAF] =	sst s1  }
0xa: {  	[smem:$0x3FB0] =	sst s2  }
0xb: {  	[smem:$0x3FB1] =	sst s3  }
0xc: {  	[smem:$0x3FB2] =	sst s4  }
0xd: {  	[smem:$0x3FB3] =	sst s5  }
0xe: {  	[smem:$0x3FB4] =	sst s6  }
0xf: {  	[smem:$0x3FB5] =	sst s7  }
0x10: {  	[smem:$0x3FB6] =	sst s8  }
0x11: {  	[smem:$0x3FB7] =	sst s9;
	s0 =	simm.s32 @!p0 $0x0  }
0x12: {  	s1 =	sld [smem:$0x3F9D];
	s0 =	simm.s32 @p0 $0x1  }
0x13: {  	[smem:$0x3FB8] =	sst s0;
	s0 =	simm.s32 @!p1 $0x0  }
0x14: {  	s2 =	sld [smem:$0x3F9C];
	s0 =	simm.s32 @p1 $0x1  }
0x15: {  	[smem:$0x3FB9] =	sst s0;
	s0 =	simm.s32 @!p2 $0x0  }
0x16: {  	s3 =	sld [smem:$0x3FDB];
	s0 =	simm.s32 @p2 $0x1  }
0x17: {  	s4 =	simm.s32 $0x1BF5;
	[smem:$0x3FBB] =	sst s0  }
0x18: {  	s0 =	sld [smem:$0x3F9E];
	_ =	swait.ge [sflag:s4], $0x0  }
0x19: {  	s7 =	sld [smem:$0x3F9F]  }
0x1a: {  	s8 =	sadd.s32 $0xFFFFE003, lr  }
0x1b: {  	s9 =	sadd.s32 $0xFFFFFEF7, lr;
	s5 =	simm.s32 $0xFFFFFFFF;
	p2 =	slt.u32 s8, $0xFFFFF086  }
0x1c: {  	p1 =	slt.u32 s9, $0xF7A;
	s5 =	simm.s32 @!p2 $0x0  }
0x1d: {  	s5 =	simm.s32 @p1 $0x1;
	p0 =	seq.s32 s7, s2  }
0x1e: {  	s7 =	smul.u32 @!p0 $0xF7A, s2;
	p2 =	seq.s32 @!p0 s5, $0x0  }
0x1f: {  	s9 =	smul.u32 $0xF7A, s1;
	s8 =	simm.s32 @!p0 $0x1BF5;
	p2 =	por !p2, p0  }
0x20: {  	[sflag:s8] =	ssyncset.s32 @!p0 $0xFFFFF086;
	s6 =	sadd.s32 @!p0 s3, s7;
	s7 =	simm.s32 @!p0 $0x108  }
0x21: {  	s3 =	sadd.s32 s3, s9;
	s6 =	sadd.s32 @!p0 $0x88, s6;
	s7 =	simm.s32 @p2 $0x1082  }
0x22: {  	[simem:s7], [sflag:s8] =	dma.local @!p0 [hbm:s6], $0xF7A  }
0x23: {  	s9 =	sor.u32 $0xD0000000, s2;
	s6 =	simm.s32 $0x108;
	_ =	swait.ge @!p0 [sflag:s8], $0x0  }
0x24: {  	s3 =	sadd.s32 $0x88, s3;
	s6 =	simm.s32 @!p1 $0x1082;
	[sflag:s4] =	ssyncset.s32 $0xFFFFF086  }
0x25: {  	[simem:s6], [sflag:s4] =	dma.local [hbm:s3], $0xF7A  }
0x26: {  	[smem:$0x3F9F] =	sst s1;
	(tag) =	ssettag s2;
	_ =	strace s9  }
0x27: {  	s1 =	sld [smem:$0x3FAF]  }
0x28: {  	s2 =	sld [smem:$0x3FB0]  }
0x29: {  	s4 =	sld [smem:$0x3FB2]  }
0x2a: {  	p0 =	seq.s32 s5, $0x0;
	s5 =	sld [smem:$0x3FB3]  }
0x2b: {  	s6 =	sld [smem:$0x3FB4]  }
0x2c: {  	s7 =	sld [smem:$0x3FB5]  }
0x2d: {  	s3 =	simm.s32 $0x108;
	s8 =	sld [smem:$0x3FB6]  }
0x2e: {  	s3 =	simm.s32 @!p0 $0x1082;
	s9 =	sld [smem:$0x3FB7]  }
0x2f: {  	lr =	sadd.s32 s0, s3;
	s0 =	sld [smem:$0x3FAE]  }
0x30: {  	s3 =	sld [smem:$0x3FB1]  }
0x31: {  	[smem:$0x3FBA] =	sst s10  }
0x32: {  	s10 =	sld [smem:$0x3FB8];
	_ =	sdelay $0x3  }
0x33: {  	p0 =	seq.s32 s10, $0x1;
	s10 =	sld [smem:$0x3FBA];
	_ =	sdelay $0x3  }
0x34: {  	[smem:$0x3FBA] =	sst s10  }
0x35: {  	s10 =	sld [smem:$0x3FB9];
	_ =	sdelay $0x3  }
0x36: {  	p1 =	seq.s32 s10, $0x1;
	s10 =	sld [smem:$0x3FBA];
	_ =	sdelay $0x3  }
0x37: {  	[smem:$0x3FBA] =	sst s10  }
0x38: {  	s10 =	sld [smem:$0x3FBB]  }
0x39: {  	_ = 	snop;
	(pc) =	sbr.ind lr, $3  }
0x3a: {  	_ = 	snop  }
0x3b: {  	_ = 	snop  }
0x3c: {  	p2 =	seq.s32 s10, $0x1;
	s10 =	sld [smem:$0x3FBA]  }
0x3d: {  	_ =	shalt  }
0x3e: {  	_ =	shalt  }
0x3f: {  	_ =	shalt  }
0x40: {  	_ =	shalt  }
0x41: {  	_ =	shalt  }
0x42: {  	_ =	shalt  }
0x43: {  	_ =	shalt  }
0x44: {  	_ =	shalt  }
0x45: {  	_ =	shalt  }
0x46: {  	_ =	shalt  }
0x47: {  	_ =	shalt  }
0x48: {  	_ =	shalt  }
0x49: {  	_ =	shalt  }
0x4a: {  	_ =	shalt  }
0x4b: {  	_ =	shalt  }
0x4c: {  	_ =	shalt  }
0x4d: {  	_ =	shalt  }
0x4e: {  	_ =	shalt  }
0x4f: {  	_ =	shalt  }
0x50: {  	_ =	shalt  }
0x51: {  	_ =	shalt  }
0x52: {  	_ =	shalt  }
0x53: {  	_ =	shalt  }
0x54: {  	_ =	shalt  }
0x55: {  	_ =	shalt  }
0x56: {  	_ =	shalt  }
0x57: {  	_ =	shalt  }
0x58: {  	_ =	shalt  }
0x59: {  	_ =	shalt  }
0x5a: {  	_ =	shalt  }
0x5b: {  	_ =	shalt  }
0x5c: {  	_ =	shalt  }
0x5d: {  	_ =	shalt  }
0x5e: {  	_ =	shalt  }
0x5f: {  	_ =	shalt  }
0x60: {  	_ =	shalt  }
0x61: {  	_ =	shalt  }
0x62: {  	_ =	shalt  }
0x63: {  	_ =	shalt  }
0x64: {  	_ =	shalt  }
0x65: {  	_ =	shalt  }
0x66: {  	_ =	shalt  }
0x67: {  	_ =	shalt  }
0x68: {  	_ =	shalt  }
0x69: {  	_ =	shalt  }
0x6a: {  	_ =	shalt  }
0x6b: {  	_ =	shalt  }
0x6c: {  	_ =	shalt  }
0x6d: {  	_ =	shalt  }
0x6e: {  	_ =	shalt  }
0x6f: {  	_ =	shalt  }
0x70: {  	_ =	shalt  }
0x71: {  	_ =	shalt  }
0x72: {  	_ =	shalt  }
0x73: {  	_ =	shalt  }
0x74: {  	_ =	shalt  }
0x75: {  	_ =	shalt  }
0x76: {  	_ =	shalt  }
0x77: {  	_ =	shalt  }
0x78: {  	_ =	shalt  }
0x79: {  	_ =	shalt  }
0x7a: {  	_ =	shalt  }
0x7b: {  	_ =	shalt  }
0x7c: {  	_ =	shalt  }
0x7d: {  	_ =	shalt  }
0x7e: {  	_ =	shalt  }
0x7f: {  	_ =	shalt  }
0x80: {  	_ =	shalt  }
0x81: {  	_ =	shalt  }
0x82: {  	_ =	shalt  }
0x83: {  	_ =	shalt  }
0x84: {  	_ =	shalt  }
0x85: {  	_ =	shalt  }
0x86: {  	_ =	shalt  }
0x87: {  	_ =	shalt  }
.Lfunc_end0:
.L_simem_size_0:
called_computation_lowered:
.L_overlay_start_0:
0x88: {  	s2 =	sld [smem:$0x3FD9]  }
0x89: {  	s3 =	sld [smem:$0x3FFE];
	_ =	sdelay $0x1  }
0x8a: {  	s1 =	srdreg.scid  }
0x8b: {  	s0 =	sand.u32 $0x1, s1  }
0x8c: {  	s17 =	sshll.u32 s0, $0xA;
	s2 =	sadd.s32 s3, s2  }
0x8d: {  	s2 =	sadd.s32 s2, s17  }
0x8e: {  	[smem:$0x3FC6] =	sst s2  }
0x8f: {  	_ = 	snop  }
0x90: {  	s2 =	sld [smem:$0x3FD0];
	(tm) =	ssettm $0x1  }
0x91: {  	s18 =	sld [smem:$0x3FFB];
	_ =	sdelay $0x3  }
0x92: {  	_ =	strace s18  }
0x93: {  	s3 =	sld [smem:$0x3FFC];
	_ =	sdelay $0x3  }
0x94: {  	_ =	strace s3  }
0x95: {  	s3 =	sld [smem:$0x3FFD];
	_ =	sdelay $0x3  }
0x96: {  	_ =	strace s3  }
0x97: {  	_ =	strace $0x8FFFFFFF  }
0x98: {  	s19 =	sld [smem:$0x3FDB];
	_ =	sdelay $0x1  }
0x99: {  	s4 =	simm.s32 $_scs_section_size  }
0x9a: {  	s5 =	simm.s32 $_size__tile_overlayer_lowered;
	s6 =	simm.s32 $_tile_overlayer_lowered  }
0x9b: {  	s22 =	simm.s32 $0x1BFF;
	s21 =	sshll.u32 s6, $0x1;
	s3 =	sadd.s32 s4, s19  }
0x9c: {  	s7 =	simm.s32 $0x0;
	s20 =	sshll.u32 s5, $0x1;
	s5 =	sadd.s32 s21, s3  }
0x9d: {  	[timem:s7], [sflag:s22] =	dma.local [hbm:s5], s20  }
0x9e: {  	_ =	swait.ge [sflag:s22], s20  }
0x9f: {  	s4 =	ssub.s32 $0x0, s20;
	[sflag:s22] =	ssyncset.done $0x0  }
0xa0: {  	[sflag:s22] =	ssyncadd.s32 s4;
	_ =	sdelay $0x1  }
0xa1: {  	s23 =	simm.s32 $0x1B8B  }
0xa2: {  	_ =	swait.ge [sflag:s23], $0x1  }
0xa3: {  	[sflag:s23] =	ssyncset.done $0x0  }
0xa4: {  	s25 =	simm.s32 $0x1B8E;
	s24 =	sld [smem:$0x3FFE];
	[sflag:s23] =	ssyncadd.s32 $0xFFFFFFFF  }
0xa5: {  	s26 =	simm.s32 $execute0_lowered;
	[smem:$0x3FD2] =	sst s25  }
0xa6: {  	s5 =	sshll.u32 s26, $0x1;
	_ =	strace $0x80000046;
	[dreg:$0x1] =	wrdreg $0xFFFFFFFF  }
0xa7: {  	s28 =	simm.s32 $_size_execute0_lowered;
	s3 =	sadd.s32 s3, s5;
	[dreg:$0x0] =	wrdreg $0x0  }
0xa8: {  	s5 =	sshll.u32 s28, $0x1;
	[dreg:$0x2] =	wrdreg s3  }
0xa9: {  	[dreg:$0x3] =	wrdreg s5  }
0xaa: {  	[dreg:$0x4] =	wrdreg $0xC0  }
0xab: {  	_ =	task [dreg:s7], $0x5FFFF  }
0xac: {  	[dreg:$0x1] =	wrdreg $0xFFFFFFFF  }
0xad: {  	[dreg:$0x0] =	wrdreg $0x60  }
0xae: {  	[dreg:$0x2] =	wrdreg s2  }
0xaf: {  	[dreg:$0x3] =	wrdreg s24  }
0xb0: {  	[dreg:$0x4] =	wrdreg $0x181000  }
0xb1: {  	[dreg:$0x5] =	wrdreg $0x9  }
0xb2: {  	_ =	task.clear_ibuf [dreg:s7], $0x6FFFF;
	_ =	strace $0x90000046  }
0xb3: {  	s29 =	simm.s32 $0x9;
	_ =	strace $0x80000048  }
0xb4: {  	_ =	swait.ge [sflag:s29], $0x1  }
0xb5: {  	[sflag:s29] =	ssyncadd.s32 $0xFFFFFFFF  }
0xb6: {  	_ =	strace $0x90000048  }
0xb7: {  	_ =	sfence  }
0xb8: {  	s30 =	sld [smem:$0x0];
	_ =	sdelay $0x2  }
0xb9: {  	s31 =	sshll.u32 s1, $0xD;
	s1 =	sshrl.u32 s1, $0x2  }
0xba: {  	s3 =	sand.u32 $0x4000, s31;
	s1 =	sadd.s32 s1, s30  }
0xbb: {  	s0 =	sor.u32 s3, s0;
	s1 =	sshll.u32 s1, $0x11  }
0xbc: {  	s0 =	sor.u32 s1, s0  }
0xbd: {  	s0 =	sadd.s32 $0x8F2B, s0  }
0xbe: {  	[sflag:s0] =	ssyncadd.remote.s32 $0x1  }
0xbf: {  	_ =	sfence.sel $0xFFFF  }
0xc0: {  	[dreg:$0x0] =	wrdreg $0xFFFFFFFF;
	(pc) =	sbr.abs _section_cstart, $3  }
0xc1: {  	[dreg:$0x1] =	wrdreg $0xFFFFFFFF  }
0xc2: {  	_ =	task.clear_ibuf [dreg:s7], $0x2FFFF;
	_ =	strace $0x9FFFFFFF  }
0xc3: {  	(tm) =	ssettm $0x7FFFFFFF  }
tec
execute0_lowered:
.L_overlay_start_1:
0x0: {  	(tag) =	ssettag $0x1  }
0x1: {  	s1 =	rddreg [dreg:$0x0]  }
0x2: {  	s5 =	rddreg [dreg:$0x1]  }
0x3: {  	s2 =	rddreg [dreg:$0x2]  }
0x4: {  	v0 =	vimm.s32 $0xFEDCBA98;
	s0 =	rddreg [dreg:$0x3];
	v1 =	vimm.s32 $0x76543210  }
0x5: {  	s3 =	simm.s32 $0x0;
	s6 =	srdreg.scid;
	s4 =	stileid.u32;
	v2 =	vimm.s32 $0x3210FEDC;
	v3 =	vimm.s32 $0xBA987654;
	v4 =	vimm.s32 $0x10FEDCBA  }
0x6: {  	v5 =	vimm.s32 $0x98765432;
	v6 =	vimm.s32 $0xFEDCBA9;
	s14 =	simm.s32 $0x8100;
	s15 =	simm.s32 $0x3;
	s17 =	simm.s32 $0x80  }
0x7: {  	v7 =	vimm.s32 $0x87654321;
	s18 =	simm.s32 $0x400;
	s19 =	simm.s32 $0x1A100;
	[smem:$0x7FF] =	sst s3  }
0x8: {  	v0 =	vunpack.c.l.s4.s8 v0;
	s16 =	sand.u32 $0x1, s6;
	v1 =	vunpack.c.l.s4.s8 v1;
	s29 =	sshll.u32 s4, $0x4;
	s9 =	sshll.u32 s4, $0x9;
	v2 =	vunpack.c.l.s4.s8 v2  }
0x9: {  	v3 =	vunpack.c.l.s4.s8 v3;
	v4 =	vunpack.c.l.s4.s8 v4;
	s13 =	ssub.s32 $0x0, s4;
	v5 =	vunpack.c.l.s4.s8 v5;
	s31 =	sshll.u32 s4, $0xC;
	_ =	strace $0x80000047  }
0xa: {  	v6 =	vunpack.c.l.s4.s8 v6;
	v7 =	vunpack.c.l.s4.s8 v7;
	s7 =	ssub.s32 $0x2, s16;
	s6 =	sand.u32 $0x70, s29;
	s12 =	sshll.u32 s16, $0x4;
	v0 =	vunpack.c.0.s8.s32 v0  }
0xb: {  	s30 =	sand.u32 $0x1000, s9;
	p1 =	sne.s32 s16, $0x0;
	s16 =	simm.s32 $0x19100;
	v2 =	vunpack.c.0.s8.s32 v2;
	v3 =	vunpack.c.0.s8.s32 v3;
	v4 =	vunpack.c.0.s8.s32 v4  }
.Ltmp0:
0xc: {  	s8 =	sshrl.u32 s7, $0x1;
	s10 =	sadd.s32 s6, s5;
	v5 =	vunpack.c.0.s8.s32 v5;
	v6 =	vunpack.c.0.s8.s32 v6;
	v7 =	vunpack.c.0.s8.s32 v7;
	(pc) =	sbr.rel .LBB2_1-.Ltmp0, $4  }
0xd: {  	s5 =	sadd.s32 $0x800, s1;
	s6 =	sadd.s32 $0x1000, s1;
	p0 =	sne.s32 s12, s13;
	v1 =	vunpack.c.0.s8.s32 v1;
	v2 =	vcombine.low v3, v2  }
0xe: {  	s12 =	simm.s32 $0x1;
	s13 =	simm.s32 $0x2;
	s11 =	ssub.s32 s7, s8;
	v3 =	vcombine.low v5, v4;
	v4 =	vand.u32 $0xF, v0;
	v5 =	vcombine.low v7, v6  }
0xf: {  	s9 =	sadd.s32 s30, s10;
	s7 =	sadd.s32 $0x1800, s1;
	s8 =	sadd.s32 s31, s2;
	v0 =	vimm.f32 $0.0e+00;
	v1 =	vcombine.low v4, v1  }
0x10: {  	s9 =	sadd.s32 $0x800, s9;
	s10 =	smax.u32 s11, $0x1;
	s11 =	simm.s32 $0x4080;
	v2 =	vand.u32 $0xF, v2;
	v3 =	vand.u32 $0xF, v3;
	v4 =	vand.u32 $0xF, v5  }
.LBB2_14:
0x11: {  	v19 =	vmul.f32 $1.442695020e+00, v21;
	(erf) = vrcp.f32 v30  }
0x12: {  	(erf) = vpow2.f32 v28  }
0x13: {  	(erf) = vpow2.f32 v19;
	_ =	sdelay $0x3  }
0x14: {  	v21 =	vpop (erf)  }
0x15: {  	v28 =	vpop (erf)  }
0x16: {  	v30 =	vpop (erf)  }
0x17: {  	v31 =	vpop (erf)  }
0x18: {  	v19 =	vpop (erf)  }
0x19: {  	v32 =	vpop (erf)  }
0x1a: {  	v33 =	vperm.xlane v32, v1  }
0x1b: {  	v18 =	vadd.f32 v9, v18  }
0x1c: {  	v33 =	vadd.f32 v32, v33  }
0x1d: {  	v34 =	vperm.xlane v18, v2  }
0x1e: {  	v35 =	vperm.xlane v33, v2  }
0x1f: {  	v40 =	vperm.xlane v29, v2;
	v18 =	vadd.f32 v18, v34  }
0x20: {  	v33 =	vadd.f32 v33, v35  }
0x21: {  	v29 =	vadd.f32 v29, v40;
	v41 =	vperm.xlane v18, v3  }
0x22: {  	v35 =	vperm.xlane v33, v3  }
0x23: {  	v42 =	vperm.xlane v29, v3;
	v18 =	vadd.f32 v18, v41  }
0x24: {  	v24 =	vadd.f32 v27, v24;
	v43 =	vperm.xlane v15, v4;
	v33 =	vadd.f32 v33, v35  }
0x25: {  	v29 =	vadd.f32 v29, v42;
	v44 =	vperm.xlane v18, v4  }
0x26: {  	v15 =	vmax.f32 v15, v43;
	(erf) = vrcp.f32 v24;
	v45 =	vperm.xlane v33, v4  }
0x27: {  	(erf) = vpow2.f32 v22;
	v46 =	vperm.xlane v29, v4;
	v18 =	vadd.f32 v18, v44  }
0x28: {  	vm1 =	vgt.f32 v15, $1.000000000e+00;
	(erf) = vpow2.f32 v20;
	v47 =	vadd.f32 v33, v45  }
0x29: {  	v11 =	vsel vm1, v14, v11;
	v48 =	vadd.f32 v29, v46;
	(erf) = vrcp.f32 v18  }
0x2a: {  	v11 =	vmul.f32 $1.442695020e+00, v11;
	(erf) = vrcp.f32 v47  }
0x2b: {  	(erf) = vrcp.f32 v48  }
0x2c: {  	(erf) = vpow2.f32 v11;
	_ =	sdelay $0x2  }
0x2d: {  	v11 =	vpop (erf)  }
0x2e: {  	v14 =	vpop (erf)  }
0x2f: {  	v15 =	vpop (erf)  }
0x30: {  	v18 =	vpop (erf)  }
0x31: {  	v20 =	vpop (erf)  }
0x32: {  	v22 =	vpop (erf)  }
0x33: {  	v49 =	vperm.xlane v21, v1;
	v27 =	vpop (erf)  }
0x34: {  	v50 =	vperm.xlane v27, v1  }
0x35: {  	v24 =	vadd.f32 v21, v49;
	v51 =	vperm.xlane v19, v1  }
0x36: {  	v29 =	vadd.f32 v27, v50  }
0x37: {  	v52 =	vperm.xlane v24, v2;
	v33 =	vadd.f32 v19, v51  }
0x38: {  	v23 =	vadd.f32 v23, v25;
	v53 =	vperm.xlane v29, v2  }
0x39: {  	v24 =	vadd.f32 v24, v52;
	v54 =	vperm.xlane v33, v2  }
0x3a: {  	v55 =	vperm.xlane v23, v3;
	v25 =	vadd.f32 v29, v53  }
0x3b: {  	v57 =	vperm.xlane v24, v3;
	v56 =	vadd.f32 v33, v54  }
0x3c: {  	v58 =	vperm.xlane v26, v3;
	v23 =	vadd.f32 v23, v55;
	v59 =	vperm.xlane v25, v3  }
0x3d: {  	v24 =	vadd.f32 v24, v57;
	v60 =	vperm.xlane v56, v3  }
0x3e: {  	v26 =	vmax.f32 v26, v58;
	v61 =	vperm.xlane v23, v4;
	v25 =	vadd.f32 v25, v59  }
0x3f: {  	v62 =	vperm.xlane v26, v4;
	v63 =	vperm.xlane v24, v4;
	v29 =	vadd.f32 v56, v60  }
0x40: {  	v36 =	vsel vm0, $0x3F800000, v0;
	v23 =	vadd.f32 v23, v61;
	v40 =	vperm.xlane v25, v4  }
0x41: {  	v26 =	vmax.f32 v26, v62;
	v24 =	vadd.f32 v24, v63;
	v41 =	vperm.xlane v29, v4  }
0x42: {  	vm15 =	vgt.f32 v26, $1.000000000e+00;
	(erf) = vrcp.f32 v23;
	v42 =	vadd.f32 v25, v40  }
0x43: {  	v13 =	vsel vm15, v36, v13;
	(erf) = vrcp.f32 v24;
	v43 =	vadd.f32 v29, v41  }
0x44: {  	v13 =	vmul.f32 $1.442695020e+00, v13;
	(erf) = vrcp.f32 v42  }
0x45: {  	(erf) = vrcp.f32 v43  }
0x46: {  	(erf) = vpow2.f32 v13;
	_ =	sdelay $0x4  }
0x47: {  	v44 =	vpop (erf)  }
0x48: {  	v45 =	vpop (erf)  }
0x49: {  	v46 =	vpop (erf)  }
0x4a: {  	v47 =	vperm.xlane v14, v1;
	v48 =	vpop (erf)  }
0x4b: {  	v49 =	vperm.xlane v15, v1;
	v50 =	vpop (erf)  }
0x4c: {  	v25 =	vadd.f32 v14, v47;
	v51 =	vperm.xlane v50, v1  }
0x4d: {  	v29 =	vadd.f32 v15, v49  }
0x4e: {  	v52 =	vperm.xlane v25, v2;
	v34 =	vadd.f32 v50, v51  }
0x4f: {  	v53 =	vperm.xlane v29, v2  }
0x50: {  	v25 =	vadd.f32 v25, v52;
	v54 =	vperm.xlane v34, v2  }
0x51: {  	v29 =	vadd.f32 v29, v53  }
0x52: {  	v55 =	vperm.xlane v25, v3;
	v34 =	vadd.f32 v34, v54  }
0x53: {  	v56 =	vperm.xlane v29, v3  }
0x54: {  	v25 =	vadd.f32 v25, v55;
	v57 =	vperm.xlane v34, v3  }
0x55: {  	v29 =	vadd.f32 v29, v56  }
0x56: {  	v5 =	vmul.f32 v16, v5;
	v58 =	vperm.xlane v25, v4;
	v34 =	vadd.f32 v34, v57  }
0x57: {  	v6 =	vmul.f32 v28, v6;
	v59 =	vperm.xlane v29, v4  }
0x58: {  	[tilespmem:s20+$0x1A130] =	vst v5;
	v5 =	vmul.f32 v30, v12;
	v60 =	vadd.f32 v25, v58;
	v61 =	vperm.xlane v34, v4  }
0x59: {  	[tilespmem:s20+$0x1A110] =	vst v6;
	v6 =	vmul.f32 v31, v7;
	v62 =	vadd.f32 v29, v59  }
0x5a: {  	[tilespmem:s20+$0x1A100] =	vst v5;
	v5 =	vmul.f32 v11, v8;
	(erf) = vrcp.f32 v60;
	v63 =	vadd.f32 v34, v61  }
0x5b: {  	[tilespmem:s21+$0x1A120] =	vst v6;
	v6 =	vmul.f32 v18, v9;
	(erf) = vrcp.f32 v62  }
0x5c: {  	[tilespmem:s21+$0x1A130] =	vst v5;
	v5 =	vmul.f32 v20, v32;
	(erf) = vrcp.f32 v63  }
0x5d: {  	[tilespmem:s21+$0x1A110] =	vst v6;
	v6 =	vmul.f32 v22, v10  }
0x5e: {  	[tilespmem:s21+$0x1A100] =	vst v5  }
0x5f: {  	[tilespmem:s22+$0x1A120] =	vst v6;
	v6 =	vmul.f32 v45, v21  }
0x60: {  	v5 =	vmul.f32 v44, v17  }
0x61: {  	v7 =	vmul.f32 v48, v19  }
0x62: {  	[tilespmem:s22+$0x1A130] =	vst v5;
	v5 =	vmul.f32 v46, v27  }
0x63: {  	[tilespmem:s22+$0x1A110] =	vst v6;
	v6 =	vpop (erf)  }
0x64: {  	[tilespmem:s22+$0x1A100] =	vst v5;
	v5 =	vmul.f32 v6, v14;
	v6 =	vpop (erf)  }
0x65: {  	[tilespmem:s23+$0x1A120] =	vst v7;
	v6 =	vmul.f32 v6, v15;
	v7 =	vpop (erf)  }
0x66: {  	[tilespmem:s23+$0x1A130] =	vst v5;
	v5 =	vmul.f32 v7, v50  }
0x67: {  	[tilespmem:s23+$0x1A110] =	vst v6  }
0x68: {  	[tilespmem:s23+$0x1A100] =	vst v5  }
0x69: {  	[hbm4b:s9+s17] =	stream.strided.scatter [tilespmem:s19], [sflag:$0x3], $0x1000, s18, s17, $0x38;
	[tilespmem:$0x1B100] =	vst v63  }
0x6a: {  	_ =	swait.ge [sflag:s15], $0x1000  }
0x6b: {  	[sflag:s15] =	ssyncset.done $0x0  }
0x6c: {  	[sflag:s15] =	ssyncadd.s32 $0xFFFFF000  }
.LBB2_15:
0x6d: {  	s3 =	sadd.s32 $0x1, s3  }
0x6e: {  	p2 =	sne.s32 s3, s10  }
.Ltmp1:
0x6f: {  	_ = 	snop;
	(pc) =	sbr.rel @!p2 .LBB2_16-.Ltmp1, $1  }
0x70: {  	_ =	sdelay $0x3  }
.LBB2_1:
.Ltmp2:
0x71: {  	(pc) =	sbr.rel @p0 .LBB2_11-.Ltmp2, $1  }
0x72: {  	_ =	sdelay $0x3  }
0x73: {  	s20 =	simm.s32 $0x0  }
0x74: {  	[tilespmem:s20], [sflag:$0x1] =	stream.linear.gather [hbm4b:s1+s20], $0x4000, $0x38;
	[tilespmem:$0x1B100] =	vst v63  }
0x75: {  	_ = 	snop  }
0x76: {  	[tilespmem:s11], [sflag:$0x2] =	stream.linear.gather [hbm4b:s5+s20], $0x4000, $0x38;
	[tilespmem:$0x1B100] =	vst v63  }
0x77: {  	_ =	swait.ge [sflag:s12], $0x4000  }
0x78: {  	[sflag:s12] =	ssyncset.done $0x0  }
0x79: {  	[sflag:s12] =	ssyncadd.s32 $0xFFFFC000  }
0x7a: {  	v5 =	vld [tilespmem:$0x0];
	_ =	sdelay $0x1  }
0x7b: {  	v6 =	vimm.f32 $0.0e+00  }
0x7c: {  	v7 =	vmul.f32 $8.999999760e-01, v6;
	s20 =	simm.s32 $0x0  }
0x7d: {  	v8 =	vld [tilespmem:s20+$0x10]  }
0x7e: {  	v9 =	vimm.s32 $0x0;
	v5 =	vadd.f32 v5, v7  }
0x7f: {  	vm0 =	vgt.f32 v6, $1.000000000e+00;
	v6 =	vadd.s32 $0xFFFFFFFF, v9  }
0x80: {  	v6 =	vsel vm0, $0xA, v6;
	v5 =	vsel vm0, $0x0, v5  }
0x81: {  	vm0 =	vlt.s32 v6, $0x2;
	v7 =	vmul.f32 $8.999999760e-01, v5  }
0x82: {  	v58 =	vld [tilespmem:s20+$0x20];
	v8 =	vnsel vm0, $0x0, v8  }
0x83: {  	v7 =	vadd.f32 v8, v7  }
0x84: {  	[tilespmem:s20+$0x8100] =	vst v5;
	vm0 =	vgt.f32 v5, $1.000000000e+00;
	v5 =	vadd.s32 $0xFFFFFFFF, v6  }
0x85: {  	v5 =	vsel vm0, $0xA, v5;
	v6 =	vsel vm0, $0x0, v7  }
0x86: {  	vm0 =	vlt.s32 v5, $0x2;
	v7 =	vmul.f32 $8.999999760e-01, v6  }
0x87: {  	v59 =	vld [tilespmem:s20+$0x30];
	v8 =	vnsel vm0, $0x0, v58  }
0x88: {  	v7 =	vadd.f32 v7, v8  }
0x89: {  	v5 =	vadd.s32 $0xFFFFFFFF, v5;
	vm0 =	vgt.f32 v6, $1.000000000e+00  }
0x8a: {  	[tilespmem:s20+$0x8110] =	vst v6;
	v5 =	vsel vm0, $0xA, v5;
	v6 =	vsel vm0, $0x0, v7  }
0x8b: {  	vm0 =	vlt.s32 v5, $0x2;
	v7 =	vmul.f32 $8.999999760e-01, v6  }
0x8c: {  	v60 =	vld [tilespmem:s20+$0x40];
	v8 =	vnsel vm0, $0x0, v59  }
0x8d: {  	v7 =	vadd.f32 v8, v7  }
0x8e: {  	v5 =	vadd.s32 $0xFFFFFFFF, v5;
	vm0 =	vgt.f32 v6, $1.000000000e+00  }
0x8f: {  	[tilespmem:s20+$0x8120] =	vst v6;
	v5 =	vsel vm0, $0xA, v5;
	v6 =	vsel vm0, $0x0, v7  }
0x90: {  	vm0 =	vlt.s32 v5, $0x2;
	v7 =	vmul.f32 $8.999999760e-01, v6  }
0x91: {  	v61 =	vld [tilespmem:s20+$0x50];
	v8 =	vnsel vm0, $0x0, v60  }
0x92: {  	v7 =	vadd.f32 v8, v7  }
0x93: {  	v5 =	vadd.s32 $0xFFFFFFFF, v5;
	vm0 =	vgt.f32 v6, $1.000000000e+00  }
0x94: {  	[tilespmem:s20+$0x8130] =	vst v6;
	v5 =	vsel vm0, $0xA, v5;
	v6 =	vsel vm0, $0x0, v7  }
0x95: {  	vm0 =	vlt.s32 v5, $0x2;
	v7 =	vmul.f32 $8.999999760e-01, v6  }
0x96: {  	v62 =	vld [tilespmem:s20+$0x60];
	v8 =	vnsel vm0, $0x0, v61  }
0x97: {  	v7 =	vadd.f32 v8, v7  }
0x98: {  	v5 =	vadd.s32 $0xFFFFFFFF, v5;
	vm0 =	vgt.f32 v6, $1.000000000e+00  }
0x99: {  	[tilespmem:s20+$0x8140] =	vst v6;
	v5 =	vsel vm0, $0xA, v5;
	v6 =	vsel vm0, $0x0, v7  }
0x9a: {  	vm0 =	vlt.s32 v5, $0x2;
	v7 =	vmul.f32 $8.999999760e-01, v6  }
0x9b: {  	v63 =	vld [tilespmem:s20+$0x70];
	v8 =	vnsel vm0, $0x0, v62  }
0x9c: {  	v5 =	vadd.s32 $0xFFFFFFFF, v5;
	vm0 =	vgt.f32 v6, $1.000000000e+00;
	v7 =	vadd.f32 v8, v7  }
0x9d: {  	[tilespmem:s20+$0x8150] =	vst v6;
	v6 =	vld [tilespmem:s20+$0x80];
	v5 =	vsel vm0, $0xA, v5  }
0x9e: {  	v8 =	vadd.s32 $0xFFFFFFFF, v5;
	v7 =	vsel vm0, $0x0, v7  }
0x9f: {  	vm1 =	vlt.s32 v5, $0x2;
	vm0 =	vgt.f32 v7, $1.000000000e+00;
	v10 =	vmul.f32 $8.999999760e-01, v7  }
0xa0: {  	v5 =	vsel vm0, $0xA, v8;
	v8 =	vnsel vm1, $0x0, v63  }
0xa1: {  	[tilespmem:s20+$0x8160] =	vst v7;
	vm1 =	vlt.s32 v5, $0x2;
	v7 =	vadd.f32 v8, v10  }
0xa2: {  	s21 =	simm.s32 $0x200;
	s22 =	simm.s32 $0x400;
	v6 =	vnsel vm1, $0x0, v6  }
.LBB2_3:
0xa3: {  	p2 =	sne.s32 s22, $0xFE00;
	v7 =	vsel vm0, $0x0, v7;
	s23 =	smov.u32 s22;
	s22 =	sadd.s32 $0x200, s22  }
0xa4: {  	v8 =	vmul.f32 $8.999999760e-01, v7;
	[tilespmem:s20+$0x8170] =	vst v7;
	s20 =	sshra.s32 s21, $0x2;
	s21 =	smov.u32 s23  }
0xa5: {  	v9 =	vld [tilespmem:s20+$0x10]  }
0xa6: {  	v6 =	vadd.f32 v6, v8  }
0xa7: {  	v5 =	vadd.s32 $0xFFFFFFFF, v5;
	vm0 =	vgt.f32 v7, $1.000000000e+00  }
0xa8: {  	v5 =	vsel vm0, $0xA, v5;
	v6 =	vsel vm0, $0x0, v6  }
0xa9: {  	vm0 =	vlt.s32 v5, $0x2;
	[tilespmem:s20+$0x8100] =	vst v6;
	v7 =	vmul.f32 $8.999999760e-01, v6;
	v8 =	vld [tilespmem:s20+$0x20]  }
0xaa: {  	v9 =	vnsel vm0, $0x0, v9  }
0xab: {  	v5 =	vadd.s32 $0xFFFFFFFF, v5;
	vm0 =	vgt.f32 v6, $1.000000000e+00;
	v6 =	vadd.f32 v9, v7  }
0xac: {  	v5 =	vsel vm0, $0xA, v5  }
0xad: {  	v6 =	vsel vm0, $0x0, v6;
	vm0 =	vlt.s32 v5, $0x2;
	v5 =	vadd.s32 $0xFFFFFFFF, v5  }
0xae: {  	[tilespmem:s20+$0x8110] =	vst v6;
	v7 =	vnsel vm0, $0x0, v8;
	v8 =	vmul.f32 $8.999999760e-01, v6;
	v9 =	vld [tilespmem:s20+$0x30];
	_ =	sdelay $0x1  }
0xaf: {  	vm0 =	vgt.f32 v6, $1.000000000e+00;
	v6 =	vadd.f32 v8, v7  }
0xb0: {  	v5 =	vsel vm0, $0xA, v5  }
0xb1: {  	v6 =	vsel vm0, $0x0, v6;
	vm0 =	vlt.s32 v5, $0x2  }
0xb2: {  	[tilespmem:s20+$0x8120] =	vst v6;
	v7 =	vnsel vm0, $0x0, v9;
	v8 =	vmul.f32 $8.999999760e-01, v6;
	v9 =	vld [tilespmem:s20+$0x40];
	_ =	sdelay $0x1  }
0xb3: {  	v5 =	vadd.s32 $0xFFFFFFFF, v5;
	vm0 =	vgt.f32 v6, $1.000000000e+00;
	v6 =	vadd.f32 v7, v8  }
0xb4: {  	v5 =	vsel vm0, $0xA, v5  }
0xb5: {  	v6 =	vsel vm0, $0x0, v6;
	vm0 =	vlt.s32 v5, $0x2  }
0xb6: {  	[tilespmem:s20+$0x8130] =	vst v6;
	v7 =	vnsel vm0, $0x0, v9;
	v8 =	vmul.f32 $8.999999760e-01, v6;
	v9 =	vld [tilespmem:s20+$0x50];
	_ =	sdelay $0x1  }
0xb7: {  	v5 =	vadd.s32 $0xFFFFFFFF, v5;
	vm0 =	vgt.f32 v6, $1.000000000e+00;
	v6 =	vadd.f32 v7, v8  }
0xb8: {  	v5 =	vsel vm0, $0xA, v5  }
0xb9: {  	v6 =	vsel vm0, $0x0, v6;
	vm0 =	vlt.s32 v5, $0x2  }
0xba: {  	[tilespmem:s20+$0x8140] =	vst v6;
	v7 =	vnsel vm0, $0x0, v9;
	v8 =	vmul.f32 $8.999999760e-01, v6;
	v9 =	vld [tilespmem:s20+$0x60];
	_ =	sdelay $0x1  }
0xbb: {  	v5 =	vadd.s32 $0xFFFFFFFF, v5;
	vm0 =	vgt.f32 v6, $1.000000000e+00;
	v6 =	vadd.f32 v7, v8  }
0xbc: {  	v5 =	vsel vm0, $0xA, v5  }
0xbd: {  	v6 =	vsel vm0, $0x0, v6;
	vm0 =	vlt.s32 v5, $0x2  }
0xbe: {  	[tilespmem:s20+$0x8150] =	vst v6;
	v7 =	vnsel vm0, $0x0, v9;
	v8 =	vmul.f32 $8.999999760e-01, v6;
	v9 =	vld [tilespmem:s20+$0x70];
	_ =	sdelay $0x1  }
0xbf: {  	v5 =	vadd.s32 $0xFFFFFFFF, v5;
	vm0 =	vgt.f32 v6, $1.000000000e+00;
	v6 =	vadd.f32 v7, v8  }
0xc0: {  	v5 =	vsel vm0, $0xA, v5;
	v8 =	vld [tilespmem:s20+$0x80]  }
.Ltmp3:
0xc1: {  	v6 =	vsel vm0, $0x0, v6;
	vm0 =	vlt.s32 v5, $0x2;
	v5 =	vadd.s32 $0xFFFFFFFF, v5;
	(pc) =	sbr.rel @p2 .LBB2_3-.Ltmp3, $4  }
0xc2: {  	[tilespmem:s20+$0x8160] =	vst v6;
	v7 =	vnsel vm0, $0x0, v9;
	vm0 =	vgt.f32 v6, $1.000000000e+00;
	v6 =	vmul.f32 $8.999999760e-01, v6  }
0xc3: {  	v5 =	vsel vm0, $0xA, v5  }
0xc4: {  	v7 =	vadd.f32 v7, v6;
	vm1 =	vlt.s32 v5, $0x2  }
0xc5: {  	v6 =	vnsel vm1, $0x0, v8  }
0xc6: {  	v7 =	vsel vm0, $0x0, v7  }
0xc7: {  	s21 =	sshra.s32 s21, $0x2;
	v8 =	vmul.f32 $8.999999760e-01, v7;
	[tilespmem:s20+$0x8170] =	vst v7  }
0xc8: {  	v9 =	vld [tilespmem:s21+$0x10]  }
0xc9: {  	v6 =	vadd.f32 v6, v8  }
0xca: {  	v5 =	vadd.s32 $0xFFFFFFFF, v5;
	vm0 =	vgt.f32 v7, $1.000000000e+00  }
0xcb: {  	v5 =	vsel vm0, $0xA, v5;
	v6 =	vsel vm0, $0x0, v6  }
0xcc: {  	vm0 =	vlt.s32 v5, $0x2;
	v7 =	vmul.f32 $8.999999760e-01, v6  }
0xcd: {  	v8 =	vld [tilespmem:s21+$0x20];
	v9 =	vnsel vm0, $0x0, v9  }
0xce: {  	v7 =	vadd.f32 v9, v7  }
0xcf: {  	v5 =	vadd.s32 $0xFFFFFFFF, v5;
	vm0 =	vgt.f32 v6, $1.000000000e+00  }
0xd0: {  	v5 =	vsel vm0, $0xA, v5;
	v7 =	vsel vm0, $0x0, v7  }
0xd1: {  	vm0 =	vlt.s32 v5, $0x2;
	v52 =	vmul.f32 $8.999999760e-01, v7  }
0xd2: {  	v10 =	vld [tilespmem:s21+$0x30];
	v8 =	vnsel vm0, $0x0, v8  }
0xd3: {  	v8 =	vadd.f32 v52, v8  }
0xd4: {  	v5 =	vadd.s32 $0xFFFFFFFF, v5;
	vm0 =	vgt.f32 v7, $1.000000000e+00  }
0xd5: {  	v5 =	vsel vm0, $0xA, v5;
	v8 =	vsel vm0, $0x0, v8  }
0xd6: {  	vm0 =	vlt.s32 v5, $0x2;
	v53 =	vmul.f32 $8.999999760e-01, v8  }
0xd7: {  	v11 =	vld [tilespmem:s21+$0x40];
	v10 =	vnsel vm0, $0x0, v10  }
0xd8: {  	v9 =	vadd.f32 v10, v53  }
0xd9: {  	v5 =	vadd.s32 $0xFFFFFFFF, v5;
	vm0 =	vgt.f32 v8, $1.000000000e+00  }
0xda: {  	v5 =	vsel vm0, $0xA, v5;
	v9 =	vsel vm0, $0x0, v9  }
0xdb: {  	vm0 =	vlt.s32 v5, $0x2;
	v54 =	vmul.f32 $8.999999760e-01, v9  }
0xdc: {  	v12 =	vld [tilespmem:s21+$0x50];
	v11 =	vnsel vm0, $0x0, v11  }
0xdd: {  	v10 =	vadd.f32 v11, v54  }
0xde: {  	v5 =	vadd.s32 $0xFFFFFFFF, v5;
	vm0 =	vgt.f32 v9, $1.000000000e+00  }
0xdf: {  	v5 =	vsel vm0, $0xA, v5;
	v10 =	vsel vm0, $0x0, v10  }
0xe0: {  	vm0 =	vlt.s32 v5, $0x2;
	v55 =	vmul.f32 $8.999999760e-01, v10  }
0xe1: {  	v13 =	vld [tilespmem:s21+$0x60];
	v12 =	vnsel vm0, $0x0, v12  }
0xe2: {  	v11 =	vadd.f32 v12, v55  }
0xe3: {  	v5 =	vadd.s32 $0xFFFFFFFF, v5;
	vm0 =	vgt.f32 v10, $1.000000000e+00  }
0xe4: {  	v5 =	vsel vm0, $0xA, v5;
	v11 =	vsel vm0, $0x0, v11  }
0xe5: {  	vm0 =	vlt.s32 v5, $0x2;
	v56 =	vmul.f32 $8.999999760e-01, v11  }
0xe6: {  	v14 =	vld [tilespmem:s21+$0x70];
	v13 =	vnsel vm0, $0x0, v13  }
0xe7: {  	v12 =	vadd.f32 v13, v56  }
0xe8: {  	[tilespmem:s21+$0x8100] =	vst v6;
	v5 =	vadd.s32 $0xFFFFFFFF, v5;
	vm0 =	vgt.f32 v11, $1.000000000e+00  }
0xe9: {  	[tilespmem:s21+$0x8110] =	vst v7;
	v5 =	vsel vm0, $0xA, v5;
	v6 =	vsel vm0, $0x0, v12  }
0xea: {  	[tilespmem:s21+$0x8120] =	vst v8;
	vm0 =	vlt.s32 v5, $0x2;
	v7 =	vmul.f32 $8.999999760e-01, v6  }
0xeb: {  	[tilespmem:s21+$0x8130] =	vst v9;
	v8 =	vnsel vm0, $0x0, v14  }
0xec: {  	[tilespmem:s21+$0x8140] =	vst v10;
	v7 =	vadd.f32 v8, v7  }
0xed: {  	[tilespmem:s21+$0x8150] =	vst v11;
	vm0 =	vgt.f32 v6, $1.000000000e+00  }
0xee: {  	[tilespmem:s21+$0x8160] =	vst v6;
	v6 =	vsel vm0, $0x0, v7  }
0xef: {  	s31 =	simm.s32 $0x0;
	[tilespmem:s21+$0x8170] =	vst v6  }
0xf0: {  	[tilespmem:s31], [sflag:$0x1] =	stream.linear.gather [hbm4b:s6+s31], $0x4000, $0x38;
	[tilespmem:$0x1B100] =	vst v63  }
0xf1: {  	_ =	swait.ge [sflag:s13], $0x4000  }
0xf2: {  	[sflag:s13] =	ssyncset.done $0x0  }
0xf3: {  	[sflag:s13] =	ssyncadd.s32 $0xFFFFC000  }
0xf4: {  	v7 =	vld [tilespmem:$0x4080];
	_ =	sdelay $0x1  }
0xf5: {  	v5 =	vadd.s32 $0xFFFFFFFF, v5  }
0xf6: {  	v5 =	vsel vm0, $0xA, v5  }
0xf7: {  	s20 =	simm.s32 $0x0;
	vm0 =	vlt.s32 v5, $0x2;
	v8 =	vmul.f32 $8.999999760e-01, v6  }
0xf8: {  	v57 =	vld [tilespmem:s20+$0x4090];
	v7 =	vnsel vm0, $0x0, v7  }
0xf9: {  	v7 =	vadd.f32 v7, v8  }
0xfa: {  	v5 =	vadd.s32 $0xFFFFFFFF, v5;
	vm0 =	vgt.f32 v6, $1.000000000e+00  }
0xfb: {  	v5 =	vsel vm0, $0xA, v5;
	v6 =	vsel vm0, $0x0, v7  }
0xfc: {  	vm0 =	vlt.s32 v5, $0x2;
	v7 =	vmul.f32 $8.999999760e-01, v6  }
0xfd: {  	v8 =	vld [tilespmem:s20+$0x40A0];
	v9 =	vnsel vm0, $0x0, v57  }
0xfe: {  	v7 =	vadd.f32 v9, v7  }
0xff: {  	v5 =	vadd.s32 $0xFFFFFFFF, v5;
	vm0 =	vgt.f32 v6, $1.000000000e+00  }
0x100: {  	[tilespmem:s20+$0xC100] =	vst v6;
	v5 =	vsel vm0, $0xA, v5;
	v6 =	vsel vm0, $0x0, v7  }
0x101: {  	vm0 =	vlt.s32 v5, $0x2;
	v7 =	vmul.f32 $8.999999760e-01, v6  }
0x102: {  	v58 =	vld [tilespmem:s20+$0x40B0];
	v8 =	vnsel vm0, $0x0, v8  }
0x103: {  	v7 =	vadd.f32 v7, v8  }
0x104: {  	v5 =	vadd.s32 $0xFFFFFFFF, v5;
	vm0 =	vgt.f32 v6, $1.000000000e+00  }
0x105: {  	[tilespmem:s20+$0xC110] =	vst v6;
	v5 =	vsel vm0, $0xA, v5;
	v6 =	vsel vm0, $0x0, v7  }
0x106: {  	vm0 =	vlt.s32 v5, $0x2;
	v7 =	vmul.f32 $8.999999760e-01, v6  }
0x107: {  	v59 =	vld [tilespmem:s20+$0x40C0];
	v8 =	vnsel vm0, $0x0, v58  }
0x108: {  	v7 =	vadd.f32 v8, v7  }
0x109: {  	v5 =	vadd.s32 $0xFFFFFFFF, v5;
	vm0 =	vgt.f32 v6, $1.000000000e+00  }
0x10a: {  	[tilespmem:s20+$0xC120] =	vst v6;
	v5 =	vsel vm0, $0xA, v5;
	v6 =	vsel vm0, $0x0, v7  }
0x10b: {  	vm0 =	vlt.s32 v5, $0x2;
	v7 =	vmul.f32 $8.999999760e-01, v6  }
0x10c: {  	v60 =	vld [tilespmem:s20+$0x40D0];
	v8 =	vnsel vm0, $0x0, v59  }
0x10d: {  	v7 =	vadd.f32 v8, v7  }
0x10e: {  	v5 =	vadd.s32 $0xFFFFFFFF, v5;
	vm0 =	vgt.f32 v6, $1.000000000e+00  }
0x10f: {  	[tilespmem:s20+$0xC130] =	vst v6;
	v5 =	vsel vm0, $0xA, v5;
	v6 =	vsel vm0, $0x0, v7  }
0x110: {  	vm0 =	vlt.s32 v5, $0x2;
	v7 =	vmul.f32 $8.999999760e-01, v6  }
0x111: {  	v61 =	vld [tilespmem:s20+$0x40E0];
	v8 =	vnsel vm0, $0x0, v60  }
0x112: {  	v7 =	vadd.f32 v8, v7  }
0x113: {  	v5 =	vadd.s32 $0xFFFFFFFF, v5;
	vm0 =	vgt.f32 v6, $1.000000000e+00  }
0x114: {  	[tilespmem:s20+$0xC140] =	vst v6;
	v5 =	vsel vm0, $0xA, v5;
	v6 =	vsel vm0, $0x0, v7  }
0x115: {  	vm0 =	vlt.s32 v5, $0x2;
	v7 =	vmul.f32 $8.999999760e-01, v6  }
0x116: {  	v62 =	vld [tilespmem:s20+$0x40F0];
	v8 =	vnsel vm0, $0x0, v61  }
0x117: {  	v5 =	vadd.s32 $0xFFFFFFFF, v5;
	vm0 =	vgt.f32 v6, $1.000000000e+00;
	v7 =	vadd.f32 v8, v7  }
0x118: {  	[tilespmem:s20+$0xC150] =	vst v6;
	v6 =	vld [tilespmem:s20+$0x4100];
	v5 =	vsel vm0, $0xA, v5  }
0x119: {  	v8 =	vadd.s32 $0xFFFFFFFF, v5;
	v7 =	vsel vm0, $0x0, v7  }
0x11a: {  	vm1 =	vlt.s32 v5, $0x2;
	vm0 =	vgt.f32 v7, $1.000000000e+00;
	v63 =	vmul.f32 $8.999999760e-01, v7  }
0x11b: {  	v5 =	vsel vm0, $0xA, v8;
	v8 =	vnsel vm1, $0x0, v62  }
0x11c: {  	[tilespmem:s20+$0xC160] =	vst v7;
	vm1 =	vlt.s32 v5, $0x2;
	v7 =	vadd.f32 v8, v63  }
0x11d: {  	s22 =	simm.s32 $0x400;
	s21 =	simm.s32 $0x200;
	v6 =	vnsel vm1, $0x0, v6  }
.LBB2_5:
0x11e: {  	p2 =	sne.s32 s22, $0xFE00;
	v7 =	vsel vm0, $0x0, v7;
	s23 =	smov.u32 s22;
	s22 =	sadd.s32 $0x200, s22  }
0x11f: {  	v8 =	vmul.f32 $8.999999760e-01, v7;
	[tilespmem:s20+$0xC170] =	vst v7;
	s20 =	sshra.s32 s21, $0x2;
	s21 =	smov.u32 s23  }
0x120: {  	v9 =	vld [tilespmem:s20+$0x4090]  }
0x121: {  	v6 =	vadd.f32 v6, v8  }
0x122: {  	v5 =	vadd.s32 $0xFFFFFFFF, v5;
	vm0 =	vgt.f32 v7, $1.000000000e+00  }
0x123: {  	v5 =	vsel vm0, $0xA, v5;
	v6 =	vsel vm0, $0x0, v6  }
0x124: {  	vm0 =	vlt.s32 v5, $0x2;
	[tilespmem:s20+$0xC100] =	vst v6;
	v7 =	vmul.f32 $8.999999760e-01, v6;
	v8 =	vld [tilespmem:s20+$0x40A0]  }
0x125: {  	v9 =	vnsel vm0, $0x0, v9  }
0x126: {  	v5 =	vadd.s32 $0xFFFFFFFF, v5;
	vm0 =	vgt.f32 v6, $1.000000000e+00;
	v6 =	vadd.f32 v9, v7  }
0x127: {  	v5 =	vsel vm0, $0xA, v5  }
0x128: {  	v6 =	vsel vm0, $0x0, v6;
	vm0 =	vlt.s32 v5, $0x2;
	v5 =	vadd.s32 $0xFFFFFFFF, v5  }
0x129: {  	[tilespmem:s20+$0xC110] =	vst v6;
	v7 =	vnsel vm0, $0x0, v8;
	v8 =	vmul.f32 $8.999999760e-01, v6;
	v9 =	vld [tilespmem:s20+$0x40B0];
	_ =	sdelay $0x1  }
0x12a: {  	vm0 =	vgt.f32 v6, $1.000000000e+00;
	v6 =	vadd.f32 v8, v7  }
0x12b: {  	v5 =	vsel vm0, $0xA, v5  }
0x12c: {  	v6 =	vsel vm0, $0x0, v6;
	vm0 =	vlt.s32 v5, $0x2  }
0x12d: {  	[tilespmem:s20+$0xC120] =	vst v6;
	v7 =	vnsel vm0, $0x0, v9;
	v8 =	vmul.f32 $8.999999760e-01, v6;
	v9 =	vld [tilespmem:s20+$0x40C0];
	_ =	sdelay $0x1  }
0x12e: {  	v5 =	vadd.s32 $0xFFFFFFFF, v5;
	vm0 =	vgt.f32 v6, $1.000000000e+00;
	v6 =	vadd.f32 v7, v8  }
0x12f: {  	v5 =	vsel vm0, $0xA, v5  }
0x130: {  	v6 =	vsel vm0, $0x0, v6;
	vm0 =	vlt.s32 v5, $0x2  }
0x131: {  	[tilespmem:s20+$0xC130] =	vst v6;
	v7 =	vnsel vm0, $0x0, v9;
	v8 =	vmul.f32 $8.999999760e-01, v6;
	v9 =	vld [tilespmem:s20+$0x40D0];
	_ =	sdelay $0x1  }
0x132: {  	v5 =	vadd.s32 $0xFFFFFFFF, v5;
	vm0 =	vgt.f32 v6, $1.000000000e+00;
	v6 =	vadd.f32 v7, v8  }
0x133: {  	v5 =	vsel vm0, $0xA, v5  }
0x134: {  	v6 =	vsel vm0, $0x0, v6;
	vm0 =	vlt.s32 v5, $0x2  }
0x135: {  	[tilespmem:s20+$0xC140] =	vst v6;
	v7 =	vnsel vm0, $0x0, v9;
	v8 =	vmul.f32 $8.999999760e-01, v6;
	v9 =	vld [tilespmem:s20+$0x40E0];
	_ =	sdelay $0x1  }
0x136: {  	v5 =	vadd.s32 $0xFFFFFFFF, v5;
	vm0 =	vgt.f32 v6, $1.000000000e+00;
	v6 =	vadd.f32 v7, v8  }
0x137: {  	v5 =	vsel vm0, $0xA, v5  }
0x138: {  	v6 =	vsel vm0, $0x0, v6;
	vm0 =	vlt.s32 v5, $0x2  }
0x139: {  	[tilespmem:s20+$0xC150] =	vst v6;
	v7 =	vnsel vm0, $0x0, v9;
	v8 =	vmul.f32 $8.999999760e-01, v6;
	v9 =	vld [tilespmem:s20+$0x40F0];
	_ =	sdelay $0x1  }
0x13a: {  	v5 =	vadd.s32 $0xFFFFFFFF, v5;
	vm0 =	vgt.f32 v6, $1.000000000e+00;
	v6 =	vadd.f32 v7, v8  }
0x13b: {  	v5 =	vsel vm0, $0xA, v5;
	v8 =	vld [tilespmem:s20+$0x4100]  }
.Ltmp4:
0x13c: {  	v6 =	vsel vm0, $0x0, v6;
	vm0 =	vlt.s32 v5, $0x2;
	v5 =	vadd.s32 $0xFFFFFFFF, v5;
	(pc) =	sbr.rel @p2 .LBB2_5-.Ltmp4, $4  }
0x13d: {  	[tilespmem:s20+$0xC160] =	vst v6;
	v7 =	vnsel vm0, $0x0, v9;
	vm0 =	vgt.f32 v6, $1.000000000e+00;
	v6 =	vmul.f32 $8.999999760e-01, v6  }
0x13e: {  	v5 =	vsel vm0, $0xA, v5  }
0x13f: {  	v7 =	vadd.f32 v7, v6;
	vm1 =	vlt.s32 v5, $0x2  }
0x140: {  	v6 =	vnsel vm1, $0x0, v8  }
0x141: {  	v7 =	vsel vm0, $0x0, v7  }
0x142: {  	s21 =	sshra.s32 s21, $0x2;
	v8 =	vmul.f32 $8.999999760e-01, v7;
	[tilespmem:s20+$0xC170] =	vst v7  }
0x143: {  	v9 =	vld [tilespmem:s21+$0x4090]  }
0x144: {  	v6 =	vadd.f32 v6, v8  }
0x145: {  	v5 =	vadd.s32 $0xFFFFFFFF, v5;
	vm0 =	vgt.f32 v7, $1.000000000e+00  }
0x146: {  	v5 =	vsel vm0, $0xA, v5;
	v6 =	vsel vm0, $0x0, v6  }
0x147: {  	vm0 =	vlt.s32 v5, $0x2;
	v7 =	vmul.f32 $8.999999760e-01, v6  }
0x148: {  	v8 =	vld [tilespmem:s21+$0x40A0];
	v9 =	vnsel vm0, $0x0, v9  }
0x149: {  	v7 =	vadd.f32 v9, v7  }
0x14a: {  	v5 =	vadd.s32 $0xFFFFFFFF, v5;
	vm0 =	vgt.f32 v6, $1.000000000e+00  }
0x14b: {  	v5 =	vsel vm0, $0xA, v5;
	v7 =	vsel vm0, $0x0, v7  }
0x14c: {  	vm0 =	vlt.s32 v5, $0x2;
	v52 =	vmul.f32 $8.999999760e-01, v7  }
0x14d: {  	v10 =	vld [tilespmem:s21+$0x40B0];
	v8 =	vnsel vm0, $0x0, v8  }
0x14e: {  	v8 =	vadd.f32 v52, v8  }
0x14f: {  	v5 =	vadd.s32 $0xFFFFFFFF, v5;
	vm0 =	vgt.f32 v7, $1.000000000e+00  }
0x150: {  	v5 =	vsel vm0, $0xA, v5;
	v8 =	vsel vm0, $0x0, v8  }
0x151: {  	vm0 =	vlt.s32 v5, $0x2;
	v53 =	vmul.f32 $8.999999760e-01, v8  }
0x152: {  	v11 =	vld [tilespmem:s21+$0x40C0];
	v10 =	vnsel vm0, $0x0, v10  }
0x153: {  	v9 =	vadd.f32 v10, v53  }
0x154: {  	v5 =	vadd.s32 $0xFFFFFFFF, v5;
	vm0 =	vgt.f32 v8, $1.000000000e+00  }
0x155: {  	v5 =	vsel vm0, $0xA, v5;
	v9 =	vsel vm0, $0x0, v9  }
0x156: {  	vm0 =	vlt.s32 v5, $0x2;
	v54 =	vmul.f32 $8.999999760e-01, v9  }
0x157: {  	v12 =	vld [tilespmem:s21+$0x40D0];
	v11 =	vnsel vm0, $0x0, v11  }
0x158: {  	v10 =	vadd.f32 v11, v54  }
0x159: {  	v5 =	vadd.s32 $0xFFFFFFFF, v5;
	vm0 =	vgt.f32 v9, $1.000000000e+00  }
0x15a: {  	v5 =	vsel vm0, $0xA, v5;
	v10 =	vsel vm0, $0x0, v10  }
0x15b: {  	vm0 =	vlt.s32 v5, $0x2;
	v55 =	vmul.f32 $8.999999760e-01, v10  }
0x15c: {  	v13 =	vld [tilespmem:s21+$0x40E0];
	v12 =	vnsel vm0, $0x0, v12  }
0x15d: {  	v11 =	vadd.f32 v12, v55  }
0x15e: {  	v5 =	vadd.s32 $0xFFFFFFFF, v5;
	vm0 =	vgt.f32 v10, $1.000000000e+00  }
0x15f: {  	v5 =	vsel vm0, $0xA, v5;
	v11 =	vsel vm0, $0x0, v11  }
0x160: {  	vm0 =	vlt.s32 v5, $0x2;
	v56 =	vmul.f32 $8.999999760e-01, v11  }
0x161: {  	v14 =	vld [tilespmem:s21+$0x40F0];
	v13 =	vnsel vm0, $0x0, v13  }
0x162: {  	v12 =	vadd.f32 v13, v56  }
0x163: {  	[tilespmem:s21+$0xC100] =	vst v6;
	v5 =	vadd.s32 $0xFFFFFFFF, v5;
	vm0 =	vgt.f32 v11, $1.000000000e+00  }
0x164: {  	[tilespmem:s21+$0xC110] =	vst v7;
	v5 =	vsel vm0, $0xA, v5;
	v6 =	vsel vm0, $0x0, v12  }
0x165: {  	[tilespmem:s21+$0xC120] =	vst v8;
	vm0 =	vlt.s32 v5, $0x2;
	v7 =	vmul.f32 $8.999999760e-01, v6  }
0x166: {  	[tilespmem:s21+$0xC130] =	vst v9;
	v8 =	vnsel vm0, $0x0, v14  }
0x167: {  	[tilespmem:s21+$0xC140] =	vst v10;
	v7 =	vadd.f32 v8, v7  }
0x168: {  	[tilespmem:s21+$0xC150] =	vst v11;
	vm0 =	vgt.f32 v6, $1.000000000e+00  }
0x169: {  	[tilespmem:s21+$0xC160] =	vst v6;
	v6 =	vsel vm0, $0x0, v7  }
0x16a: {  	s31 =	simm.s32 $0x0;
	[tilespmem:s21+$0xC170] =	vst v6  }
0x16b: {  	[tilespmem:s11], [sflag:$0x2] =	stream.linear.gather [hbm4b:s7+s31], $0x4000, $0x38;
	[tilespmem:$0x1B100] =	vst v63  }
0x16c: {  	_ =	swait.ge [sflag:s12], $0x4000  }
0x16d: {  	[sflag:s12] =	ssyncset.done $0x0  }
0x16e: {  	[sflag:s12] =	ssyncadd.s32 $0xFFFFC000  }
0x16f: {  	v7 =	vld [tilespmem:$0x0];
	_ =	sdelay $0x1  }
0x170: {  	v5 =	vadd.s32 $0xFFFFFFFF, v5  }
0x171: {  	v5 =	vsel vm0, $0xA, v5  }
0x172: {  	s20 =	simm.s32 $0x0;
	vm0 =	vlt.s32 v5, $0x2;
	v8 =	vmul.f32 $8.999999760e-01, v6  }
0x173: {  	v57 =	vld [tilespmem:s20+$0x10];
	v7 =	vnsel vm0, $0x0, v7  }
0x174: {  	v7 =	vadd.f32 v7, v8  }
0x175: {  	v5 =	vadd.s32 $0xFFFFFFFF, v5;
	vm0 =	vgt.f32 v6, $1.000000000e+00  }
0x176: {  	v5 =	vsel vm0, $0xA, v5;
	v6 =	vsel vm0, $0x0, v7  }
0x177: {  	vm0 =	vlt.s32 v5, $0x2;
	v7 =	vmul.f32 $8.999999760e-01, v6  }
0x178: {  	v8 =	vld [tilespmem:s20+$0x20];
	v9 =	vnsel vm0, $0x0, v57  }
0x179: {  	v7 =	vadd.f32 v9, v7  }
0x17a: {  	v5 =	vadd.s32 $0xFFFFFFFF, v5;
	vm0 =	vgt.f32 v6, $1.000000000e+00  }
0x17b: {  	[tilespmem:s20+$0x10100] =	vst v6;
	v5 =	vsel vm0, $0xA, v5;
	v6 =	vsel vm0, $0x0, v7  }
0x17c: {  	vm0 =	vlt.s32 v5, $0x2;
	v7 =	vmul.f32 $8.999999760e-01, v6  }
0x17d: {  	v58 =	vld [tilespmem:s20+$0x30];
	v8 =	vnsel vm0, $0x0, v8  }
0x17e: {  	v7 =	vadd.f32 v7, v8  }
0x17f: {  	v5 =	vadd.s32 $0xFFFFFFFF, v5;
	vm0 =	vgt.f32 v6, $1.000000000e+00  }
0x180: {  	[tilespmem:s20+$0x10110] =	vst v6;
	v5 =	vsel vm0, $0xA, v5;
	v6 =	vsel vm0, $0x0, v7  }
0x181: {  	vm0 =	vlt.s32 v5, $0x2;
	v7 =	vmul.f32 $8.999999760e-01, v6  }
0x182: {  	v59 =	vld [tilespmem:s20+$0x40];
	v8 =	vnsel vm0, $0x0, v58  }
0x183: {  	v7 =	vadd.f32 v8, v7  }
0x184: {  	v5 =	vadd.s32 $0xFFFFFFFF, v5;
	vm0 =	vgt.f32 v6, $1.000000000e+00  }
0x185: {  	[tilespmem:s20+$0x10120] =	vst v6;
	v5 =	vsel vm0, $0xA, v5;
	v6 =	vsel vm0, $0x0, v7  }
0x186: {  	vm0 =	vlt.s32 v5, $0x2;
	v7 =	vmul.f32 $8.999999760e-01, v6  }
0x187: {  	v60 =	vld [tilespmem:s20+$0x50];
	v8 =	vnsel vm0, $0x0, v59  }
0x188: {  	v7 =	vadd.f32 v8, v7  }
0x189: {  	v5 =	vadd.s32 $0xFFFFFFFF, v5;
	vm0 =	vgt.f32 v6, $1.000000000e+00  }
0x18a: {  	[tilespmem:s20+$0x10130] =	vst v6;
	v5 =	vsel vm0, $0xA, v5;
	v6 =	vsel vm0, $0x0, v7  }
0x18b: {  	vm0 =	vlt.s32 v5, $0x2;
	v7 =	vmul.f32 $8.999999760e-01, v6  }
0x18c: {  	v61 =	vld [tilespmem:s20+$0x60];
	v8 =	vnsel vm0, $0x0, v60  }
0x18d: {  	v7 =	vadd.f32 v8, v7  }
0x18e: {  	v5 =	vadd.s32 $0xFFFFFFFF, v5;
	vm0 =	vgt.f32 v6, $1.000000000e+00  }
0x18f: {  	[tilespmem:s20+$0x10140] =	vst v6;
	v5 =	vsel vm0, $0xA, v5;
	v6 =	vsel vm0, $0x0, v7  }
0x190: {  	vm0 =	vlt.s32 v5, $0x2;
	v7 =	vmul.f32 $8.999999760e-01, v6  }
0x191: {  	v62 =	vld [tilespmem:s20+$0x70];
	v8 =	vnsel vm0, $0x0, v61  }
0x192: {  	v5 =	vadd.s32 $0xFFFFFFFF, v5;
	vm0 =	vgt.f32 v6, $1.000000000e+00;
	v7 =	vadd.f32 v8, v7  }
0x193: {  	[tilespmem:s20+$0x10150] =	vst v6;
	v6 =	vld [tilespmem:s20+$0x80];
	v5 =	vsel vm0, $0xA, v5  }
0x194: {  	v8 =	vadd.s32 $0xFFFFFFFF, v5;
	v7 =	vsel vm0, $0x0, v7  }
0x195: {  	vm1 =	vlt.s32 v5, $0x2;
	vm0 =	vgt.f32 v7, $1.000000000e+00;
	v63 =	vmul.f32 $8.999999760e-01, v7  }
0x196: {  	v5 =	vsel vm0, $0xA, v8;
	v8 =	vnsel vm1, $0x0, v62  }
0x197: {  	[tilespmem:s20+$0x10160] =	vst v7;
	vm1 =	vlt.s32 v5, $0x2;
	v7 =	vadd.f32 v8, v63  }
0x198: {  	s22 =	simm.s32 $0x400;
	s21 =	simm.s32 $0x200;
	v6 =	vnsel vm1, $0x0, v6  }
.LBB2_7:
0x199: {  	p2 =	sne.s32 s22, $0xFE00;
	v7 =	vsel vm0, $0x0, v7;
	s23 =	smov.u32 s22;
	s22 =	sadd.s32 $0x200, s22  }
0x19a: {  	v8 =	vmul.f32 $8.999999760e-01, v7;
	[tilespmem:s20+$0x10170] =	vst v7;
	s20 =	sshra.s32 s21, $0x2;
	s21 =	smov.u32 s23  }
0x19b: {  	v9 =	vld [tilespmem:s20+$0x10]  }
0x19c: {  	v6 =	vadd.f32 v6, v8  }
0x19d: {  	v5 =	vadd.s32 $0xFFFFFFFF, v5;
	vm0 =	vgt.f32 v7, $1.000000000e+00  }
0x19e: {  	v5 =	vsel vm0, $0xA, v5;
	v6 =	vsel vm0, $0x0, v6  }
0x19f: {  	vm0 =	vlt.s32 v5, $0x2;
	[tilespmem:s20+$0x10100] =	vst v6;
	v7 =	vmul.f32 $8.999999760e-01, v6;
	v8 =	vld [tilespmem:s20+$0x20]  }
0x1a0: {  	v9 =	vnsel vm0, $0x0, v9  }
0x1a1: {  	v5 =	vadd.s32 $0xFFFFFFFF, v5;
	vm0 =	vgt.f32 v6, $1.000000000e+00;
	v6 =	vadd.f32 v9, v7  }
0x1a2: {  	v5 =	vsel vm0, $0xA, v5  }
0x1a3: {  	v6 =	vsel vm0, $0x0, v6;
	vm0 =	vlt.s32 v5, $0x2;
	v5 =	vadd.s32 $0xFFFFFFFF, v5  }
0x1a4: {  	[tilespmem:s20+$0x10110] =	vst v6;
	v7 =	vnsel vm0, $0x0, v8;
	v8 =	vmul.f32 $8.999999760e-01, v6;
	v9 =	vld [tilespmem:s20+$0x30];
	_ =	sdelay $0x1  }
0x1a5: {  	vm0 =	vgt.f32 v6, $1.000000000e+00;
	v6 =	vadd.f32 v8, v7  }
0x1a6: {  	v5 =	vsel vm0, $0xA, v5  }
0x1a7: {  	v6 =	vsel vm0, $0x0, v6;
	vm0 =	vlt.s32 v5, $0x2  }
0x1a8: {  	[tilespmem:s20+$0x10120] =	vst v6;
	v7 =	vnsel vm0, $0x0, v9;
	v8 =	vmul.f32 $8.999999760e-01, v6;
	v9 =	vld [tilespmem:s20+$0x40];
	_ =	sdelay $0x1  }
0x1a9: {  	v5 =	vadd.s32 $0xFFFFFFFF, v5;
	vm0 =	vgt.f32 v6, $1.000000000e+00;
	v6 =	vadd.f32 v7, v8  }
0x1aa: {  	v5 =	vsel vm0, $0xA, v5  }
0x1ab: {  	v6 =	vsel vm0, $0x0, v6;
	vm0 =	vlt.s32 v5, $0x2  }
0x1ac: {  	[tilespmem:s20+$0x10130] =	vst v6;
	v7 =	vnsel vm0, $0x0, v9;
	v8 =	vmul.f32 $8.999999760e-01, v6;
	v9 =	vld [tilespmem:s20+$0x50];
	_ =	sdelay $0x1  }
0x1ad: {  	v5 =	vadd.s32 $0xFFFFFFFF, v5;
	vm0 =	vgt.f32 v6, $1.000000000e+00;
	v6 =	vadd.f32 v7, v8  }
0x1ae: {  	v5 =	vsel vm0, $0xA, v5  }
0x1af: {  	v6 =	vsel vm0, $0x0, v6;
	vm0 =	vlt.s32 v5, $0x2  }
0x1b0: {  	[tilespmem:s20+$0x10140] =	vst v6;
	v7 =	vnsel vm0, $0x0, v9;
	v8 =	vmul.f32 $8.999999760e-01, v6;
	v9 =	vld [tilespmem:s20+$0x60];
	_ =	sdelay $0x1  }
0x1b1: {  	v5 =	vadd.s32 $0xFFFFFFFF, v5;
	vm0 =	vgt.f32 v6, $1.000000000e+00;
	v6 =	vadd.f32 v7, v8  }
0x1b2: {  	v5 =	vsel vm0, $0xA, v5  }
0x1b3: {  	v6 =	vsel vm0, $0x0, v6;
	vm0 =	vlt.s32 v5, $0x2  }
0x1b4: {  	[tilespmem:s20+$0x10150] =	vst v6;
	v7 =	vnsel vm0, $0x0, v9;
	v8 =	vmul.f32 $8.999999760e-01, v6;
	v9 =	vld [tilespmem:s20+$0x70];
	_ =	sdelay $0x1  }
0x1b5: {  	v5 =	vadd.s32 $0xFFFFFFFF, v5;
	vm0 =	vgt.f32 v6, $1.000000000e+00;
	v6 =	vadd.f32 v7, v8  }
0x1b6: {  	v5 =	vsel vm0, $0xA, v5;
	v8 =	vld [tilespmem:s20+$0x80]  }
.Ltmp5:
0x1b7: {  	v6 =	vsel vm0, $0x0, v6;
	vm0 =	vlt.s32 v5, $0x2;
	v5 =	vadd.s32 $0xFFFFFFFF, v5;
	(pc) =	sbr.rel @p2 .LBB2_7-.Ltmp5, $4  }
0x1b8: {  	[tilespmem:s20+$0x10160] =	vst v6;
	v7 =	vnsel vm0, $0x0, v9;
	vm0 =	vgt.f32 v6, $1.000000000e+00;
	v6 =	vmul.f32 $8.999999760e-01, v6  }
0x1b9: {  	v5 =	vsel vm0, $0xA, v5  }
0x1ba: {  	v7 =	vadd.f32 v7, v6;
	vm1 =	vlt.s32 v5, $0x2  }
0x1bb: {  	v6 =	vnsel vm1, $0x0, v8  }
0x1bc: {  	v7 =	vsel vm0, $0x0, v7  }
0x1bd: {  	s21 =	sshra.s32 s21, $0x2;
	v8 =	vmul.f32 $8.999999760e-01, v7;
	[tilespmem:s20+$0x10170] =	vst v7  }
0x1be: {  	v9 =	vld [tilespmem:s21+$0x10]  }
0x1bf: {  	v6 =	vadd.f32 v6, v8  }
0x1c0: {  	v5 =	vadd.s32 $0xFFFFFFFF, v5;
	vm0 =	vgt.f32 v7, $1.000000000e+00  }
0x1c1: {  	v5 =	vsel vm0, $0xA, v5;
	v6 =	vsel vm0, $0x0, v6  }
0x1c2: {  	vm0 =	vlt.s32 v5, $0x2;
	v7 =	vmul.f32 $8.999999760e-01, v6  }
0x1c3: {  	v8 =	vld [tilespmem:s21+$0x20];
	v9 =	vnsel vm0, $0x0, v9  }
0x1c4: {  	v7 =	vadd.f32 v9, v7  }
0x1c5: {  	v5 =	vadd.s32 $0xFFFFFFFF, v5;
	vm0 =	vgt.f32 v6, $1.000000000e+00  }
0x1c6: {  	v5 =	vsel vm0, $0xA, v5;
	v7 =	vsel vm0, $0x0, v7  }
0x1c7: {  	vm0 =	vlt.s32 v5, $0x2;
	v52 =	vmul.f32 $8.999999760e-01, v7  }
0x1c8: {  	v10 =	vld [tilespmem:s21+$0x30];
	v8 =	vnsel vm0, $0x0, v8  }
0x1c9: {  	v8 =	vadd.f32 v52, v8  }
0x1ca: {  	v5 =	vadd.s32 $0xFFFFFFFF, v5;
	vm0 =	vgt.f32 v7, $1.000000000e+00  }
0x1cb: {  	v5 =	vsel vm0, $0xA, v5;
	v8 =	vsel vm0, $0x0, v8  }
0x1cc: {  	vm0 =	vlt.s32 v5, $0x2;
	v53 =	vmul.f32 $8.999999760e-01, v8  }
0x1cd: {  	v11 =	vld [tilespmem:s21+$0x40];
	v10 =	vnsel vm0, $0x0, v10  }
0x1ce: {  	v9 =	vadd.f32 v10, v53  }
0x1cf: {  	v5 =	vadd.s32 $0xFFFFFFFF, v5;
	vm0 =	vgt.f32 v8, $1.000000000e+00  }
0x1d0: {  	v5 =	vsel vm0, $0xA, v5;
	v9 =	vsel vm0, $0x0, v9  }
0x1d1: {  	vm0 =	vlt.s32 v5, $0x2;
	v54 =	vmul.f32 $8.999999760e-01, v9  }
0x1d2: {  	v12 =	vld [tilespmem:s21+$0x50];
	v11 =	vnsel vm0, $0x0, v11  }
0x1d3: {  	v10 =	vadd.f32 v11, v54  }
0x1d4: {  	v5 =	vadd.s32 $0xFFFFFFFF, v5;
	vm0 =	vgt.f32 v9, $1.000000000e+00  }
0x1d5: {  	v5 =	vsel vm0, $0xA, v5;
	v10 =	vsel vm0, $0x0, v10  }
0x1d6: {  	vm0 =	vlt.s32 v5, $0x2;
	v55 =	vmul.f32 $8.999999760e-01, v10  }
0x1d7: {  	v13 =	vld [tilespmem:s21+$0x60];
	v12 =	vnsel vm0, $0x0, v12  }
0x1d8: {  	v11 =	vadd.f32 v12, v55  }
0x1d9: {  	v5 =	vadd.s32 $0xFFFFFFFF, v5;
	vm0 =	vgt.f32 v10, $1.000000000e+00  }
0x1da: {  	v5 =	vsel vm0, $0xA, v5;
	v11 =	vsel vm0, $0x0, v11  }
0x1db: {  	vm0 =	vlt.s32 v5, $0x2;
	v56 =	vmul.f32 $8.999999760e-01, v11  }
0x1dc: {  	v14 =	vld [tilespmem:s21+$0x70];
	v13 =	vnsel vm0, $0x0, v13  }
0x1dd: {  	v12 =	vadd.f32 v13, v56  }
0x1de: {  	[tilespmem:s21+$0x10100] =	vst v6;
	v5 =	vadd.s32 $0xFFFFFFFF, v5;
	vm0 =	vgt.f32 v11, $1.000000000e+00  }
0x1df: {  	[tilespmem:s21+$0x10110] =	vst v7;
	v5 =	vsel vm0, $0xA, v5;
	v6 =	vsel vm0, $0x0, v12  }
0x1e0: {  	[tilespmem:s21+$0x10120] =	vst v8;
	vm0 =	vlt.s32 v5, $0x2;
	v7 =	vmul.f32 $8.999999760e-01, v6  }
0x1e1: {  	[tilespmem:s21+$0x10130] =	vst v9;
	v8 =	vnsel vm0, $0x0, v14  }
0x1e2: {  	[tilespmem:s21+$0x10140] =	vst v10;
	v7 =	vadd.f32 v8, v7  }
0x1e3: {  	[tilespmem:s21+$0x10150] =	vst v11;
	vm0 =	vgt.f32 v6, $1.000000000e+00  }
0x1e4: {  	[tilespmem:s21+$0x10160] =	vst v6;
	v6 =	vsel vm0, $0x0, v7  }
0x1e5: {  	[tilespmem:s21+$0x10170] =	vst v6  }
0x1e6: {  	_ =	swait.ge [sflag:s13], $0x4000  }
0x1e7: {  	[sflag:s13] =	ssyncset.done $0x0  }
0x1e8: {  	[sflag:s13] =	ssyncadd.s32 $0xFFFFC000  }
0x1e9: {  	v7 =	vld [tilespmem:$0x4080];
	_ =	sdelay $0x1  }
0x1ea: {  	v5 =	vadd.s32 $0xFFFFFFFF, v5  }
0x1eb: {  	v5 =	vsel vm0, $0xA, v5  }
0x1ec: {  	s20 =	simm.s32 $0x0;
	vm0 =	vlt.s32 v5, $0x2;
	v8 =	vmul.f32 $8.999999760e-01, v6  }
0x1ed: {  	v57 =	vld [tilespmem:s20+$0x4090];
	v7 =	vnsel vm0, $0x0, v7  }
0x1ee: {  	v7 =	vadd.f32 v7, v8  }
0x1ef: {  	v5 =	vadd.s32 $0xFFFFFFFF, v5;
	vm0 =	vgt.f32 v6, $1.000000000e+00  }
0x1f0: {  	v5 =	vsel vm0, $0xA, v5;
	v6 =	vsel vm0, $0x0, v7  }
0x1f1: {  	vm0 =	vlt.s32 v5, $0x2;
	v7 =	vmul.f32 $8.999999760e-01, v6  }
0x1f2: {  	v8 =	vld [tilespmem:s20+$0x40A0];
	v9 =	vnsel vm0, $0x0, v57  }
0x1f3: {  	v7 =	vadd.f32 v9, v7  }
0x1f4: {  	v5 =	vadd.s32 $0xFFFFFFFF, v5;
	vm0 =	vgt.f32 v6, $1.000000000e+00  }
0x1f5: {  	[tilespmem:s20+$0x14100] =	vst v6;
	v5 =	vsel vm0, $0xA, v5;
	v6 =	vsel vm0, $0x0, v7  }
0x1f6: {  	vm0 =	vlt.s32 v5, $0x2;
	v7 =	vmul.f32 $8.999999760e-01, v6  }
0x1f7: {  	v58 =	vld [tilespmem:s20+$0x40B0];
	v8 =	vnsel vm0, $0x0, v8  }
0x1f8: {  	v7 =	vadd.f32 v7, v8  }
0x1f9: {  	v5 =	vadd.s32 $0xFFFFFFFF, v5;
	vm0 =	vgt.f32 v6, $1.000000000e+00  }
0x1fa: {  	[tilespmem:s20+$0x14110] =	vst v6;
	v5 =	vsel vm0, $0xA, v5;
	v6 =	vsel vm0, $0x0, v7  }
0x1fb: {  	vm0 =	vlt.s32 v5, $0x2;
	v7 =	vmul.f32 $8.999999760e-01, v6  }
0x1fc: {  	v59 =	vld [tilespmem:s20+$0x40C0];
	v8 =	vnsel vm0, $0x0, v58  }
0x1fd: {  	v7 =	vadd.f32 v8, v7  }
0x1fe: {  	v5 =	vadd.s32 $0xFFFFFFFF, v5;
	vm0 =	vgt.f32 v6, $1.000000000e+00  }
0x1ff: {  	[tilespmem:s20+$0x14120] =	vst v6;
	v5 =	vsel vm0, $0xA, v5;
	v6 =	vsel vm0, $0x0, v7  }
0x200: {  	vm0 =	vlt.s32 v5, $0x2;
	v7 =	vmul.f32 $8.999999760e-01, v6  }
0x201: {  	v60 =	vld [tilespmem:s20+$0x40D0];
	v8 =	vnsel vm0, $0x0, v59  }
0x202: {  	v7 =	vadd.f32 v8, v7  }
0x203: {  	v5 =	vadd.s32 $0xFFFFFFFF, v5;
	vm0 =	vgt.f32 v6, $1.000000000e+00  }
0x204: {  	[tilespmem:s20+$0x14130] =	vst v6;
	v5 =	vsel vm0, $0xA, v5;
	v6 =	vsel vm0, $0x0, v7  }
0x205: {  	vm0 =	vlt.s32 v5, $0x2;
	v7 =	vmul.f32 $8.999999760e-01, v6  }
0x206: {  	v61 =	vld [tilespmem:s20+$0x40E0];
	v8 =	vnsel vm0, $0x0, v60  }
0x207: {  	v7 =	vadd.f32 v8, v7  }
0x208: {  	v5 =	vadd.s32 $0xFFFFFFFF, v5;
	vm0 =	vgt.f32 v6, $1.000000000e+00  }
0x209: {  	[tilespmem:s20+$0x14140] =	vst v6;
	v5 =	vsel vm0, $0xA, v5;
	v6 =	vsel vm0, $0x0, v7  }
0x20a: {  	vm0 =	vlt.s32 v5, $0x2;
	v7 =	vmul.f32 $8.999999760e-01, v6  }
0x20b: {  	v62 =	vld [tilespmem:s20+$0x40F0];
	v8 =	vnsel vm0, $0x0, v61  }
0x20c: {  	v5 =	vadd.s32 $0xFFFFFFFF, v5;
	vm0 =	vgt.f32 v6, $1.000000000e+00;
	v7 =	vadd.f32 v8, v7  }
0x20d: {  	[tilespmem:s20+$0x14150] =	vst v6;
	v6 =	vld [tilespmem:s20+$0x4100];
	v5 =	vsel vm0, $0xA, v5  }
0x20e: {  	v8 =	vadd.s32 $0xFFFFFFFF, v5;
	v7 =	vsel vm0, $0x0, v7  }
0x20f: {  	vm1 =	vlt.s32 v5, $0x2;
	vm0 =	vgt.f32 v7, $1.000000000e+00;
	v63 =	vmul.f32 $8.999999760e-01, v7  }
0x210: {  	v5 =	vsel vm0, $0xA, v8;
	v8 =	vnsel vm1, $0x0, v62  }
0x211: {  	[tilespmem:s20+$0x14160] =	vst v7;
	vm1 =	vlt.s32 v5, $0x2;
	v7 =	vadd.f32 v8, v63  }
0x212: {  	s22 =	simm.s32 $0x400;
	s21 =	simm.s32 $0x200;
	v6 =	vnsel vm1, $0x0, v6  }
.LBB2_9:
0x213: {  	p2 =	sne.s32 s22, $0xFE00;
	v7 =	vsel vm0, $0x0, v7;
	s23 =	smov.u32 s22;
	s22 =	sadd.s32 $0x200, s22  }
0x214: {  	v8 =	vmul.f32 $8.999999760e-01, v7;
	[tilespmem:s20+$0x14170] =	vst v7;
	s20 =	sshra.s32 s21, $0x2;
	s21 =	smov.u32 s23  }
0x215: {  	v9 =	vld [tilespmem:s20+$0x4090]  }
0x216: {  	v6 =	vadd.f32 v6, v8  }
0x217: {  	v5 =	vadd.s32 $0xFFFFFFFF, v5;
	vm0 =	vgt.f32 v7, $1.000000000e+00  }
0x218: {  	v5 =	vsel vm0, $0xA, v5;
	v6 =	vsel vm0, $0x0, v6  }
0x219: {  	vm0 =	vlt.s32 v5, $0x2;
	[tilespmem:s20+$0x14100] =	vst v6;
	v7 =	vmul.f32 $8.999999760e-01, v6;
	v8 =	vld [tilespmem:s20+$0x40A0]  }
0x21a: {  	v9 =	vnsel vm0, $0x0, v9  }
0x21b: {  	v5 =	vadd.s32 $0xFFFFFFFF, v5;
	vm0 =	vgt.f32 v6, $1.000000000e+00;
	v6 =	vadd.f32 v9, v7  }
0x21c: {  	v5 =	vsel vm0, $0xA, v5  }
0x21d: {  	v6 =	vsel vm0, $0x0, v6;
	vm0 =	vlt.s32 v5, $0x2;
	v5 =	vadd.s32 $0xFFFFFFFF, v5  }
0x21e: {  	[tilespmem:s20+$0x14110] =	vst v6;
	v7 =	vnsel vm0, $0x0, v8;
	v8 =	vmul.f32 $8.999999760e-01, v6;
	v9 =	vld [tilespmem:s20+$0x40B0];
	_ =	sdelay $0x1  }
0x21f: {  	vm0 =	vgt.f32 v6, $1.000000000e+00;
	v6 =	vadd.f32 v8, v7  }
0x220: {  	v5 =	vsel vm0, $0xA, v5  }
0x221: {  	v6 =	vsel vm0, $0x0, v6;
	vm0 =	vlt.s32 v5, $0x2  }
0x222: {  	[tilespmem:s20+$0x14120] =	vst v6;
	v7 =	vnsel vm0, $0x0, v9;
	v8 =	vmul.f32 $8.999999760e-01, v6;
	v9 =	vld [tilespmem:s20+$0x40C0];
	_ =	sdelay $0x1  }
0x223: {  	v5 =	vadd.s32 $0xFFFFFFFF, v5;
	vm0 =	vgt.f32 v6, $1.000000000e+00;
	v6 =	vadd.f32 v7, v8  }
0x224: {  	v5 =	vsel vm0, $0xA, v5  }
0x225: {  	v6 =	vsel vm0, $0x0, v6;
	vm0 =	vlt.s32 v5, $0x2  }
0x226: {  	[tilespmem:s20+$0x14130] =	vst v6;
	v7 =	vnsel vm0, $0x0, v9;
	v8 =	vmul.f32 $8.999999760e-01, v6;
	v9 =	vld [tilespmem:s20+$0x40D0];
	_ =	sdelay $0x1  }
0x227: {  	v5 =	vadd.s32 $0xFFFFFFFF, v5;
	vm0 =	vgt.f32 v6, $1.000000000e+00;
	v6 =	vadd.f32 v7, v8  }
0x228: {  	v5 =	vsel vm0, $0xA, v5  }
0x229: {  	v6 =	vsel vm0, $0x0, v6;
	vm0 =	vlt.s32 v5, $0x2  }
0x22a: {  	[tilespmem:s20+$0x14140] =	vst v6;
	v7 =	vnsel vm0, $0x0, v9;
	v8 =	vmul.f32 $8.999999760e-01, v6;
	v9 =	vld [tilespmem:s20+$0x40E0];
	_ =	sdelay $0x1  }
0x22b: {  	v5 =	vadd.s32 $0xFFFFFFFF, v5;
	vm0 =	vgt.f32 v6, $1.000000000e+00;
	v6 =	vadd.f32 v7, v8  }
0x22c: {  	v5 =	vsel vm0, $0xA, v5  }
0x22d: {  	v6 =	vsel vm0, $0x0, v6;
	vm0 =	vlt.s32 v5, $0x2  }
0x22e: {  	[tilespmem:s20+$0x14150] =	vst v6;
	v7 =	vnsel vm0, $0x0, v9;
	v8 =	vmul.f32 $8.999999760e-01, v6;
	v9 =	vld [tilespmem:s20+$0x40F0];
	_ =	sdelay $0x1  }
0x22f: {  	v5 =	vadd.s32 $0xFFFFFFFF, v5;
	vm0 =	vgt.f32 v6, $1.000000000e+00;
	v6 =	vadd.f32 v7, v8  }
0x230: {  	v5 =	vsel vm0, $0xA, v5;
	v8 =	vld [tilespmem:s20+$0x4100]  }
.Ltmp6:
0x231: {  	v6 =	vsel vm0, $0x0, v6;
	vm0 =	vlt.s32 v5, $0x2;
	v5 =	vadd.s32 $0xFFFFFFFF, v5;
	(pc) =	sbr.rel @p2 .LBB2_9-.Ltmp6, $4  }
0x232: {  	[tilespmem:s20+$0x14160] =	vst v6;
	v7 =	vnsel vm0, $0x0, v9;
	vm0 =	vgt.f32 v6, $1.000000000e+00;
	v6 =	vmul.f32 $8.999999760e-01, v6  }
0x233: {  	v5 =	vsel vm0, $0xA, v5  }
0x234: {  	v7 =	vadd.f32 v7, v6;
	vm1 =	vlt.s32 v5, $0x2  }
0x235: {  	v6 =	vnsel vm1, $0x0, v8  }
0x236: {  	v7 =	vsel vm0, $0x0, v7  }
0x237: {  	s21 =	sshra.s32 s21, $0x2;
	v8 =	vmul.f32 $8.999999760e-01, v7;
	[tilespmem:s20+$0x14170] =	vst v7  }
0x238: {  	v9 =	vld [tilespmem:s21+$0x4090]  }
0x239: {  	v6 =	vadd.f32 v6, v8  }
0x23a: {  	v5 =	vadd.s32 $0xFFFFFFFF, v5;
	vm0 =	vgt.f32 v7, $1.000000000e+00  }
0x23b: {  	v5 =	vsel vm0, $0xA, v5;
	v6 =	vsel vm0, $0x0, v6  }
0x23c: {  	vm0 =	vlt.s32 v5, $0x2;
	v7 =	vmul.f32 $8.999999760e-01, v6  }
0x23d: {  	v58 =	vld [tilespmem:s21+$0x40A0];
	v9 =	vnsel vm0, $0x0, v9  }
0x23e: {  	v7 =	vadd.f32 v9, v7  }
0x23f: {  	v5 =	vadd.s32 $0xFFFFFFFF, v5;
	vm15 =	vgt.f32 v6, $1.000000000e+00  }
0x240: {  	v5 =	vsel vm15, $0xA, v5;
	v7 =	vsel vm15, $0x0, v7  }
0x241: {  	vm4 =	vlt.s32 v5, $0x2;
	v59 =	vmul.f32 $8.999999760e-01, v7  }
0x242: {  	v10 =	vld [tilespmem:s21+$0x40B0];
	v8 =	vnsel vm4, $0x0, v58  }
0x243: {  	v8 =	vadd.f32 v59, v8  }
0x244: {  	v5 =	vadd.s32 $0xFFFFFFFF, v5;
	vm5 =	vgt.f32 v7, $1.000000000e+00  }
0x245: {  	v5 =	vsel vm5, $0xA, v5;
	v8 =	vsel vm5, $0x0, v8  }
0x246: {  	vm6 =	vlt.s32 v5, $0x2;
	v60 =	vmul.f32 $8.999999760e-01, v8  }
0x247: {  	v11 =	vld [tilespmem:s21+$0x40C0];
	v10 =	vnsel vm6, $0x0, v10  }
0x248: {  	v9 =	vadd.f32 v10, v60  }
0x249: {  	v5 =	vadd.s32 $0xFFFFFFFF, v5;
	vm7 =	vgt.f32 v8, $1.000000000e+00  }
0x24a: {  	v5 =	vsel vm7, $0xA, v5;
	v9 =	vsel vm7, $0x0, v9  }
0x24b: {  	vm8 =	vlt.s32 v5, $0x2;
	v61 =	vmul.f32 $8.999999760e-01, v9  }
0x24c: {  	v12 =	vld [tilespmem:s21+$0x40D0];
	v11 =	vnsel vm8, $0x0, v11  }
0x24d: {  	v10 =	vadd.f32 v11, v61  }
0x24e: {  	v5 =	vadd.s32 $0xFFFFFFFF, v5;
	vm9 =	vgt.f32 v9, $1.000000000e+00  }
0x24f: {  	v5 =	vsel vm9, $0xA, v5;
	v10 =	vsel vm9, $0x0, v10  }
0x250: {  	vm10 =	vlt.s32 v5, $0x2;
	v62 =	vmul.f32 $8.999999760e-01, v10  }
0x251: {  	v13 =	vld [tilespmem:s21+$0x40E0];
	v12 =	vnsel vm10, $0x0, v12  }
0x252: {  	v11 =	vadd.f32 v12, v62  }
0x253: {  	v5 =	vadd.s32 $0xFFFFFFFF, v5;
	vm11 =	vgt.f32 v10, $1.000000000e+00  }
0x254: {  	v5 =	vsel vm11, $0xA, v5;
	v11 =	vsel vm11, $0x0, v11  }
0x255: {  	vm12 =	vlt.s32 v5, $0x2;
	v63 =	vmul.f32 $8.999999760e-01, v11  }
0x256: {  	v14 =	vld [tilespmem:s21+$0x40F0];
	v13 =	vnsel vm12, $0x0, v13  }
0x257: {  	v12 =	vadd.f32 v13, v63  }
0x258: {  	[tilespmem:s21+$0x14100] =	vst v6;
	v5 =	vadd.s32 $0xFFFFFFFF, v5;
	vm13 =	vgt.f32 v11, $1.000000000e+00  }
0x259: {  	[tilespmem:s21+$0x14110] =	vst v7;
	v5 =	vsel vm13, $0xA, v5;
	v6 =	vsel vm13, $0x0, v12  }
0x25a: {  	[tilespmem:s21+$0x14120] =	vst v8;
	vm14 =	vlt.s32 v5, $0x2;
	v5 =	vmul.f32 $8.999999760e-01, v6  }
0x25b: {  	[tilespmem:s21+$0x14130] =	vst v9;
	v7 =	vnsel vm14, $0x0, v14  }
0x25c: {  	[tilespmem:s21+$0x14140] =	vst v10;
	v5 =	vadd.f32 v7, v5  }
0x25d: {  	[tilespmem:s21+$0x14150] =	vst v11;
	vm15 =	vgt.f32 v6, $1.000000000e+00  }
0x25e: {  	[tilespmem:s21+$0x14160] =	vst v6;
	v5 =	vsel vm15, $0x0, v5  }
0x25f: {  	[tilespmem:s21+$0x14170] =	vst v5  }
0x260: {  	[spmem:s2] =	stream.linear.scatter [tilespmem:s14], [sflag:$0x3], $0x10000, $0x38;
	[tilespmem:$0x1B100] =	vst v63  }
0x261: {  	_ =	swait.ge [sflag:s15], $0x10000  }
0x262: {  	[sflag:s15] =	ssyncset.done $0x0  }
0x263: {  	[sflag:s15] =	ssyncadd.s32 $0xFFFF0000  }
.LBB2_11:
.Ltmp7:
0x264: {  	(pc) =	sbr.rel @p1 .LBB2_15-.Ltmp7, $1  }
0x265: {  	_ =	sdelay $0x3  }
0x266: {  	[bflag:$0x0] =	sbarrier.arrive $0xFFFF  }
0x267: {  	[tilespmem:s16], [sflag:$0x3] =	stream.linear.gather [spmem:s8], $0x1000, $0x38;
	[tilespmem:$0x1B100] =	vst v63  }
0x268: {  	_ =	swait.ge [sflag:s15], $0x1000  }
0x269: {  	[sflag:s15] =	ssyncset.done $0x0  }
0x26a: {  	s20 =	simm.s32 $0x0;
	[sflag:s15] =	ssyncadd.s32 $0xFFFFF000  }
0x26b: {  	v5 =	vld [tilespmem:s20+$0x19130]  }
0x26c: {  	v6 =	vld [tilespmem:s20+$0x19120]  }
0x26d: {  	v7 =	vld [tilespmem:s20+$0x19110];
	_ =	sdelay $0x3  }
0x26e: {  	v8 =	vperm.xlane v6, v1  }
0x26f: {  	v10 =	vperm.xlane v5, v1;
	v11 =	vperm.xlane v7, v1  }
0x270: {  	s21 =	simm.s32 $0x40;
	v9 =	vld [tilespmem:s20+$0x19100];
	v8 =	vmax.f32 v6, v8  }
0x271: {  	v19 =	vld [tilespmem:s21+$0x19100];
	v10 =	vmax.f32 v5, v10;
	v11 =	vmax.f32 v7, v11;
	v12 =	vperm.xlane v8, v2  }
0x272: {  	v13 =	vperm.xlane v10, v2;
	v14 =	vperm.xlane v11, v2  }
0x273: {  	vm0 =	vgt.f32 v5, $1.000000000e+00;
	v8 =	vmax.f32 v8, v12  }
0x274: {  	v10 =	vmax.f32 v10, v13;
	v11 =	vmax.f32 v11, v14;
	v12 =	vperm.xlane v8, v3  }
0x275: {  	vm1 =	vgt.f32 v6, $1.000000000e+00;
	v13 =	vperm.xlane v11, v3;
	v14 =	vperm.xlane v10, v3  }
0x276: {  	v15 =	vperm.xlane v9, v1;
	v20 =	vperm.xlane v19, v1;
	v8 =	vmax.f32 v8, v12  }
0x277: {  	v11 =	vmax.f32 v11, v13;
	v10 =	vmax.f32 v10, v14;
	v12 =	vperm.xlane v8, v4  }
0x278: {  	v15 =	vmax.f32 v9, v15;
	v14 =	vperm.xlane v11, v4;
	v16 =	vperm.xlane v10, v4  }
0x279: {  	v13 =	vsel vm0, $0x3F800000, v0;
	vm0 =	vgt.f32 v7, $1.000000000e+00;
	v8 =	vmax.f32 v8, v12;
	v12 =	vld [tilespmem:s21+$0x19120]  }
0x27a: {  	v11 =	vmax.f32 v11, v14;
	vm2 =	vgt.f32 v8, $1.000000000e+00;
	v8 =	vmax.f32 v10, v16;
	v10 =	vld [tilespmem:s21+$0x19110]  }
0x27b: {  	vm3 =	vgt.f32 v11, $1.000000000e+00;
	v11 =	vld [tilespmem:s21+$0x19130];
	vm4 =	vgt.f32 v8, $1.000000000e+00;
	v8 =	vperm.xlane v15, v2  }
0x27c: {  	v20 =	vmax.f32 v19, v20;
	v14 =	vsel vm0, $0x3F800000, v0;
	v16 =	vsel vm1, $0x3F800000, v0  }
0x27d: {  	vm0 =	vgt.f32 v9, $1.000000000e+00;
	v6 =	vsel vm2, v16, v6;
	v8 =	vmax.f32 v15, v8  }
0x27e: {  	v5 =	vsel vm4, v13, v5;
	v6 =	vmul.f32 $1.442695020e+00, v6;
	v13 =	vperm.xlane v8, v3  }
0x27f: {  	v7 =	vsel vm3, v14, v7;
	v14 =	vperm.xlane v12, v1;
	v15 =	vperm.xlane v10, v1  }
0x280: {  	v5 =	vmul.f32 $1.442695020e+00, v5;
	v8 =	vmax.f32 v8, v13;
	v13 =	vperm.xlane v11, v1  }
0x281: {  	(erf) = vpow2.f32 v6;
	v6 =	vmax.f32 v12, v14;
	v14 =	vmax.f32 v10, v15  }
0x282: {  	v15 =	vperm.xlane v6, v2;
	v13 =	vmax.f32 v11, v13;
	v16 =	vperm.xlane v14, v2  }
0x283: {  	v17 =	vsel vm0, $0x3F800000, v0;
	(erf) = vpow2.f32 v5;
	v5 =	vperm.xlane v13, v2  }
0x284: {  	v7 =	vmul.f32 $1.442695020e+00, v7;
	v6 =	vmax.f32 v6, v15;
	v14 =	vmax.f32 v14, v16  }
0x285: {  	v5 =	vmax.f32 v13, v5;
	v13 =	vperm.xlane v6, v3;
	v15 =	vperm.xlane v14, v3  }
0x286: {  	vm1 =	vgt.f32 v12, $1.000000000e+00;
	vm0 =	vgt.f32 v11, $1.000000000e+00;
	v16 =	vperm.xlane v5, v3  }
0x287: {  	v18 =	vsel vm0, $0x3F800000, v0;
	v6 =	vmax.f32 v6, v13;
	v13 =	vmax.f32 v14, v15  }
0x288: {  	v14 =	vperm.xlane v6, v4;
	v15 =	vperm.xlane v13, v4;
	v5 =	vmax.f32 v5, v16  }
0x289: {  	vm0 =	vgt.f32 v10, $1.000000000e+00;
	(erf) = vpow2.f32 v7;
	v21 =	vperm.xlane v5, v4  }
0x28a: {  	v6 =	vmax.f32 v6, v14;
	v13 =	vmax.f32 v13, v15;
	v14 =	vperm.xlane v20, v2  }
0x28b: {  	v16 =	vpop (erf);
	v15 =	vsel vm0, $0x3F800000, v0;
	vm2 =	vgt.f32 v6, $1.000000000e+00;
	v7 =	vmax.f32 v5, v21  }
0x28c: {  	v6 =	vperm.xlane v16, v1;
	v5 =	vpop (erf);
	vm3 =	vgt.f32 v13, $1.000000000e+00;
	vm13 =	vgt.f32 v7, $1.000000000e+00  }
0x28d: {  	v7 =	vsel vm1, $0x3F800000, v0;
	v13 =	vperm.xlane v5, v1;
	v10 =	vsel vm3, v15, v10  }
0x28e: {  	s22 =	simm.s32 $0x80;
	v11 =	vsel vm13, v18, v11;
	v7 =	vsel vm2, v7, v12;
	v6 =	vadd.f32 v16, v6  }
0x28f: {  	v15 =	vld [tilespmem:s22+$0x19130];
	v12 =	vmul.f32 $1.442695020e+00, v11;
	v11 =	vadd.f32 v5, v13;
	v13 =	vmax.f32 v20, v14  }
0x290: {  	v14 =	vld [tilespmem:s22+$0x19120];
	v7 =	vmul.f32 $1.442695020e+00, v7;
	v18 =	vperm.xlane v13, v3  }
0x291: {  	vm0 =	vgt.f32 v19, $1.000000000e+00;
	v10 =	vmul.f32 $1.442695020e+00, v10;
	v20 =	vld [tilespmem:s22+$0x19110];
	v21 =	vperm.xlane v6, v2  }
0x292: {  	v22 =	vperm.xlane v11, v2;
	(erf) = vpow2.f32 v7;
	v13 =	vmax.f32 v13, v18  }
0x293: {  	v18 =	vperm.xlane v8, v4;
	v7 =	vadd.f32 v6, v21;
	v21 =	vsel vm0, $0x3F800000, v0  }
0x294: {  	vm1 =	vgt.f32 v15, $1.000000000e+00;
	v25 =	vperm.xlane v15, v1;
	(erf) = vpow2.f32 v12  }
0x295: {  	v6 =	vpop (erf);
	v22 =	vadd.f32 v11, v22;
	(erf) = vpow2.f32 v10;
	v23 =	vperm.xlane v14, v1  }
0x296: {  	v8 =	vmax.f32 v8, v18;
	v18 =	vperm.xlane v6, v1;
	v11 =	vperm.xlane v20, v1  }
0x297: {  	v24 =	vperm.xlane v7, v3;
	v25 =	vmax.f32 v15, v25;
	v23 =	vmax.f32 v14, v23  }
0x298: {  	vm0 =	vgt.f32 v8, $1.000000000e+00;
	v26 =	vmax.f32 v20, v11;
	v8 =	vperm.xlane v23, v2  }
0x299: {  	vm2 =	vgt.f32 v14, $1.000000000e+00;
	v27 =	vperm.xlane v25, v2;
	v11 =	vld [tilespmem:s22+$0x19100];
	v12 =	vperm.xlane v26, v2  }
0x29a: {  	v28 =	vperm.xlane v22, v3;
	v24 =	vadd.f32 v7, v24;
	v8 =	vmax.f32 v23, v8  }
0x29b: {  	v9 =	vsel vm0, v17, v9;
	v12 =	vmax.f32 v26, v12;
	v26 =	vperm.xlane v8, v3  }
0x29c: {  	v25 =	vmax.f32 v25, v27;
	v9 =	vmul.f32 $1.442695020e+00, v9;
	v27 =	vperm.xlane v12, v3  }
0x29d: {  	v23 =	vsel vm1, $0x3F800000, v0;
	v8 =	vmax.f32 v8, v26;
	v26 =	vperm.xlane v25, v3  }
0x29e: {  	v29 =	vperm.xlane v11, v1;
	v12 =	vmax.f32 v12, v27;
	v27 =	vperm.xlane v8, v4  }
0x29f: {  	vm1 =	vgt.f32 v20, $1.000000000e+00;
	v30 =	vperm.xlane v12, v4;
	v25 =	vmax.f32 v25, v26  }
0x2a0: {  	v7 =	vpop (erf);
	v26 =	vmax.f32 v11, v29;
	v29 =	vperm.xlane v24, v4;
	v8 =	vmax.f32 v8, v27  }
0x2a1: {  	v27 =	vperm.xlane v25, v4;
	v12 =	vmax.f32 v12, v30;
	v30 =	vperm.xlane v7, v1  }
0x2a2: {  	vm3 =	vgt.f32 v8, $1.000000000e+00;
	vm14 =	vgt.f32 v12, $1.000000000e+00;
	v24 =	vadd.f32 v24, v29  }
0x2a3: {  	v12 =	vmax.f32 v25, v27;
	v25 =	vsel vm1, $0x3F800000, v0;
	v27 =	vsel vm2, $0x3F800000, v0  }
0x2a4: {  	vm1 =	vgt.f32 v12, $1.000000000e+00;
	v12 =	vsel vm3, v27, v14;
	v14 =	vperm.xlane v26, v2  }
0x2a5: {  	v8 =	vpop (erf);
	v20 =	vsel vm14, v25, v20;
	v25 =	vadd.f32 v7, v30;
	(erf) = vrcp.f32 v24  }
0x2a6: {  	s23 =	simm.s32 $0xC0;
	v24 =	vadd.f32 v6, v18;
	v31 =	vperm.xlane v8, v1;
	v10 =	vsel vm1, v23, v15  }
0x2a7: {  	v29 =	vld [tilespmem:s23+$0x19110];
	v15 =	vadd.f32 v22, v28;
	v12 =	vmul.f32 $1.442695020e+00, v12;
	v20 =	vmul.f32 $1.442695020e+00, v20  }
0x2a8: {  	v27 =	vld [tilespmem:s23+$0x19130];
	v10 =	vmul.f32 $1.442695020e+00, v10;
	v14 =	vmax.f32 v26, v14;
	v18 =	vperm.xlane v25, v2  }
0x2a9: {  	v28 =	vld [tilespmem:s23+$0x19120];
	v23 =	vadd.f32 v8, v31;
	v17 =	vperm.xlane v15, v4;
	(erf) = vpow2.f32 v12  }
0x2aa: {  	vm0 =	vgt.f32 v11, $1.000000000e+00;
	v26 =	vperm.xlane v14, v3;
	(erf) = vpow2.f32 v9  }
0x2ab: {  	v25 =	vadd.f32 v25, v18;
	v22 =	vperm.xlane v23, v2;
	v12 =	vadd.f32 v15, v17  }
0x2ac: {  	v9 =	vpop (erf);
	v17 =	vperm.xlane v13, v4;
	v15 =	vmax.f32 v14, v26;
	v14 =	vsel vm0, $0x3F800000, v0  }
0x2ad: {  	v18 =	vperm.xlane v9, v1;
	vm2 =	vgt.f32 v27, $1.000000000e+00;
	v26 =	vperm.xlane v29, v1  }
0x2ae: {  	vm0 =	vgt.f32 v28, $1.000000000e+00;
	v30 =	vsel vm2, $0x3F800000, v0;
	vm2 =	vgt.f32 v29, $1.000000000e+00  }
0x2af: {  	v13 =	vmax.f32 v13, v17;
	(erf) = vrcp.f32 v12;
	v12 =	vperm.xlane v25, v3  }
0x2b0: {  	v23 =	vadd.f32 v23, v22;
	v17 =	vperm.xlane v27, v1;
	v22 =	vperm.xlane v28, v1  }
0x2b1: {  	v26 =	vmax.f32 v29, v26;
	v61 =	vsel vm0, $0x3F800000, v0;
	vm1 =	vgt.f32 v13, $1.000000000e+00  }
0x2b2: {  	(erf) = vpow2.f32 v10;
	v22 =	vmax.f32 v28, v22;
	v17 =	vmax.f32 v27, v17  }
0x2b3: {  	v32 =	vperm.xlane v23, v3;
	v33 =	vpop (erf);
	v35 =	vadd.f32 v25, v12;
	v31 =	vperm.xlane v22, v2  }
0x2b4: {  	v25 =	vperm.xlane v26, v2;
	v21 =	vsel vm1, v21, v19;
	v34 =	vperm.xlane v17, v2;
	v10 =	vpop (erf)  }
0x2b5: {  	v33 =	vmul.f32 v33, v16;
	v38 =	vperm.xlane v35, v4;
	v22 =	vmax.f32 v22, v31;
	v12 =	vpop (erf)  }
0x2b6: {  	v13 =	vld [tilespmem:s23+$0x19100];
	v25 =	vmax.f32 v26, v25;
	v26 =	vperm.xlane v22, v3;
	v59 =	vperm.xlane v12, v1  }
0x2b7: {  	v31 =	vperm.xlane v24, v2;
	v17 =	vmax.f32 v17, v34;
	v16 =	vperm.xlane v25, v3  }
0x2b8: {  	v22 =	vmax.f32 v22, v26;
	v26 =	vperm.xlane v17, v3;
	v34 =	vadd.f32 v12, v59  }
0x2b9: {  	v24 =	vadd.f32 v24, v31;
	v16 =	vmax.f32 v25, v16;
	v25 =	vperm.xlane v22, v4  }
0x2ba: {  	v37 =	vperm.xlane v16, v4;
	v17 =	vmax.f32 v17, v26;
	v31 =	vperm.xlane v34, v2  }
0x2bb: {  	v36 =	vperm.xlane v13, v1;
	v22 =	vmax.f32 v22, v25;
	v25 =	vperm.xlane v17, v4  }
0x2bc: {  	vm3 =	vgt.f32 v22, $1.000000000e+00;
	v26 =	vadd.f32 v34, v31;
	v31 =	vmax.f32 v16, v37  }
0x2bd: {  	v22 =	vmax.f32 v17, v25;
	v25 =	vperm.xlane v24, v3;
	vm15 =	vgt.f32 v31, $1.000000000e+00  }
0x2be: {  	v31 =	vsel vm2, $0x3F800000, v0;
	vm2 =	vgt.f32 v22, $1.000000000e+00;
	v22 =	vperm.xlane v26, v3  }
0x2bf: {  	v60 =	vperm.xlane v10, v1;
	vm0 =	vgt.f32 v13, $1.000000000e+00;
	v16 =	vpop (erf);
	v24 =	vadd.f32 v24, v25  }
0x2c0: {  	v36 =	vmax.f32 v13, v36;
	v28 =	vsel vm3, v61, v28;
	v17 =	vpop (erf);
	v26 =	vadd.f32 v26, v22  }
0x2c1: {  	v25 =	vperm.xlane v17, v1;
	v27 =	vsel vm2, v30, v27;
	v30 =	vperm.xlane v24, v4  }
0x2c2: {  	v22 =	vmul.f32 $1.442695020e+00, v27;
	v27 =	vadd.f32 v23, v32;
	v62 =	vperm.xlane v26, v4  }
0x2c3: {  	(erf) = vpow2.f32 v20;
	v23 =	vadd.f32 v17, v25;
	v20 =	vadd.f32 v24, v30  }
0x2c4: {  	v63 =	vperm.xlane v36, v2;
	v28 =	vmul.f32 $1.442695020e+00, v28;
	v24 =	vadd.f32 v26, v62  }
0x2c5: {  	v29 =	vsel vm15, v31, v29;
	v25 =	vperm.xlane v23, v2;
	(erf) = vrcp.f32 v20  }
0x2c6: {  	v30 =	vadd.f32 v35, v38;
	v26 =	vmax.f32 v36, v63;
	(erf) = vrcp.f32 v24  }
0x2c7: {  	s24 =	simm.s32 $0x400;
	[tilespmem:s20+$0x1A120] =	vst v33;
	v20 =	vmul.f32 $1.442695020e+00, v29;
	v29 =	vadd.f32 v10, v60;
	v24 =	vperm.xlane v27, v4  }
.LBB2_13:
0x2c8: {  	s25 =	sshra.s32 s24, $0x2;
	p2 =	sne.s32 s24, $0x3F00;
	s24 =	sadd.s32 $0x100, s24;
	v31 =	vperm.xlane v26, v3;
	v32 =	vmul.f32 $1.442695020e+00, v21;
	v33 =	vadd.f32 v9, v18;
	v19 =	vmovc v13;
	v21 =	vmovc v14  }
0x2c9: {  	v13 =	vperm.xlane v29, v2;
	v18 =	vadd.f32 v27, v24;
	v34 =	vld [tilespmem:s25+$0x19130];
	(erf) = vrcp.f32 v30  }
0x2ca: {  	v27 =	vld [tilespmem:s25+$0x19120];
	v26 =	vmax.f32 v26, v31;
	(erf) = vpow2.f32 v28;
	v28 =	vperm.xlane v15, v4  }
0x2cb: {  	v16 =	vmul.f32 v16, v5;
	v5 =	vmovc v8;
	v8 =	vmovc v17;
	v29 =	vadd.f32 v29, v13;
	v24 =	vld [tilespmem:s25+$0x19110];
	(erf) = vpow2.f32 v32  }
0x2cc: {  	v14 =	vsel vm0, $0x3F800000, v0;
	v13 =	vld [tilespmem:s25+$0x19100];
	v30 =	vmax.f32 v15, v28;
	v17 =	vpop (erf);
	(erf) = vrcp.f32 v18  }
0x2cd: {  	v23 =	vadd.f32 v23, v25;
	v28 =	vperm.xlane v29, v3;
	v18 =	vperm.xlane v17, v1;
	[tilespmem:s20+$0x1A130] =	vst v16  }
0x2ce: {  	vm1 =	vgt.f32 v30, $1.000000000e+00;
	vm2 =	vgt.f32 v34, $1.000000000e+00;
	v16 =	vperm.xlane v34, v1;
	v15 =	vpop (erf)  }
0x2cf: {  	vm0 =	vgt.f32 v27, $1.000000000e+00;
	v25 =	vperm.xlane v27, v1;
	v30 =	vmul.f32 v15, v6;
	v6 =	vpop (erf)  }
0x2d0: {  	v32 =	vsel vm2, $0x3F800000, v0;
	v15 =	vmovc v26;
	v31 =	vperm.xlane v24, v1;
	v12 =	vmul.f32 v6, v12;
	v6 =	vmovc v9  }
0x2d1: {  	v16 =	vmax.f32 v34, v16;
	v9 =	vmovc v17;
	v25 =	vmax.f32 v27, v25;
	(erf) = vpow2.f32 v22;
	[tilespmem:s20+$0x1A110] =	vst v30  }
0x2d2: {  	v26 =	vperm.xlane v23, v3;
	vm2 =	vgt.f32 v24, $1.000000000e+00;
	v17 =	vperm.xlane v25, v2;
	v22 =	vpop (erf);
	[tilespmem:s20+$0x1A100] =	vst v12;
	s20 =	smov.u32 s21;
	s21 =	smov.u32 s22;
	s22 =	smov.u32 s23  }
0x2d3: {  	v36 =	vadd.f32 v29, v28;
	v30 =	vmax.f32 v24, v31;
	v31 =	vperm.xlane v16, v2;
	s23 =	smov.u32 s25;
	v35 =	vpop (erf)  }
0x2d4: {  	v28 =	vperm.xlane v30, v2;
	v17 =	vmax.f32 v25, v17;
	v25 =	vperm.xlane v33, v2;
	v12 =	vpop (erf)  }
0x2d5: {  	v29 =	vperm.xlane v13, v1;
	v31 =	vmax.f32 v16, v31;
	v37 =	vperm.xlane v12, v1;
	v16 =	vpop (erf)  }
0x2d6: {  	v22 =	vmul.f32 v22, v7;
	v7 =	vmovc v10;
	v28 =	vmax.f32 v30, v28;
	v30 =	vperm.xlane v17, v3  }
0x2d7: {  	v29 =	vmax.f32 v13, v29;
	v10 =	vmovc v35;
	v38 =	vperm.xlane v28, v3;
	v37 =	vadd.f32 v12, v37  }
0x2d8: {  	v39 =	vperm.xlane v31, v3;
	v25 =	vadd.f32 v33, v25;
	v30 =	vmax.f32 v17, v30;
	[tilespmem:s20+$0x1A120] =	vst v22  }
0x2d9: {  	v22 =	vmax.f32 v28, v38;
	v28 =	vperm.xlane v30, v4;
	v33 =	vperm.xlane v37, v2  }
0x2da: {  	v31 =	vmax.f32 v31, v39;
	v38 =	vperm.xlane v36, v4;
	v35 =	vperm.xlane v22, v4;
	v17 =	vpop (erf)  }
0x2db: {  	v28 =	vmax.f32 v30, v28;
	v30 =	vperm.xlane v31, v4;
	v33 =	vadd.f32 v37, v33  }
0x2dc: {  	v22 =	vmax.f32 v22, v35;
	vm4 =	vgt.f32 v28, $1.000000000e+00;
	v35 =	vperm.xlane v10, v1  }
0x2dd: {  	v28 =	vperm.xlane v25, v3;
	vm3 =	vgt.f32 v22, $1.000000000e+00;
	v22 =	vmax.f32 v31, v30  }
0x2de: {  	v30 =	vsel vm2, $0x3F800000, v0;
	vm2 =	vgt.f32 v22, $1.000000000e+00;
	v22 =	vperm.xlane v33, v3  }
0x2df: {  	v37 =	vperm.xlane v17, v1;
	v31 =	vsel vm0, $0x3F800000, v0;
	v25 =	vadd.f32 v25, v28  }
0x2e0: {  	v28 =	vsel vm4, v31, v27;
	v27 =	vsel vm2, v32, v34;
	v31 =	vadd.f32 v33, v22  }
0x2e1: {  	v22 =	vmul.f32 $1.442695020e+00, v27;
	v27 =	vadd.f32 v23, v26;
	v26 =	vperm.xlane v25, v4  }
0x2e2: {  	v28 =	vmul.f32 $1.442695020e+00, v28;
	v23 =	vadd.f32 v17, v37;
	v32 =	vperm.xlane v31, v4  }
.Ltmp8:
0x2e3: {  	v33 =	vperm.xlane v29, v2;
	(erf) = vpow2.f32 v20;
	v20 =	vadd.f32 v25, v26;
	(pc) =	sbr.rel @p2 .LBB2_13-.Ltmp8, $4  }
0x2e4: {  	vm0 =	vgt.f32 v13, $1.000000000e+00;
	v25 =	vperm.xlane v23, v2;
	v31 =	vadd.f32 v31, v32  }
0x2e5: {  	v24 =	vsel vm3, v30, v24;
	v26 =	vmax.f32 v29, v33;
	(erf) = vrcp.f32 v20  }
0x2e6: {  	v29 =	vadd.f32 v10, v35;
	v20 =	vmul.f32 $1.442695020e+00, v24;
	(erf) = vrcp.f32 v31  }
0x2e7: {  	v21 =	vsel vm1, v21, v11;
	v11 =	vmovc v19;
	v30 =	vadd.f32 v36, v38;
	v24 =	vperm.xlane v27, v4  }
.Ltmp9:
0x2e8: {  	_ = 	snop;
	(pc) =	sbr.rel .LBB2_14-.Ltmp9, $1  }
0x2e9: {  	_ =	sdelay $0x3  }
.LBB2_16:
0x2ea: {  	_ =	sfence.sel $0x180000  }
0x2eb: {  	[bflag:$0x0] =	sbarrier.arrive $0xFFFF  }
0x2ec: {  	p0 =	sne.s32 s4, $0x0;
	_ =	strace $0x90000047  }
0x2ed: {  	s0 =	sadd.s32 @!p0 $0x100000, s0;
	[bflag:$0x2] =	sbarrier.arrive $0xFFFF  }
0x2ee: {  	[sflag:s0] =	ssyncadd.tile.s32 @!p0 $0x1;
	_ =	shalt  }
.Lfunc_end2:
_tile_overlayer_lowered:
.L_overlay_start_2:
0x2ef: {  	(tag) =	ssettag $0x2  }
0x2f0: {  	s0 =	rddreg [dreg:$0x0];
	s2 =	stileid.u32  }
0x2f1: {  	s1 =	rddreg [dreg:$0x1];
	p0 =	sne.s32 s2, $0x0  }
0x2f2: {  	s3 =	rddreg [dreg:$0x2];
	[bflag:$0x3] =	sbarrier.arrive $0xFFFF;
	s2 =	simm.s32 @!p0 $0x1C03  }
0x2f3: {  	[timem:s3], [sflag:s2] =	dma.local @!p0 [hbm:s0], s1  }
0x2f4: {  	s0 =	simm.s32 @!p0 $0x3  }
0x2f5: {  	_ =	swait.ge @!p0 [sflag:s0], s1  }
0x2f6: {  	s1 =	ssub.s32 @!p0 $0x0, s1;
	[sflag:s0] =	ssyncset.done @!p0 $0x0  }
0x2f7: {  	[sflag:s0] =	ssyncadd.s32 @!p0 s1  }
0x2f8: {  	[bflag:$0x3] =	sbarrier.arrive $0xFFFF  }
0x2f9: {  	_ =	shalt  }

</sc_bundles>
